<compile_context>
chip_gen: v7x
topology: tpu7x:2x2x1
jax: 0.10.2.dev20260603
libtpu: 0.0.44.dev20260713+nightly
codegen_flags: <defaults>
</compile_context>

<pallas_src>
import functools

import jax
import jax.numpy as jnp
from jax import lax
from jax.experimental import pallas as pl
from jax.experimental.pallas import tpu as pltpu
from jax.experimental.pallas import tpu_sc as plsc

N = 10000
E = 320000
D = 128
H = 128
O = 64
G = 64
C = 64

NC = 2
NS = 16
NW = NC * NS
EPW = E // NW
CHUNK = 80
NCHUNK = EPW // CHUNK
NP = 10240
RPS = NP // NS


def _make_deg():
    mesh = plsc.VectorSubcoreMesh(core_axis_name="c", subcore_axis_name="s")

    @functools.partial(
        pl.kernel,
        out_type=jax.ShapeDtypeStruct((NC, NP, H), jnp.float32),
        mesh=mesh,
        scratch_types=[
            pltpu.VMEM((EPW,), jnp.int32),
            pltpu.VMEM((CHUNK, H), jnp.float32),
            pltpu.VMEM((CHUNK, H), jnp.float32),
            pltpu.VMEM_SHARED((NP, H), jnp.float32),
            pltpu.SemaphoreType.DMA,
        ],
    )
    def deg_kernel(dst_hbm, out_hbm, dst_ids, buf, buf2, acc, semh):
        cid = lax.axis_index("c")
        sid = lax.axis_index("s")
        wid = cid * NS + sid
        base = sid * RPS
        nz = RPS // CHUNK

        def fill_z(i, carry):
            for c in range(H // 16):
                buf2[i, pl.ds(c * 16, 16)] = jnp.zeros((16,), jnp.float32)
            return carry

        lax.fori_loop(0, CHUNK, fill_z, 0)
        for k in range(nz):
            pltpu.async_copy(buf2, acc.at[pl.ds(base + k * CHUNK, CHUNK)],
                             semh)

        def fill_one(i, carry):
            for c in range(H // 16):
                buf[i, pl.ds(c * 16, 16)] = jnp.ones((16,), jnp.float32)
            return carry

        lax.fori_loop(0, CHUNK, fill_one, 0)
        pltpu.sync_copy(dst_hbm.at[pl.ds(wid * EPW, EPW)], dst_ids)
        for k in range(nz):
            pltpu.make_async_copy(buf2,
                                  acc.at[pl.ds(base + k * CHUNK, CHUNK)],
                                  semh).wait()
        plsc.subcore_barrier()

        def body(j, carry):
            pltpu.sync_copy(buf, acc.at[dst_ids.at[pl.ds(j * CHUNK, CHUNK)]],
                            add=True)
            return carry

        lax.fori_loop(0, NCHUNK, body, 0)
        plsc.subcore_barrier()

        bufs = (buf, buf2)
        for k in range(nz):
            b = bufs[k % 2]
            if k >= 2:
                pltpu.make_async_copy(
                    b, out_hbm.at[cid, pl.ds(base + (k - 2) * CHUNK, CHUNK)],
                    semh).wait()
            pltpu.sync_copy(acc.at[pl.ds(base + k * CHUNK, CHUNK)], b)
            pltpu.async_copy(b, out_hbm.at[cid, pl.ds(base + k * CHUNK, CHUNK)],
                             semh)
        for k in range(nz - 2, nz):
            pltpu.make_async_copy(
                bufs[k % 2], out_hbm.at[cid, pl.ds(base + k * CHUNK, CHUNK)],
                semh).wait()

    return deg_kernel


def _make_scatter():
    mesh = plsc.VectorSubcoreMesh(core_axis_name="c", subcore_axis_name="s")

    @functools.partial(
        pl.kernel,
        out_type=jax.ShapeDtypeStruct((NC, NP, H), jnp.float32),
        mesh=mesh,
        scratch_types=[
            pltpu.VMEM((EPW,), jnp.int32),
            pltpu.VMEM((EPW,), jnp.int32),
            pltpu.VMEM((CHUNK, H), jnp.float32),
            pltpu.VMEM((CHUNK, H), jnp.float32),
            pltpu.VMEM_SHARED((NP, H), jnp.float32),
            pltpu.SemaphoreType.DMA,
            pltpu.SemaphoreType.DMA,
            pltpu.SemaphoreType.DMA,
        ],
    )
    def scat_kernel(vals_hbm, src_hbm, dst_hbm, out_hbm,
                    src_ids, dst_ids, rows0, rows1, acc, sem0, sem1, semh):
        cid = lax.axis_index("c")
        sid = lax.axis_index("s")
        wid = cid * NS + sid

        def fill_z(i, carry):
            for c in range(H // 16):
                rows0[i, pl.ds(c * 16, 16)] = jnp.zeros((16,), jnp.float32)
            return carry

        lax.fori_loop(0, CHUNK, fill_z, 0)

        base = sid * RPS
        nz = RPS // CHUNK
        for k in range(nz):
            pltpu.async_copy(rows0, acc.at[pl.ds(base + k * CHUNK, CHUNK)],
                             semh)
        pltpu.sync_copy(src_hbm.at[pl.ds(wid * EPW, EPW)], src_ids)
        pltpu.sync_copy(dst_hbm.at[pl.ds(wid * EPW, EPW)], dst_ids)
        for k in range(nz):
            pltpu.make_async_copy(rows0,
                                  acc.at[pl.ds(base + k * CHUNK, CHUNK)],
                                  semh).wait()
        plsc.subcore_barrier()

        pltpu.async_copy(vals_hbm.at[src_ids.at[pl.ds(0, CHUNK)]], rows0, sem0)

        def body(i, carry):
            e0 = 2 * i * CHUNK
            e1 = e0 + CHUNK
            e2 = e1 + CHUNK
            pltpu.async_copy(vals_hbm.at[src_ids.at[pl.ds(e1, CHUNK)]],
                             rows1, sem1)
            pltpu.make_async_copy(vals_hbm.at[src_ids.at[pl.ds(e0, CHUNK)]],
                                  rows0, sem0).wait()
            pltpu.sync_copy(rows0, acc.at[dst_ids.at[pl.ds(e0, CHUNK)]],
                            add=True)
            pltpu.async_copy(vals_hbm.at[src_ids.at[pl.ds(e2, CHUNK)]],
                             rows0, sem0)
            pltpu.make_async_copy(vals_hbm.at[src_ids.at[pl.ds(e1, CHUNK)]],
                                  rows1, sem1).wait()
            pltpu.sync_copy(rows1, acc.at[dst_ids.at[pl.ds(e1, CHUNK)]],
                            add=True)
            return carry

        lax.fori_loop(0, NCHUNK // 2, body, 0)
        elast = (NCHUNK - 1) * CHUNK
        pltpu.make_async_copy(vals_hbm.at[src_ids.at[pl.ds(elast, CHUNK)]],
                              rows0, sem0).wait()
        pltpu.sync_copy(rows0, acc.at[dst_ids.at[pl.ds(elast, CHUNK)]],
                        add=True)
        plsc.subcore_barrier()

        bufs = (rows0, rows1)
        for k in range(nz):
            b = bufs[k % 2]
            if k >= 2:
                pltpu.make_async_copy(
                    b, out_hbm.at[cid, pl.ds(base + (k - 2) * CHUNK, CHUNK)],
                    semh).wait()
            pltpu.sync_copy(acc.at[pl.ds(base + k * CHUNK, CHUNK)], b)
            pltpu.async_copy(b, out_hbm.at[cid, pl.ds(base + k * CHUNK, CHUNK)],
                             semh)
        for k in range(nz - 2, nz):
            pltpu.make_async_copy(
                bufs[k % 2], out_hbm.at[cid, pl.ds(base + k * CHUNK, CHUNK)],
                semh).wait()

    return scat_kernel


_deg = _make_deg()
_scatter = _make_scatter()


def _mm_scale_body(x_ref, w_ref, degp_ref, y_ref, g_ref, dinv_ref):
    y = jnp.dot(x_ref[...], w_ref[...], preferred_element_type=jnp.float32)
    y_ref[...] = y
    deg = degp_ref[0, :, 0:1] + degp_ref[1, :, 0:1] + 1.0
    dinv = lax.rsqrt(jnp.maximum(deg, 1.0))
    dinv_ref[...] = dinv
    g_ref[...] = y * dinv


def _mm_scale(x, w, degp):
    blk = 2000
    return pl.pallas_call(
        _mm_scale_body,
        grid=(N // blk,),
        in_specs=[pl.BlockSpec((blk, D), lambda i: (i, 0)),
                  pl.BlockSpec((D, H), lambda i: (0, 0)),
                  pl.BlockSpec((NC, blk, H), lambda i: (0, i, 0))],
        out_specs=[pl.BlockSpec((blk, H), lambda i: (i, 0)),
                   pl.BlockSpec((blk, H), lambda i: (i, 0)),
                   pl.BlockSpec((blk, 1), lambda i: (i, 0))],
        out_shape=[jax.ShapeDtypeStruct((N, H), jnp.float32),
                   jax.ShapeDtypeStruct((N, H), jnp.float32),
                   jax.ShapeDtypeStruct((N, 1), jnp.float32)],
    )(x, w, degp)


def _fuse2_body(agg_ref, y1_ref, dinv_ref, b1_ref, w2_ref, g2b_ref, g2f_ref):
    dinv = dinv_ref[...]
    a = agg_ref[0] + agg_ref[1] + y1_ref[...] * dinv
    h = jnp.maximum(a * dinv + b1_ref[...], 0.0)
    g2 = jnp.dot(h, w2_ref[...], preferred_element_type=jnp.float32) * dinv
    g2f_ref[...] = g2
    g2b_ref[...] = jnp.concatenate([g2, jnp.zeros_like(g2)], axis=1)


def _fuse2(agg1, y1, dinv, b1, W2):
    blk = 2000
    return pl.pallas_call(
        _fuse2_body,
        grid=(N // blk,),
        in_specs=[pl.BlockSpec((NC, blk, H), lambda i: (0, i, 0)),
                  pl.BlockSpec((blk, H), lambda i: (i, 0)),
                  pl.BlockSpec((blk, 1), lambda i: (i, 0)),
                  pl.BlockSpec((1, H), lambda i: (0, 0)),
                  pl.BlockSpec((H, O), lambda i: (0, 0))],
        out_specs=[pl.BlockSpec((blk, H), lambda i: (i, 0)),
                   pl.BlockSpec((blk, O), lambda i: (i, 0))],
        out_shape=[jax.ShapeDtypeStruct((N, H), jnp.float32),
                   jax.ShapeDtypeStruct((N, O), jnp.float32)],
    )(agg1, y1, dinv, b1, W2)


def _final_body(agg_ref, g2f_ref, dinv_ref, b2_ref, batch_ref, cand_ref,
                out_ref):
    emb = ((agg_ref[0, :, :O] + agg_ref[1, :, :O] + g2f_ref[...])
           * dinv_ref[...] + b2_ref[...])
    gids = lax.broadcasted_iota(jnp.int32, (G, N), 0)
    mask = (gids == batch_ref[...]).astype(jnp.float32)
    sums = jnp.dot(mask, emb, preferred_element_type=jnp.float32)
    counts = jnp.sum(mask, axis=1, keepdims=True)
    gr = sums / jnp.maximum(counts, 1.0)
    cand = cand_ref[...]
    gr2 = jnp.sum(gr * gr, axis=1, keepdims=True)
    cn2 = jnp.sum(cand * cand, axis=1)[None, :]
    cross = lax.dot_general(gr, cand, (((1,), (1,)), ((), ())),
                            preferred_element_type=jnp.float32)
    d2 = jnp.maximum(gr2 + cn2 - 2.0 * cross, 0.0)
    out_ref[...] = jnp.sqrt(d2)


def _final(agg2, g2f, dinv, b2, batch2d, cand):
    return pl.pallas_call(
        _final_body,
        grid=(1,),
        in_specs=[pl.BlockSpec((NC, N, H), lambda i: (0, 0, 0)),
                  pl.BlockSpec((N, O), lambda i: (0, 0)),
                  pl.BlockSpec((N, 1), lambda i: (0, 0)),
                  pl.BlockSpec((1, O), lambda i: (0, 0)),
                  pl.BlockSpec((1, N), lambda i: (0, 0)),
                  pl.BlockSpec((C, O), lambda i: (0, 0))],
        out_specs=pl.BlockSpec((G, C), lambda i: (0, 0)),
        out_shape=jax.ShapeDtypeStruct((G, C), jnp.float32),
    )(agg2, g2f, dinv, b2, batch2d, cand)


def kernel(x, edge_index, batch, W1, b1, W2, b2, candidates):
    src3 = edge_index[0]
    dst3 = edge_index[1]
    degp = _deg(dst3)
    y1, g1, dinv = _mm_scale(x, W1, degp)
    agg1 = _scatter(g1, src3, dst3)
    g2b, g2f = _fuse2(agg1, y1, dinv, b1.reshape(1, H), W2)
    agg2 = _scatter(g2b, src3, dst3)
    sims = _final(agg2, g2f, dinv, b2.reshape(1, O),
                  batch.reshape(1, N), candidates)
    return sims[:, :, None]

# --- scband reference (transcript-rebuilt; emitter-appended) ---
"""Pipeline reference for scband-gmap-ad-18743237280517 (READ-ONLY COPY).

The authoritative reference and input builder live on the scoring server;
editing this copy changes nothing except your own understanding.
"""

import jax, jax.numpy as jnp
import numpy as np

N = 10000      # nodes
E = 320000     # edges
D = 128        # input_dim
H = 128        # hidden_dim
O = 64         # output_dim
G = 64         # number of graphs in batch
C = 64         # num_candidates (optimized_candidates rows)


def setup_inputs(seed: int = 0) -> dict:
    key = jax.random.key(seed)
    ks = jax.random.split(key, 8)
    x = jax.random.normal(ks[0], (N, D), dtype=jnp.float32)
    edge_index = jax.random.randint(ks[1], (2, E), 0, N)
    batch = jnp.sort(jax.random.randint(ks[2], (N,), 0, G))
    W1 = jax.random.normal(ks[3], (D, H), dtype=jnp.float32) * 0.05
    b1 = jnp.zeros((H,), dtype=jnp.float32)
    W2 = jax.random.normal(ks[4], (H, O), dtype=jnp.float32) * 0.05
    b2 = jnp.zeros((O,), dtype=jnp.float32)
    # learned/optimized candidate node embeddings (eval-path buffer)
    candidates = jax.random.normal(ks[5], (C, O), dtype=jnp.float32)
    return {"x": x, "edge_index": edge_index, "batch": batch,
            "W1": W1, "b1": b1, "W2": W2, "b2": b2, "candidates": candidates}


def _gcn_conv(x, src, dst, W, b, n):
    # GCNConv with self-loops and symmetric normalization: D^-1/2 (A+I) D^-1/2 X W + b
    h = x @ W
    deg = jax.ops.segment_sum(jnp.ones_like(src, dtype=h.dtype), dst, num_segments=n)
    dinv = jax.lax.rsqrt(jnp.maximum(deg, 1.0))
    coef = dinv[src] * dinv[dst]
    out = jax.ops.segment_sum(h[src] * coef[:, None], dst, num_segments=n)
    return out + b


def reference(x, edge_index, batch, W1, b1, W2, b2, candidates):
    loops = jnp.arange(N, dtype=edge_index.dtype)
    src = jnp.concatenate([edge_index[0], loops])
    dst = jnp.concatenate([edge_index[1], loops])
    # encode_nodes (eval mode: dropout is identity)
    h = jax.nn.relu(_gcn_conv(x, src, dst, W1, b1, N))
    node_embeddings = _gcn_conv(h, src, dst, W2, b2, N)
    # global_mean_pool
    sums = jax.ops.segment_sum(node_embeddings, batch, num_segments=G)
    counts = jax.ops.segment_sum(jnp.ones((N,), dtype=node_embeddings.dtype), batch, num_segments=G)
    graph_repr = sums / jnp.maximum(counts, 1.0)[:, None]
    # compute_similarity: stack of per-candidate L2 distances -> [G, C, 1]
    sims = jnp.linalg.norm(graph_repr[:, None, None, :] - candidates[None, :, None, :], axis=3)
    return sims

if __name__ == "__main__":
    import jax
    _d = setup_inputs()
    print(jax.jit(kernel)(*tuple(_d.values())))

</pallas_src>

<mosaic_0001>
#map = affine_map<(d0, d1) -> (0, 0)>
#map1 = affine_map<(d0, d1) -> (0)>
#map2 = affine_map<(d0, d1) -> (0, 0, 0)>
module attributes {stable_mosaic.version = 14 : i64} {
  func.func @scat_kernel(%arg0: i32, %arg1: i32, %arg2: memref<10000x128xf32, #tpu.memory_space<hbm>>, %arg3: memref<320000xi32, #tpu.memory_space<hbm>>, %arg4: memref<320000xi32, #tpu.memory_space<hbm>>, %arg5: memref<2x10240x128xf32, #tpu.memory_space<hbm>>, %arg6: memref<10000xi32, #tpu.memory_space<vmem>>, %arg7: memref<10000xi32, #tpu.memory_space<vmem>>, %arg8: memref<80x128xf32, #tpu.memory_space<vmem>>, %arg9: memref<80x128xf32, #tpu.memory_space<vmem>>, %arg10: memref<10240x128xf32, #tpu.memory_space<vmem_shared>>, %arg11: memref<!tpu.dma_semaphore, #tpu.memory_space<semaphore_mem>>, %arg12: memref<!tpu.dma_semaphore, #tpu.memory_space<semaphore_mem>>, %arg13: memref<!tpu.dma_semaphore, #tpu.memory_space<semaphore_mem>>) attributes {dimension_semantics = [#tpu.dimension_semantics<core_parallel>, #tpu.dimension_semantics<subcore_parallel>], iteration_bounds = array<i64: 2, 16>, scalar_prefetch = 0 : i64, scratch_operands = 8 : i64, tpu.core_type = #tpu.core_type<sc_vector_subcore>, window_params = [{transform_indices = #map}, {transform_indices = #map1}, {transform_indices = #map1}, {transform_indices = #map2}]} {
    %mul3A = arith.constant 16 : i32
    %mul3A_0 = arith.muli %arg0, %mul3A : i32
    %add3A = arith.addi %mul3A_0, %arg1 : i32
    %scan3A = arith.constant 0 : i32
    %scan3A_1 = arith.constant 0 : i32
    %scan3A_2 = arith.constant 80 : i32
    %scan3A_3 = arith.addi %scan3A_1, %scan3A_2 : i32
    %scan3A_4 = arith.constant 1 : i32
    scf.for %scan3A_267 = %scan3A_1 to %scan3A_3 step %scan3A_4  : i32 {
      %broadcast_in_dim3A = arith.constant 0.000000e+00 : f32
      %broadcast_in_dim3A_268 = vector.broadcast %broadcast_in_dim3A : f32 to vector<16xf32>
      %swap3A = arith.index_cast %scan3A_267 : i32 to index
      %swap3A_269 = arith.constant 0 : index
      %swap3A_270 = tpu.vector_load %arg8[%swap3A, %swap3A_269] {strides = array<i32>} : memref<80x128xf32, #tpu.memory_space<vmem>>, vector<1x16xf32>,
      %swap3A_271 = vector.shape_cast %swap3A_270 : vector<1x16xf32> to vector<16xf32>
      %swap3A_272 = vector.shape_cast %broadcast_in_dim3A_268 : vector<16xf32> to vector<1x16xf32>
      tpu.vector_store %arg8[%swap3A, %swap3A_269], %swap3A_272 {strides = array<i32>} : memref<80x128xf32, #tpu.memory_space<vmem>>, vector<1x16xf32>,
      %broadcast_in_dim3A_273 = arith.constant 0.000000e+00 : f32
      %broadcast_in_dim3A_274 = vector.broadcast %broadcast_in_dim3A_273 : f32 to vector<16xf32>
      %swap3A_275 = arith.index_cast %scan3A_267 : i32 to index
      %swap3A_276 = arith.constant 16 : index
      %swap3A_277 = tpu.vector_load %arg8[%swap3A_275, %swap3A_276] {strides = array<i32>} : memref<80x128xf32, #tpu.memory_space<vmem>>, vector<1x16xf32>,
      %swap3A_278 = vector.shape_cast %swap3A_277 : vector<1x16xf32> to vector<16xf32>
      %swap3A_279 = vector.shape_cast %broadcast_in_dim3A_274 : vector<16xf32> to vector<1x16xf32>
      tpu.vector_store %arg8[%swap3A_275, %swap3A_276], %swap3A_279 {strides = array<i32>} : memref<80x128xf32, #tpu.memory_space<vmem>>, vector<1x16xf32>,
      %broadcast_in_dim3A_280 = arith.constant 0.000000e+00 : f32
      %broadcast_in_dim3A_281 = vector.broadcast %broadcast_in_dim3A_280 : f32 to vector<16xf32>
      %swap3A_282 = arith.index_cast %scan3A_267 : i32 to index
      %swap3A_283 = arith.constant 32 : index
      %swap3A_284 = tpu.vector_load %arg8[%swap3A_282, %swap3A_283] {strides = array<i32>} : memref<80x128xf32, #tpu.memory_space<vmem>>, vector<1x16xf32>,
      %swap3A_285 = vector.shape_cast %swap3A_284 : vector<1x16xf32> to vector<16xf32>
      %swap3A_286 = vector.shape_cast %broadcast_in_dim3A_281 : vector<16xf32> to vector<1x16xf32>
      tpu.vector_store %arg8[%swap3A_282, %swap3A_283], %swap3A_286 {strides = array<i32>} : memref<80x128xf32, #tpu.memory_space<vmem>>, vector<1x16xf32>,
      %broadcast_in_dim3A_287 = arith.constant 0.000000e+00 : f32
      %broadcast_in_dim3A_288 = vector.broadcast %broadcast_in_dim3A_287 : f32 to vector<16xf32>
      %swap3A_289 = arith.index_cast %scan3A_267 : i32 to index
      %swap3A_290 = arith.constant 48 : index
      %swap3A_291 = tpu.vector_load %arg8[%swap3A_289, %swap3A_290] {strides = array<i32>} : memref<80x128xf32, #tpu.memory_space<vmem>>, vector<1x16xf32>,
      %swap3A_292 = vector.shape_cast %swap3A_291 : vector<1x16xf32> to vector<16xf32>
      %swap3A_293 = vector.shape_cast %broadcast_in_dim3A_288 : vector<16xf32> to vector<1x16xf32>
      tpu.vector_store %arg8[%swap3A_289, %swap3A_290], %swap3A_293 {strides = array<i32>} : memref<80x128xf32, #tpu.memory_space<vmem>>, vector<1x16xf32>,
      %broadcast_in_dim3A_294 = arith.constant 0.000000e+00 : f32
      %broadcast_in_dim3A_295 = vector.broadcast %broadcast_in_dim3A_294 : f32 to vector<16xf32>
      %swap3A_296 = arith.index_cast %scan3A_267 : i32 to index
      %swap3A_297 = arith.constant 64 : index
      %swap3A_298 = tpu.vector_load %arg8[%swap3A_296, %swap3A_297] {strides = array<i32>} : memref<80x128xf32, #tpu.memory_space<vmem>>, vector<1x16xf32>,
      %swap3A_299 = vector.shape_cast %swap3A_298 : vector<1x16xf32> to vector<16xf32>
      %swap3A_300 = vector.shape_cast %broadcast_in_dim3A_295 : vector<16xf32> to vector<1x16xf32>
      tpu.vector_store %arg8[%swap3A_296, %swap3A_297], %swap3A_300 {strides = array<i32>} : memref<80x128xf32, #tpu.memory_space<vmem>>, vector<1x16xf32>,
      %broadcast_in_dim3A_301 = arith.constant 0.000000e+00 : f32
      %broadcast_in_dim3A_302 = vector.broadcast %broadcast_in_dim3A_301 : f32 to vector<16xf32>
      %swap3A_303 = arith.index_cast %scan3A_267 : i32 to index
      %swap3A_304 = arith.constant 80 : index
      %swap3A_305 = tpu.vector_load %arg8[%swap3A_303, %swap3A_304] {strides = array<i32>} : memref<80x128xf32, #tpu.memory_space<vmem>>, vector<1x16xf32>,
      %swap3A_306 = vector.shape_cast %swap3A_305 : vector<1x16xf32> to vector<16xf32>
      %swap3A_307 = vector.shape_cast %broadcast_in_dim3A_302 : vector<16xf32> to vector<1x16xf32>
      tpu.vector_store %arg8[%swap3A_303, %swap3A_304], %swap3A_307 {strides = array<i32>} : memref<80x128xf32, #tpu.memory_space<vmem>>, vector<1x16xf32>,
      %broadcast_in_dim3A_308 = arith.constant 0.000000e+00 : f32
      %broadcast_in_dim3A_309 = vector.broadcast %broadcast_in_dim3A_308 : f32 to vector<16xf32>
      %swap3A_310 = arith.index_cast %scan3A_267 : i32 to index
      %swap3A_311 = arith.constant 96 : index
      %swap3A_312 = tpu.vector_load %arg8[%swap3A_310, %swap3A_311] {strides = array<i32>} : memref<80x128xf32, #tpu.memory_space<vmem>>, vector<1x16xf32>,
      %swap3A_313 = vector.shape_cast %swap3A_312 : vector<1x16xf32> to vector<16xf32>
      %swap3A_314 = vector.shape_cast %broadcast_in_dim3A_309 : vector<16xf32> to vector<1x16xf32>
      tpu.vector_store %arg8[%swap3A_310, %swap3A_311], %swap3A_314 {strides = array<i32>} : memref<80x128xf32, #tpu.memory_space<vmem>>, vector<1x16xf32>,
      %broadcast_in_dim3A_315 = arith.constant 0.000000e+00 : f32
      %broadcast_in_dim3A_316 = vector.broadcast %broadcast_in_dim3A_315 : f32 to vector<16xf32>
      %swap3A_317 = arith.index_cast %scan3A_267 : i32 to index
      %swap3A_318 = arith.constant 112 : index
      %swap3A_319 = tpu.vector_load %arg8[%swap3A_317, %swap3A_318] {strides = array<i32>} : memref<80x128xf32, #tpu.memory_space<vmem>>, vector<1x16xf32>,
      %swap3A_320 = vector.shape_cast %swap3A_319 : vector<1x16xf32> to vector<16xf32>
      %swap3A_321 = vector.shape_cast %broadcast_in_dim3A_316 : vector<16xf32> to vector<1x16xf32>
      tpu.vector_store %arg8[%swap3A_317, %swap3A_318], %swap3A_321 {strides = array<i32>} : memref<80x128xf32, #tpu.memory_space<vmem>>, vector<1x16xf32>,
    }
    %scan3A_5 = arith.constant 80 : i32
    %mul3A_6 = arith.constant 640 : i32
    %mul3A_7 = arith.muli %arg1, %mul3A_6 : i32
    %add3A_8 = arith.constant 0 : i32
    %add3A_9 = arith.addi %mul3A_7, %add3A_8 : i32
    %dma_start3A = arith.constant 0 : i32
    %dma_start3A_10 = tpu.memref_slice %arg10[%add3A_9, %dma_start3A] : memref<10240x128xf32, #tpu.memory_space<vmem_shared>> -> memref<80x128xf32, #tpu.memory_space<vmem_shared>>
    %dma_start3A_11 = arith.constant 0 : i32
    %dma_start3A_12 = tpu.memref_slice %arg10[%add3A_9, %dma_start3A_11] : memref<10240x128xf32, #tpu.memory_space<vmem_shared>> -> memref<80x128xf32, #tpu.memory_space<vmem_shared>>
    tpu.enqueue_dma source(%arg8 : memref<80x128xf32, #tpu.memory_space<vmem>>) target(%dma_start3A_12 : memref<80x128xf32, #tpu.memory_space<vmem_shared>>) target_semaphore(%arg13 : memref<!tpu.dma_semaphore, #tpu.memory_space<semaphore_mem>>)
    %add3A_13 = arith.constant 80 : i32
    %add3A_14 = arith.addi %mul3A_7, %add3A_13 : i32
    %dma_start3A_15 = arith.constant 0 : i32
    %dma_start3A_16 = tpu.memref_slice %arg10[%add3A_14, %dma_start3A_15] : memref<10240x128xf32, #tpu.memory_space<vmem_shared>> -> memref<80x128xf32, #tpu.memory_space<vmem_shared>>
    %dma_start3A_17 = arith.constant 0 : i32
    %dma_start3A_18 = tpu.memref_slice %arg10[%add3A_14, %dma_start3A_17] : memref<10240x128xf32, #tpu.memory_space<vmem_shared>> -> memref<80x128xf32, #tpu.memory_space<vmem_shared>>
    tpu.enqueue_dma source(%arg8 : memref<80x128xf32, #tpu.memory_space<vmem>>) target(%dma_start3A_18 : memref<80x128xf32, #tpu.memory_space<vmem_shared>>) target_semaphore(%arg13 : memref<!tpu.dma_semaphore, #tpu.memory_space<semaphore_mem>>)
    %add3A_19 = arith.constant 160 : i32
    %add3A_20 = arith.addi %mul3A_7, %add3A_19 : i32
    %dma_start3A_21 = arith.constant 0 : i32
    %dma_start3A_22 = tpu.memref_slice %arg10[%add3A_20, %dma_start3A_21] : memref<10240x128xf32, #tpu.memory_space<vmem_shared>> -> memref<80x128xf32, #tpu.memory_space<vmem_shared>>
    %dma_start3A_23 = arith.constant 0 : i32
    %dma_start3A_24 = tpu.memref_slice %arg10[%add3A_20, %dma_start3A_23] : memref<10240x128xf32, #tpu.memory_space<vmem_shared>> -> memref<80x128xf32, #tpu.memory_space<vmem_shared>>
    tpu.enqueue_dma source(%arg8 : memref<80x128xf32, #tpu.memory_space<vmem>>) target(%dma_start3A_24 : memref<80x128xf32, #tpu.memory_space<vmem_shared>>) target_semaphore(%arg13 : memref<!tpu.dma_semaphore, #tpu.memory_space<semaphore_mem>>)
    %add3A_25 = arith.constant 240 : i32
    %add3A_26 = arith.addi %mul3A_7, %add3A_25 : i32
    %dma_start3A_27 = arith.constant 0 : i32
    %dma_start3A_28 = tpu.memref_slice %arg10[%add3A_26, %dma_start3A_27] : memref<10240x128xf32, #tpu.memory_space<vmem_shared>> -> memref<80x128xf32, #tpu.memory_space<vmem_shared>>
    %dma_start3A_29 = arith.constant 0 : i32
    %dma_start3A_30 = tpu.memref_slice %arg10[%add3A_26, %dma_start3A_29] : memref<10240x128xf32, #tpu.memory_space<vmem_shared>> -> memref<80x128xf32, #tpu.memory_space<vmem_shared>>
    tpu.enqueue_dma source(%arg8 : memref<80x128xf32, #tpu.memory_space<vmem>>) target(%dma_start3A_30 : memref<80x128xf32, #tpu.memory_space<vmem_shared>>) target_semaphore(%arg13 : memref<!tpu.dma_semaphore, #tpu.memory_space<semaphore_mem>>)
    %add3A_31 = arith.constant 320 : i32
    %add3A_32 = arith.addi %mul3A_7, %add3A_31 : i32
    %dma_start3A_33 = arith.constant 0 : i32
    %dma_start3A_34 = tpu.memref_slice %arg10[%add3A_32, %dma_start3A_33] : memref<10240x128xf32, #tpu.memory_space<vmem_shared>> -> memref<80x128xf32, #tpu.memory_space<vmem_shared>>
    %dma_start3A_35 = arith.constant 0 : i32
    %dma_start3A_36 = tpu.memref_slice %arg10[%add3A_32, %dma_start3A_35] : memref<10240x128xf32, #tpu.memory_space<vmem_shared>> -> memref<80x128xf32, #tpu.memory_space<vmem_shared>>
    tpu.enqueue_dma source(%arg8 : memref<80x128xf32, #tpu.memory_space<vmem>>) target(%dma_start3A_36 : memref<80x128xf32, #tpu.memory_space<vmem_shared>>) target_semaphore(%arg13 : memref<!tpu.dma_semaphore, #tpu.memory_space<semaphore_mem>>)
    %add3A_37 = arith.constant 400 : i32
    %add3A_38 = arith.addi %mul3A_7, %add3A_37 : i32
    %dma_start3A_39 = arith.constant 0 : i32
    %dma_start3A_40 = tpu.memref_slice %arg10[%add3A_38, %dma_start3A_39] : memref<10240x128xf32, #tpu.memory_space<vmem_shared>> -> memref<80x128xf32, #tpu.memory_space<vmem_shared>>
    %dma_start3A_41 = arith.constant 0 : i32
    %dma_start3A_42 = tpu.memref_slice %arg10[%add3A_38, %dma_start3A_41] : memref<10240x128xf32, #tpu.memory_space<vmem_shared>> -> memref<80x128xf32, #tpu.memory_space<vmem_shared>>
    tpu.enqueue_dma source(%arg8 : memref<80x128xf32, #tpu.memory_space<vmem>>) target(%dma_start3A_42 : memref<80x128xf32, #tpu.memory_space<vmem_shared>>) target_semaphore(%arg13 : memref<!tpu.dma_semaphore, #tpu.memory_space<semaphore_mem>>)
    %add3A_43 = arith.constant 480 : i32
    %add3A_44 = arith.addi %mul3A_7, %add3A_43 : i32
    %dma_start3A_45 = arith.constant 0 : i32
    %dma_start3A_46 = tpu.memref_slice %arg10[%add3A_44, %dma_start3A_45] : memref<10240x128xf32, #tpu.memory_space<vmem_shared>> -> memref<80x128xf32, #tpu.memory_space<vmem_shared>>
    %dma_start3A_47 = arith.constant 0 : i32
    %dma_start3A_48 = tpu.memref_slice %arg10[%add3A_44, %dma_start3A_47] : memref<10240x128xf32, #tpu.memory_space<vmem_shared>> -> memref<80x128xf32, #tpu.memory_space<vmem_shared>>
    tpu.enqueue_dma source(%arg8 : memref<80x128xf32, #tpu.memory_space<vmem>>) target(%dma_start3A_48 : memref<80x128xf32, #tpu.memory_space<vmem_shared>>) target_semaphore(%arg13 : memref<!tpu.dma_semaphore, #tpu.memory_space<semaphore_mem>>)
    %add3A_49 = arith.constant 560 : i32
    %add3A_50 = arith.addi %mul3A_7, %add3A_49 : i32
    %dma_start3A_51 = arith.constant 0 : i32
    %dma_start3A_52 = tpu.memref_slice %arg10[%add3A_50, %dma_start3A_51] : memref<10240x128xf32, #tpu.memory_space<vmem_shared>> -> memref<80x128xf32, #tpu.memory_space<vmem_shared>>
    %dma_start3A_53 = arith.constant 0 : i32
    %dma_start3A_54 = tpu.memref_slice %arg10[%add3A_50, %dma_start3A_53] : memref<10240x128xf32, #tpu.memory_space<vmem_shared>> -> memref<80x128xf32, #tpu.memory_space<vmem_shared>>
    tpu.enqueue_dma source(%arg8 : memref<80x128xf32, #tpu.memory_space<vmem>>) target(%dma_start3A_54 : memref<80x128xf32, #tpu.memory_space<vmem_shared>>) target_semaphore(%arg13 : memref<!tpu.dma_semaphore, #tpu.memory_space<semaphore_mem>>)
    %mul3A_55 = arith.constant 10000 : i32
    %mul3A_56 = arith.muli %add3A, %mul3A_55 : i32
    "tpu.region"() ({
      %run_scoped3A = tpu.sem_alloc : memref<!tpu.dma_semaphore, #tpu.memory_space<semaphore_mem>>
      %dma_start3A_267 = tpu.memref_slice %arg3[%mul3A_56] : memref<320000xi32, #tpu.memory_space<hbm>> -> memref<10000xi32, #tpu.memory_space<hbm>>
      %dma_start3A_268 = tpu.memref_slice %arg3[%mul3A_56] : memref<320000xi32, #tpu.memory_space<hbm>> -> memref<10000xi32, #tpu.memory_space<hbm>>
      tpu.enqueue_dma source(%dma_start3A_268 : memref<10000xi32, #tpu.memory_space<hbm>>) target(%arg6 : memref<10000xi32, #tpu.memory_space<vmem>>) target_semaphore(%run_scoped3A : memref<!tpu.dma_semaphore, #tpu.memory_space<semaphore_mem>>)
      %dma_wait3A_269 = tpu.memref_slice %arg3[%mul3A_56] : memref<320000xi32, #tpu.memory_space<hbm>> -> memref<10000xi32, #tpu.memory_space<hbm>>
      %dma_wait3A_270 = tpu.memref_slice %arg3[%mul3A_56] : memref<320000xi32, #tpu.memory_space<hbm>> -> memref<10000xi32, #tpu.memory_space<hbm>>
      tpu.wait_dma2 semaphore(%run_scoped3A : memref<!tpu.dma_semaphore, #tpu.memory_space<semaphore_mem>>) src(%dma_wait3A_270 : memref<10000xi32, #tpu.memory_space<hbm>>) dst(%arg6 : memref<10000xi32, #tpu.memory_space<vmem>>)
      tpu.yield
    }) : () -> ()
    %mul3A_57 = arith.constant 10000 : i32
    %mul3A_58 = arith.muli %add3A, %mul3A_57 : i32
    "tpu.region"() ({
      %run_scoped3A = tpu.sem_alloc : memref<!tpu.dma_semaphore, #tpu.memory_space<semaphore_mem>>
      %dma_start3A_267 = tpu.memref_slice %arg4[%mul3A_58] : memref<320000xi32, #tpu.memory_space<hbm>> -> memref<10000xi32, #tpu.memory_space<hbm>>
      %dma_start3A_268 = tpu.memref_slice %arg4[%mul3A_58] : memref<320000xi32, #tpu.memory_space<hbm>> -> memref<10000xi32, #tpu.memory_space<hbm>>
      tpu.enqueue_dma source(%dma_start3A_268 : memref<10000xi32, #tpu.memory_space<hbm>>) target(%arg7 : memref<10000xi32, #tpu.memory_space<vmem>>) target_semaphore(%run_scoped3A : memref<!tpu.dma_semaphore, #tpu.memory_space<semaphore_mem>>)
      %dma_wait3A_269 = tpu.memref_slice %arg4[%mul3A_58] : memref<320000xi32, #tpu.memory_space<hbm>> -> memref<10000xi32, #tpu.memory_space<hbm>>
      %dma_wait3A_270 = tpu.memref_slice %arg4[%mul3A_58] : memref<320000xi32, #tpu.memory_space<hbm>> -> memref<10000xi32, #tpu.memory_space<hbm>>
      tpu.wait_dma2 semaphore(%run_scoped3A : memref<!tpu.dma_semaphore, #tpu.memory_space<semaphore_mem>>) src(%dma_wait3A_270 : memref<10000xi32, #tpu.memory_space<hbm>>) dst(%arg7 : memref<10000xi32, #tpu.memory_space<vmem>>)
      tpu.yield
    }) : () -> ()
    %add3A_59 = arith.constant 0 : i32
    %add3A_60 = arith.addi %mul3A_7, %add3A_59 : i32
    %dma_wait3A = arith.constant 0 : i32
    %dma_wait3A_61 = tpu.memref_slice %arg10[%add3A_60, %dma_wait3A] : memref<10240x128xf32, #tpu.memory_space<vmem_shared>> -> memref<80x128xf32, #tpu.memory_space<vmem_shared>>
    %dma_wait3A_62 = arith.constant 0 : i32
    %dma_wait3A_63 = tpu.memref_slice %arg10[%add3A_60, %dma_wait3A_62] : memref<10240x128xf32, #tpu.memory_space<vmem_shared>> -> memref<80x128xf32, #tpu.memory_space<vmem_shared>>
    tpu.wait_dma2 semaphore(%arg13 : memref<!tpu.dma_semaphore, #tpu.memory_space<semaphore_mem>>) src(%arg8 : memref<80x128xf32, #tpu.memory_space<vmem>>) dst(%dma_wait3A_63 : memref<80x128xf32, #tpu.memory_space<vmem_shared>>)
    %add3A_64 = arith.constant 80 : i32
    %add3A_65 = arith.addi %mul3A_7, %add3A_64 : i32
    %dma_wait3A_66 = arith.constant 0 : i32
    %dma_wait3A_67 = tpu.memref_slice %arg10[%add3A_65, %dma_wait3A_66] : memref<10240x128xf32, #tpu.memory_space<vmem_shared>> -> memref<80x128xf32, #tpu.memory_space<vmem_shared>>
    %dma_wait3A_68 = arith.constant 0 : i32
    %dma_wait3A_69 = tpu.memref_slice %arg10[%add3A_65, %dma_wait3A_68] : memref<10240x128xf32, #tpu.memory_space<vmem_shared>> -> memref<80x128xf32, #tpu.memory_space<vmem_shared>>
    tpu.wait_dma2 semaphore(%arg13 : memref<!tpu.dma_semaphore, #tpu.memory_space<semaphore_mem>>) src(%arg8 : memref<80x128xf32, #tpu.memory_space<vmem>>) dst(%dma_wait3A_69 : memref<80x128xf32, #tpu.memory_space<vmem_shared>>)
    %add3A_70 = arith.constant 160 : i32
    %add3A_71 = arith.addi %mul3A_7, %add3A_70 : i32
    %dma_wait3A_72 = arith.constant 0 : i32
    %dma_wait3A_73 = tpu.memref_slice %arg10[%add3A_71, %dma_wait3A_72] : memref<10240x128xf32, #tpu.memory_space<vmem_shared>> -> memref<80x128xf32, #tpu.memory_space<vmem_shared>>
    %dma_wait3A_74 = arith.constant 0 : i32
    %dma_wait3A_75 = tpu.memref_slice %arg10[%add3A_71, %dma_wait3A_74] : memref<10240x128xf32, #tpu.memory_space<vmem_shared>> -> memref<80x128xf32, #tpu.memory_space<vmem_shared>>
    tpu.wait_dma2 semaphore(%arg13 : memref<!tpu.dma_semaphore, #tpu.memory_space<semaphore_mem>>) src(%arg8 : memref<80x128xf32, #tpu.memory_space<vmem>>) dst(%dma_wait3A_75 : memref<80x128xf32, #tpu.memory_space<vmem_shared>>)
    %add3A_76 = arith.constant 240 : i32
    %add3A_77 = arith.addi %mul3A_7, %add3A_76 : i32
    %dma_wait3A_78 = arith.constant 0 : i32
    %dma_wait3A_79 = tpu.memref_slice %arg10[%add3A_77, %dma_wait3A_78] : memref<10240x128xf32, #tpu.memory_space<vmem_shared>> -> memref<80x128xf32, #tpu.memory_space<vmem_shared>>
    %dma_wait3A_80 = arith.constant 0 : i32
    %dma_wait3A_81 = tpu.memref_slice %arg10[%add3A_77, %dma_wait3A_80] : memref<10240x128xf32, #tpu.memory_space<vmem_shared>> -> memref<80x128xf32, #tpu.memory_space<vmem_shared>>
    tpu.wait_dma2 semaphore(%arg13 : memref<!tpu.dma_semaphore, #tpu.memory_space<semaphore_mem>>) src(%arg8 : memref<80x128xf32, #tpu.memory_space<vmem>>) dst(%dma_wait3A_81 : memref<80x128xf32, #tpu.memory_space<vmem_shared>>)
    %add3A_82 = arith.constant 320 : i32
    %add3A_83 = arith.addi %mul3A_7, %add3A_82 : i32
    %dma_wait3A_84 = arith.constant 0 : i32
    %dma_wait3A_85 = tpu.memref_slice %arg10[%add3A_83, %dma_wait3A_84] : memref<10240x128xf32, #tpu.memory_space<vmem_shared>> -> memref<80x128xf32, #tpu.memory_space<vmem_shared>>
    %dma_wait3A_86 = arith.constant 0 : i32
    %dma_wait3A_87 = tpu.memref_slice %arg10[%add3A_83, %dma_wait3A_86] : memref<10240x128xf32, #tpu.memory_space<vmem_shared>> -> memref<80x128xf32, #tpu.memory_space<vmem_shared>>
    tpu.wait_dma2 semaphore(%arg13 : memref<!tpu.dma_semaphore, #tpu.memory_space<semaphore_mem>>) src(%arg8 : memref<80x128xf32, #tpu.memory_space<vmem>>) dst(%dma_wait3A_87 : memref<80x128xf32, #tpu.memory_space<vmem_shared>>)
    %add3A_88 = arith.constant 400 : i32
    %add3A_89 = arith.addi %mul3A_7, %add3A_88 : i32
    %dma_wait3A_90 = arith.constant 0 : i32
    %dma_wait3A_91 = tpu.memref_slice %arg10[%add3A_89, %dma_wait3A_90] : memref<10240x128xf32, #tpu.memory_space<vmem_shared>> -> memref<80x128xf32, #tpu.memory_space<vmem_shared>>
    %dma_wait3A_92 = arith.constant 0 : i32
    %dma_wait3A_93 = tpu.memref_slice %arg10[%add3A_89, %dma_wait3A_92] : memref<10240x128xf32, #tpu.memory_space<vmem_shared>> -> memref<80x128xf32, #tpu.memory_space<vmem_shared>>
    tpu.wait_dma2 semaphore(%arg13 : memref<!tpu.dma_semaphore, #tpu.memory_space<semaphore_mem>>) src(%arg8 : memref<80x128xf32, #tpu.memory_space<vmem>>) dst(%dma_wait3A_93 : memref<80x128xf32, #tpu.memory_space<vmem_shared>>)
    %add3A_94 = arith.constant 480 : i32
    %add3A_95 = arith.addi %mul3A_7, %add3A_94 : i32
    %dma_wait3A_96 = arith.constant 0 : i32
    %dma_wait3A_97 = tpu.memref_slice %arg10[%add3A_95, %dma_wait3A_96] : memref<10240x128xf32, #tpu.memory_space<vmem_shared>> -> memref<80x128xf32, #tpu.memory_space<vmem_shared>>
    %dma_wait3A_98 = arith.constant 0 : i32
    %dma_wait3A_99 = tpu.memref_slice %arg10[%add3A_95, %dma_wait3A_98] : memref<10240x128xf32, #tpu.memory_space<vmem_shared>> -> memref<80x128xf32, #tpu.memory_space<vmem_shared>>
    tpu.wait_dma2 semaphore(%arg13 : memref<!tpu.dma_semaphore, #tpu.memory_space<semaphore_mem>>) src(%arg8 : memref<80x128xf32, #tpu.memory_space<vmem>>) dst(%dma_wait3A_99 : memref<80x128xf32, #tpu.memory_space<vmem_shared>>)
    %add3A_100 = arith.constant 560 : i32
    %add3A_101 = arith.addi %mul3A_7, %add3A_100 : i32
    %dma_wait3A_102 = arith.constant 0 : i32
    %dma_wait3A_103 = tpu.memref_slice %arg10[%add3A_101, %dma_wait3A_102] : memref<10240x128xf32, #tpu.memory_space<vmem_shared>> -> memref<80x128xf32, #tpu.memory_space<vmem_shared>>
    %dma_wait3A_104 = arith.constant 0 : i32
    %dma_wait3A_105 = tpu.memref_slice %arg10[%add3A_101, %dma_wait3A_104] : memref<10240x128xf32, #tpu.memory_space<vmem_shared>> -> memref<80x128xf32, #tpu.memory_space<vmem_shared>>
    tpu.wait_dma2 semaphore(%arg13 : memref<!tpu.dma_semaphore, #tpu.memory_space<semaphore_mem>>) src(%arg8 : memref<80x128xf32, #tpu.memory_space<vmem>>) dst(%dma_wait3A_105 : memref<80x128xf32, #tpu.memory_space<vmem_shared>>)
    %barrier3A = arith.constant 0 : index
    tpu.barrier barrier_id(%barrier3A)
    %dma_start3A_106 = arith.constant 0 : i32
    %dma_start3A_107 = tpu.memref_slice %arg6[%dma_start3A_106] : memref<10000xi32, #tpu.memory_space<vmem>> -> memref<80xi32, #tpu.memory_space<vmem>>
    %dma_start3A_108 = arith.constant 0 : i32
    %dma_start3A_109 = arith.constant 0 : i32
    %dma_start3A_110 = tpu.memref_slice %arg2[%dma_start3A_108, %dma_start3A_109] : memref<10000x128xf32, #tpu.memory_space<hbm>> -> memref<10000x128xf32, #tpu.memory_space<hbm>>
    tpu.enqueue_indirect_dma source(%dma_start3A_110 : memref<10000x128xf32, #tpu.memory_space<hbm>>) target(%arg8 : memref<80x128xf32, #tpu.memory_space<vmem>>) offsets(%dma_start3A_107 : memref<80xi32, #tpu.memory_space<vmem>>) semaphore(%arg11 : memref<!tpu.dma_semaphore, #tpu.memory_space<semaphore_mem>>)
    %scan3A_111 = arith.constant 0 : i32
    %scan3A_112 = arith.constant 0 : i32
    %scan3A_113 = arith.constant 62 : i32
    %scan3A_114 = arith.addi %scan3A_112, %scan3A_113 : i32
    %scan3A_115 = arith.constant 1 : i32
    scf.for %scan3A_267 = %scan3A_112 to %scan3A_114 step %scan3A_115  : i32 {
      %mul3A_268 = arith.constant 2 : i32
      %mul3A_269 = arith.muli %mul3A_268, %scan3A_267 : i32
      %mul3A_270 = arith.constant 80 : i32
      %mul3A_271 = arith.muli %mul3A_269, %mul3A_270 : i32
      %add3A_272 = arith.constant 80 : i32
      %add3A_273 = arith.addi %mul3A_271, %add3A_272 : i32
      %add3A_274 = arith.constant 80 : i32
      %add3A_275 = arith.addi %add3A_273, %add3A_274 : i32
      %dma_start3A_276 = tpu.memref_slice %arg6[%add3A_273] : memref<10000xi32, #tpu.memory_space<vmem>> -> memref<80xi32, #tpu.memory_space<vmem>>
      %dma_start3A_277 = arith.constant 0 : i32
      %dma_start3A_278 = arith.constant 0 : i32
      %dma_start3A_279 = tpu.memref_slice %arg2[%dma_start3A_277, %dma_start3A_278] : memref<10000x128xf32, #tpu.memory_space<hbm>> -> memref<10000x128xf32, #tpu.memory_space<hbm>>
      tpu.enqueue_indirect_dma source(%dma_start3A_279 : memref<10000x128xf32, #tpu.memory_space<hbm>>) target(%arg9 : memref<80x128xf32, #tpu.memory_space<vmem>>) offsets(%dma_start3A_276 : memref<80xi32, #tpu.memory_space<vmem>>) semaphore(%arg12 : memref<!tpu.dma_semaphore, #tpu.memory_space<semaphore_mem>>)
      %dma_wait3A_280 = tpu.memref_slice %arg6[%mul3A_271] : memref<10000xi32, #tpu.memory_space<vmem>> -> memref<80xi32, #tpu.memory_space<vmem>>
      %dma_wait3A_281 = arith.constant 0 : i32
      %dma_wait3A_282 = arith.constant 0 : i32
      %dma_wait3A_283 = tpu.memref_slice %arg2[%dma_wait3A_281, %dma_wait3A_282] : memref<10000x128xf32, #tpu.memory_space<hbm>> -> memref<10000x128xf32, #tpu.memory_space<hbm>>
      tpu.wait_indirect_dma semaphore(%arg11 : memref<!tpu.dma_semaphore, #tpu.memory_space<semaphore_mem>>) src(%dma_wait3A_283 : memref<10000x128xf32, #tpu.memory_space<hbm>>) dst(%arg8 : memref<80x128xf32, #tpu.memory_space<vmem>>)
      "tpu.region"() ({
        %run_scoped3A = tpu.sem_alloc : memref<!tpu.dma_semaphore, #tpu.memory_space<semaphore_mem>>
        %dma_start3A_292 = tpu.memref_slice %arg7[%mul3A_271] : memref<10000xi32, #tpu.memory_space<vmem>> -> memref<80xi32, #tpu.memory_space<vmem>>
        %dma_start3A_293 = arith.constant 0 : i32
        %dma_start3A_294 = arith.constant 0 : i32
        %dma_start3A_295 = tpu.memref_slice %arg10[%dma_start3A_293, %dma_start3A_294] : memref<10240x128xf32, #tpu.memory_space<vmem_shared>> -> memref<10240x128xf32, #tpu.memory_space<vmem_shared>>
        tpu.enqueue_indirect_dma source(%arg8 : memref<80x128xf32, #tpu.memory_space<vmem>>) target(%dma_start3A_295 : memref<10240x128xf32, #tpu.memory_space<vmem_shared>>) offsets(%dma_start3A_292 : memref<80xi32, #tpu.memory_space<vmem>>) semaphore(%run_scoped3A : memref<!tpu.dma_semaphore, #tpu.memory_space<semaphore_mem>>) {add = true}
        %dma_wait3A_296 = tpu.memref_slice %arg7[%mul3A_271] : memref<10000xi32, #tpu.memory_space<vmem>> -> memref<80xi32, #tpu.memory_space<vmem>>
        %dma_wait3A_297 = arith.constant 0 : i32
        %dma_wait3A_298 = arith.constant 0 : i32
        %dma_wait3A_299 = tpu.memref_slice %arg10[%dma_wait3A_297, %dma_wait3A_298] : memref<10240x128xf32, #tpu.memory_space<vmem_shared>> -> memref<10240x128xf32, #tpu.memory_space<vmem_shared>>
        tpu.wait_indirect_dma semaphore(%run_scoped3A : memref<!tpu.dma_semaphore, #tpu.memory_space<semaphore_mem>>) src(%arg8 : memref<80x128xf32, #tpu.memory_space<vmem>>) dst(%dma_wait3A_299 : memref<10240x128xf32, #tpu.memory_space<vmem_shared>>)
        tpu.yield
      }) : () -> ()
      %dma_start3A_284 = tpu.memref_slice %arg6[%add3A_275] : memref<10000xi32, #tpu.memory_space<vmem>> -> memref<80xi32, #tpu.memory_space<vmem>>
      %dma_start3A_285 = arith.constant 0 : i32
      %dma_start3A_286 = arith.constant 0 : i32
      %dma_start3A_287 = tpu.memref_slice %arg2[%dma_start3A_285, %dma_start3A_286] : memref<10000x128xf32, #tpu.memory_space<hbm>> -> memref<10000x128xf32, #tpu.memory_space<hbm>>
      tpu.enqueue_indirect_dma source(%dma_start3A_287 : memref<10000x128xf32, #tpu.memory_space<hbm>>) target(%arg8 : memref<80x128xf32, #tpu.memory_space<vmem>>) offsets(%dma_start3A_284 : memref<80xi32, #tpu.memory_space<vmem>>) semaphore(%arg11 : memref<!tpu.dma_semaphore, #tpu.memory_space<semaphore_mem>>)
      %dma_wait3A_288 = tpu.memref_slice %arg6[%add3A_273] : memref<10000xi32, #tpu.memory_space<vmem>> -> memref<80xi32, #tpu.memory_space<vmem>>
      %dma_wait3A_289 = arith.constant 0 : i32
      %dma_wait3A_290 = arith.constant 0 : i32
      %dma_wait3A_291 = tpu.memref_slice %arg2[%dma_wait3A_289, %dma_wait3A_290] : memref<10000x128xf32, #tpu.memory_space<hbm>> -> memref<10000x128xf32, #tpu.memory_space<hbm>>
      tpu.wait_indirect_dma semaphore(%arg12 : memref<!tpu.dma_semaphore, #tpu.memory_space<semaphore_mem>>) src(%dma_wait3A_291 : memref<10000x128xf32, #tpu.memory_space<hbm>>) dst(%arg9 : memref<80x128xf32, #tpu.memory_space<vmem>>)
      "tpu.region"() ({
        %run_scoped3A = tpu.sem_alloc : memref<!tpu.dma_semaphore, #tpu.memory_space<semaphore_mem>>
        %dma_start3A_292 = tpu.memref_slice %arg7[%add3A_273] : memref<10000xi32, #tpu.memory_space<vmem>> -> memref<80xi32, #tpu.memory_space<vmem>>
        %dma_start3A_293 = arith.constant 0 : i32
        %dma_start3A_294 = arith.constant 0 : i32
        %dma_start3A_295 = tpu.memref_slice %arg10[%dma_start3A_293, %dma_start3A_294] : memref<10240x128xf32, #tpu.memory_space<vmem_shared>> -> memref<10240x128xf32, #tpu.memory_space<vmem_shared>>
        tpu.enqueue_indirect_dma source(%arg9 : memref<80x128xf32, #tpu.memory_space<vmem>>) target(%dma_start3A_295 : memref<10240x128xf32, #tpu.memory_space<vmem_shared>>) offsets(%dma_start3A_292 : memref<80xi32, #tpu.memory_space<vmem>>) semaphore(%run_scoped3A : memref<!tpu.dma_semaphore, #tpu.memory_space<semaphore_mem>>) {add = true}
        %dma_wait3A_296 = tpu.memref_slice %arg7[%add3A_273] : memref<10000xi32, #tpu.memory_space<vmem>> -> memref<80xi32, #tpu.memory_space<vmem>>
        %dma_wait3A_297 = arith.constant 0 : i32
        %dma_wait3A_298 = arith.constant 0 : i32
        %dma_wait3A_299 = tpu.memref_slice %arg10[%dma_wait3A_297, %dma_wait3A_298] : memref<10240x128xf32, #tpu.memory_space<vmem_shared>> -> memref<10240x128xf32, #tpu.memory_space<vmem_shared>>
        tpu.wait_indirect_dma semaphore(%run_scoped3A : memref<!tpu.dma_semaphore, #tpu.memory_space<semaphore_mem>>) src(%arg9 : memref<80x128xf32, #tpu.memory_space<vmem>>) dst(%dma_wait3A_299 : memref<10240x128xf32, #tpu.memory_space<vmem_shared>>)
        tpu.yield
      }) : () -> ()
    }
    %scan3A_116 = arith.constant 62 : i32
    %dma_wait3A_117 = arith.constant 9920 : i32
    %dma_wait3A_118 = tpu.memref_slice %arg6[%dma_wait3A_117] : memref<10000xi32, #tpu.memory_space<vmem>> -> memref<80xi32, #tpu.memory_space<vmem>>
    %dma_wait3A_119 = arith.constant 0 : i32
    %dma_wait3A_120 = arith.constant 0 : i32
    %dma_wait3A_121 = tpu.memref_slice %arg2[%dma_wait3A_119, %dma_wait3A_120] : memref<10000x128xf32, #tpu.memory_space<hbm>> -> memref<10000x128xf32, #tpu.memory_space<hbm>>
    tpu.wait_indirect_dma semaphore(%arg11 : memref<!tpu.dma_semaphore, #tpu.memory_space<semaphore_mem>>) src(%dma_wait3A_121 : memref<10000x128xf32, #tpu.memory_space<hbm>>) dst(%arg8 : memref<80x128xf32, #tpu.memory_space<vmem>>)
    "tpu.region"() ({
      %run_scoped3A = tpu.sem_alloc : memref<!tpu.dma_semaphore, #tpu.memory_space<semaphore_mem>>
      %dma_start3A_267 = arith.constant 9920 : i32
      %dma_start3A_268 = tpu.memref_slice %arg7[%dma_start3A_267] : memref<10000xi32, #tpu.memory_space<vmem>> -> memref<80xi32, #tpu.memory_space<vmem>>
      %dma_start3A_269 = arith.constant 0 : i32
      %dma_start3A_270 = arith.constant 0 : i32
      %dma_start3A_271 = tpu.memref_slice %arg10[%dma_start3A_269, %dma_start3A_270] : memref<10240x128xf32, #tpu.memory_space<vmem_shared>> -> memref<10240x128xf32, #tpu.memory_space<vmem_shared>>
      tpu.enqueue_indirect_dma source(%arg8 : memref<80x128xf32, #tpu.memory_space<vmem>>) target(%dma_start3A_271 : memref<10240x128xf32, #tpu.memory_space<vmem_shared>>) offsets(%dma_start3A_268 : memref<80xi32, #tpu.memory_space<vmem>>) semaphore(%run_scoped3A : memref<!tpu.dma_semaphore, #tpu.memory_space<semaphore_mem>>) {add = true}
      %dma_wait3A_272 = arith.constant 9920 : i32
      %dma_wait3A_273 = tpu.memref_slice %arg7[%dma_wait3A_272] : memref<10000xi32, #tpu.memory_space<vmem>> -> memref<80xi32, #tpu.memory_space<vmem>>
      %dma_wait3A_274 = arith.constant 0 : i32
      %dma_wait3A_275 = arith.constant 0 : i32
      %dma_wait3A_276 = tpu.memref_slice %arg10[%dma_wait3A_274, %dma_wait3A_275] : memref<10240x128xf32, #tpu.memory_space<vmem_shared>> -> memref<10240x128xf32, #tpu.memory_space<vmem_shared>>
      tpu.wait_indirect_dma semaphore(%run_scoped3A : memref<!tpu.dma_semaphore, #tpu.memory_space<semaphore_mem>>) src(%arg8 : memref<80x128xf32, #tpu.memory_space<vmem>>) dst(%dma_wait3A_276 : memref<10240x128xf32, #tpu.memory_space<vmem_shared>>)
      tpu.yield
    }) : () -> ()
    %barrier3A_122 = arith.constant 0 : index
    tpu.barrier barrier_id(%barrier3A_122)
    %add3A_123 = arith.constant 0 : i32
    %add3A_124 = arith.addi %mul3A_7, %add3A_123 : i32
    "tpu.region"() ({
      %run_scoped3A = tpu.sem_alloc : memref<!tpu.dma_semaphore, #tpu.memory_space<semaphore_mem>>
      %dma_start3A_267 = arith.constant 0 : i32
      %dma_start3A_268 = tpu.memref_slice %arg10[%add3A_124, %dma_start3A_267] : memref<10240x128xf32, #tpu.memory_space<vmem_shared>> -> memref<80x128xf32, #tpu.memory_space<vmem_shared>>
      %dma_start3A_269 = arith.constant 0 : i32
      %dma_start3A_270 = tpu.memref_slice %arg10[%add3A_124, %dma_start3A_269] : memref<10240x128xf32, #tpu.memory_space<vmem_shared>> -> memref<80x128xf32, #tpu.memory_space<vmem_shared>>
      tpu.enqueue_dma source(%dma_start3A_270 : memref<80x128xf32, #tpu.memory_space<vmem_shared>>) target(%arg8 : memref<80x128xf32, #tpu.memory_space<vmem>>) target_semaphore(%run_scoped3A : memref<!tpu.dma_semaphore, #tpu.memory_space<semaphore_mem>>)
      %dma_wait3A_271 = arith.constant 0 : i32
      %dma_wait3A_272 = tpu.memref_slice %arg10[%add3A_124, %dma_wait3A_271] : memref<10240x128xf32, #tpu.memory_space<vmem_shared>> -> memref<80x128xf32, #tpu.memory_space<vmem_shared>>
      %dma_wait3A_273 = arith.constant 0 : i32
      %dma_wait3A_274 = tpu.memref_slice %arg10[%add3A_124, %dma_wait3A_273] : memref<10240x128xf32, #tpu.memory_space<vmem_shared>> -> memref<80x128xf32, #tpu.memory_space<vmem_shared>>
      tpu.wait_dma2 semaphore(%run_scoped3A : memref<!tpu.dma_semaphore, #tpu.memory_space<semaphore_mem>>) src(%dma_wait3A_274 : memref<80x128xf32, #tpu.memory_space<vmem_shared>>) dst(%arg8 : memref<80x128xf32, #tpu.memory_space<vmem>>)
      tpu.yield
    }) : () -> ()
    %add3A_125 = arith.constant 0 : i32
    %add3A_126 = arith.addi %mul3A_7, %add3A_125 : i32
    %dma_start3A_127 = arith.constant 0 : i32
    %dma_start3A_128 = tpu.memref_slice %arg5[%arg0, %add3A_126, %dma_start3A_127] : memref<2x10240x128xf32, #tpu.memory_space<hbm>> -> memref<1x80x128xf32, #tpu.memory_space<hbm>>
    %dma_start3A_129 = tpu.memref_squeeze %dma_start3A_128 : memref<1x80x128xf32, #tpu.memory_space<hbm>> -> memref<80x128xf32, #tpu.memory_space<hbm>>
    %dma_start3A_130 = arith.constant 0 : i32
    %dma_start3A_131 = tpu.memref_slice %arg5[%arg0, %add3A_126, %dma_start3A_130] : memref<2x10240x128xf32, #tpu.memory_space<hbm>> -> memref<1x80x128xf32, #tpu.memory_space<hbm>>
    %dma_start3A_132 = tpu.memref_squeeze %dma_start3A_131 : memref<1x80x128xf32, #tpu.memory_space<hbm>> -> memref<80x128xf32, #tpu.memory_space<hbm>>
    tpu.enqueue_dma source(%arg8 : memref<80x128xf32, #tpu.memory_space<vmem>>) target(%dma_start3A_132 : memref<80x128xf32, #tpu.memory_space<hbm>>) target_semaphore(%arg13 : memref<!tpu.dma_semaphore, #tpu.memory_space<semaphore_mem>>)
    %add3A_133 = arith.constant 80 : i32
    %add3A_134 = arith.addi %mul3A_7, %add3A_133 : i32
    "tpu.region"() ({
      %run_scoped3A = tpu.sem_alloc : memref<!tpu.dma_semaphore, #tpu.memory_space<semaphore_mem>>
      %dma_start3A_267 = arith.constant 0 : i32
      %dma_start3A_268 = tpu.memref_slice %arg10[%add3A_134, %dma_start3A_267] : memref<10240x128xf32, #tpu.memory_space<vmem_shared>> -> memref<80x128xf32, #tpu.memory_space<vmem_shared>>
      %dma_start3A_269 = arith.constant 0 : i32
      %dma_start3A_270 = tpu.memref_slice %arg10[%add3A_134, %dma_start3A_269] : memref<10240x128xf32, #tpu.memory_space<vmem_shared>> -> memref<80x128xf32, #tpu.memory_space<vmem_shared>>
      tpu.enqueue_dma source(%dma_start3A_270 : memref<80x128xf32, #tpu.memory_space<vmem_shared>>) target(%arg9 : memref<80x128xf32, #tpu.memory_space<vmem>>) target_semaphore(%run_scoped3A : memref<!tpu.dma_semaphore, #tpu.memory_space<semaphore_mem>>)
      %dma_wait3A_271 = arith.constant 0 : i32
      %dma_wait3A_272 = tpu.memref_slice %arg10[%add3A_134, %dma_wait3A_271] : memref<10240x128xf32, #tpu.memory_space<vmem_shared>> -> memref<80x128xf32, #tpu.memory_space<vmem_shared>>
      %dma_wait3A_273 = arith.constant 0 : i32
      %dma_wait3A_274 = tpu.memref_slice %arg10[%add3A_134, %dma_wait3A_273] : memref<10240x128xf32, #tpu.memory_space<vmem_shared>> -> memref<80x128xf32, #tpu.memory_space<vmem_shared>>
      tpu.wait_dma2 semaphore(%run_scoped3A : memref<!tpu.dma_semaphore, #tpu.memory_space<semaphore_mem>>) src(%dma_wait3A_274 : memref<80x128xf32, #tpu.memory_space<vmem_shared>>) dst(%arg9 : memref<80x128xf32, #tpu.memory_space<vmem>>)
      tpu.yield
    }) : () -> ()
    %add3A_135 = arith.constant 80 : i32
    %add3A_136 = arith.addi %mul3A_7, %add3A_135 : i32
    %dma_start3A_137 = arith.constant 0 : i32
    %dma_start3A_138 = tpu.memref_slice %arg5[%arg0, %add3A_136, %dma_start3A_137] : memref<2x10240x128xf32, #tpu.memory_space<hbm>> -> memref<1x80x128xf32, #tpu.memory_space<hbm>>
    %dma_start3A_139 = tpu.memref_squeeze %dma_start3A_138 : memref<1x80x128xf32, #tpu.memory_space<hbm>> -> memref<80x128xf32, #tpu.memory_space<hbm>>
    %dma_start3A_140 = arith.constant 0 : i32
    %dma_start3A_141 = tpu.memref_slice %arg5[%arg0, %add3A_136, %dma_start3A_140] : memref<2x10240x128xf32, #tpu.memory_space<hbm>> -> memref<1x80x128xf32, #tpu.memory_space<hbm>>
    %dma_start3A_142 = tpu.memref_squeeze %dma_start3A_141 : memref<1x80x128xf32, #tpu.memory_space<hbm>> -> memref<80x128xf32, #tpu.memory_space<hbm>>
    tpu.enqueue_dma source(%arg9 : memref<80x128xf32, #tpu.memory_space<vmem>>) target(%dma_start3A_142 : memref<80x128xf32, #tpu.memory_space<hbm>>) target_semaphore(%arg13 : memref<!tpu.dma_semaphore, #tpu.memory_space<semaphore_mem>>)
    %add3A_143 = arith.constant 0 : i32
    %add3A_144 = arith.addi %mul3A_7, %add3A_143 : i32
    %dma_wait3A_145 = arith.constant 0 : i32
    %dma_wait3A_146 = tpu.memref_slice %arg5[%arg0, %add3A_144, %dma_wait3A_145] : memref<2x10240x128xf32, #tpu.memory_space<hbm>> -> memref<1x80x128xf32, #tpu.memory_space<hbm>>
    %dma_wait3A_147 = tpu.memref_squeeze %dma_wait3A_146 : memref<1x80x128xf32, #tpu.memory_space<hbm>> -> memref<80x128xf32, #tpu.memory_space<hbm>>
    %dma_wait3A_148 = arith.constant 0 : i32
    %dma_wait3A_149 = tpu.memref_slice %arg5[%arg0, %add3A_144, %dma_wait3A_148] : memref<2x10240x128xf32, #tpu.memory_space<hbm>> -> memref<1x80x128xf32, #tpu.memory_space<hbm>>
    %dma_wait3A_150 = tpu.memref_squeeze %dma_wait3A_149 : memref<1x80x128xf32, #tpu.memory_space<hbm>> -> memref<80x128xf32, #tpu.memory_space<hbm>>
    tpu.wait_dma2 semaphore(%arg13 : memref<!tpu.dma_semaphore, #tpu.memory_space<semaphore_mem>>) src(%arg8 : memref<80x128xf32, #tpu.memory_space<vmem>>) dst(%dma_wait3A_150 : memref<80x128xf32, #tpu.memory_space<hbm>>)
    %add3A_151 = arith.constant 160 : i32
    %add3A_152 = arith.addi %mul3A_7, %add3A_151 : i32
    "tpu.region"() ({
      %run_scoped3A = tpu.sem_alloc : memref<!tpu.dma_semaphore, #tpu.memory_space<semaphore_mem>>
      %dma_start3A_267 = arith.constant 0 : i32
      %dma_start3A_268 = tpu.memref_slice %arg10[%add3A_152, %dma_start3A_267] : memref<10240x128xf32, #tpu.memory_space<vmem_shared>> -> memref<80x128xf32, #tpu.memory_space<vmem_shared>>
      %dma_start3A_269 = arith.constant 0 : i32
      %dma_start3A_270 = tpu.memref_slice %arg10[%add3A_152, %dma_start3A_269] : memref<10240x128xf32, #tpu.memory_space<vmem_shared>> -> memref<80x128xf32, #tpu.memory_space<vmem_shared>>
      tpu.enqueue_dma source(%dma_start3A_270 : memref<80x128xf32, #tpu.memory_space<vmem_shared>>) target(%arg8 : memref<80x128xf32, #tpu.memory_space<vmem>>) target_semaphore(%run_scoped3A : memref<!tpu.dma_semaphore, #tpu.memory_space<semaphore_mem>>)
      %dma_wait3A_271 = arith.constant 0 : i32
      %dma_wait3A_272 = tpu.memref_slice %arg10[%add3A_152, %dma_wait3A_271] : memref<10240x128xf32, #tpu.memory_space<vmem_shared>> -> memref<80x128xf32, #tpu.memory_space<vmem_shared>>
      %dma_wait3A_273 = arith.constant 0 : i32
      %dma_wait3A_274 = tpu.memref_slice %arg10[%add3A_152, %dma_wait3A_273] : memref<10240x128xf32, #tpu.memory_space<vmem_shared>> -> memref<80x128xf32, #tpu.memory_space<vmem_shared>>
      tpu.wait_dma2 semaphore(%run_scoped3A : memref<!tpu.dma_semaphore, #tpu.memory_space<semaphore_mem>>) src(%dma_wait3A_274 : memref<80x128xf32, #tpu.memory_space<vmem_shared>>) dst(%arg8 : memref<80x128xf32, #tpu.memory_space<vmem>>)
      tpu.yield
    }) : () -> ()
    %add3A_153 = arith.constant 160 : i32
    %add3A_154 = arith.addi %mul3A_7, %add3A_153 : i32
    %dma_start3A_155 = arith.constant 0 : i32
    %dma_start3A_156 = tpu.memref_slice %arg5[%arg0, %add3A_154, %dma_start3A_155] : memref<2x10240x128xf32, #tpu.memory_space<hbm>> -> memref<1x80x128xf32, #tpu.memory_space<hbm>>
    %dma_start3A_157 = tpu.memref_squeeze %dma_start3A_156 : memref<1x80x128xf32, #tpu.memory_space<hbm>> -> memref<80x128xf32, #tpu.memory_space<hbm>>
    %dma_start3A_158 = arith.constant 0 : i32
    %dma_start3A_159 = tpu.memref_slice %arg5[%arg0, %add3A_154, %dma_start3A_158] : memref<2x10240x128xf32, #tpu.memory_space<hbm>> -> memref<1x80x128xf32, #tpu.memory_space<hbm>>
    %dma_start3A_160 = tpu.memref_squeeze %dma_start3A_159 : memref<1x80x128xf32, #tpu.memory_space<hbm>> -> memref<80x128xf32, #tpu.memory_space<hbm>>
    tpu.enqueue_dma source(%arg8 : memref<80x128xf32, #tpu.memory_space<vmem>>) target(%dma_start3A_160 : memref<80x128xf32, #tpu.memory_space<hbm>>) target_semaphore(%arg13 : memref<!tpu.dma_semaphore, #tpu.memory_space<semaphore_mem>>)
    %add3A_161 = arith.constant 80 : i32
    %add3A_162 = arith.addi %mul3A_7, %add3A_161 : i32
    %dma_wait3A_163 = arith.constant 0 : i32
    %dma_wait3A_164 = tpu.memref_slice %arg5[%arg0, %add3A_162, %dma_wait3A_163] : memref<2x10240x128xf32, #tpu.memory_space<hbm>> -> memref<1x80x128xf32, #tpu.memory_space<hbm>>
    %dma_wait3A_165 = tpu.memref_squeeze %dma_wait3A_164 : memref<1x80x128xf32, #tpu.memory_space<hbm>> -> memref<80x128xf32, #tpu.memory_space<hbm>>
    %dma_wait3A_166 = arith.constant 0 : i32
    %dma_wait3A_167 = tpu.memref_slice %arg5[%arg0, %add3A_162, %dma_wait3A_166] : memref<2x10240x128xf32, #tpu.memory_space<hbm>> -> memref<1x80x128xf32, #tpu.memory_space<hbm>>
    %dma_wait3A_168 = tpu.memref_squeeze %dma_wait3A_167 : memref<1x80x128xf32, #tpu.memory_space<hbm>> -> memref<80x128xf32, #tpu.memory_space<hbm>>
    tpu.wait_dma2 semaphore(%arg13 : memref<!tpu.dma_semaphore, #tpu.memory_space<semaphore_mem>>) src(%arg9 : memref<80x128xf32, #tpu.memory_space<vmem>>) dst(%dma_wait3A_168 : memref<80x128xf32, #tpu.memory_space<hbm>>)
    %add3A_169 = arith.constant 240 : i32
    %add3A_170 = arith.addi %mul3A_7, %add3A_169 : i32
    "tpu.region"() ({
      %run_scoped3A = tpu.sem_alloc : memref<!tpu.dma_semaphore, #tpu.memory_space<semaphore_mem>>
      %dma_start3A_267 = arith.constant 0 : i32
      %dma_start3A_268 = tpu.memref_slice %arg10[%add3A_170, %dma_start3A_267] : memref<10240x128xf32, #tpu.memory_space<vmem_shared>> -> memref<80x128xf32, #tpu.memory_space<vmem_shared>>
      %dma_start3A_269 = arith.constant 0 : i32
      %dma_start3A_270 = tpu.memref_slice %arg10[%add3A_170, %dma_start3A_269] : memref<10240x128xf32, #tpu.memory_space<vmem_shared>> -> memref<80x128xf32, #tpu.memory_space<vmem_shared>>
      tpu.enqueue_dma source(%dma_start3A_270 : memref<80x128xf32, #tpu.memory_space<vmem_shared>>) target(%arg9 : memref<80x128xf32, #tpu.memory_space<vmem>>) target_semaphore(%run_scoped3A : memref<!tpu.dma_semaphore, #tpu.memory_space<semaphore_mem>>)
      %dma_wait3A_271 = arith.constant 0 : i32
      %dma_wait3A_272 = tpu.memref_slice %arg10[%add3A_170, %dma_wait3A_271] : memref<10240x128xf32, #tpu.memory_space<vmem_shared>> -> memref<80x128xf32, #tpu.memory_space<vmem_shared>>
      %dma_wait3A_273 = arith.constant 0 : i32
      %dma_wait3A_274 = tpu.memref_slice %arg10[%add3A_170, %dma_wait3A_273] : memref<10240x128xf32, #tpu.memory_space<vmem_shared>> -> memref<80x128xf32, #tpu.memory_space<vmem_shared>>
      tpu.wait_dma2 semaphore(%run_scoped3A : memref<!tpu.dma_semaphore, #tpu.memory_space<semaphore_mem>>) src(%dma_wait3A_274 : memref<80x128xf32, #tpu.memory_space<vmem_shared>>) dst(%arg9 : memref<80x128xf32, #tpu.memory_space<vmem>>)
      tpu.yield
    }) : () -> ()
    %add3A_171 = arith.constant 240 : i32
    %add3A_172 = arith.addi %mul3A_7, %add3A_171 : i32
    %dma_start3A_173 = arith.constant 0 : i32
    %dma_start3A_174 = tpu.memref_slice %arg5[%arg0, %add3A_172, %dma_start3A_173] : memref<2x10240x128xf32, #tpu.memory_space<hbm>> -> memref<1x80x128xf32, #tpu.memory_space<hbm>>
    %dma_start3A_175 = tpu.memref_squeeze %dma_start3A_174 : memref<1x80x128xf32, #tpu.memory_space<hbm>> -> memref<80x128xf32, #tpu.memory_space<hbm>>
    %dma_start3A_176 = arith.constant 0 : i32
    %dma_start3A_177 = tpu.memref_slice %arg5[%arg0, %add3A_172, %dma_start3A_176] : memref<2x10240x128xf32, #tpu.memory_space<hbm>> -> memref<1x80x128xf32, #tpu.memory_space<hbm>>
    %dma_start3A_178 = tpu.memref_squeeze %dma_start3A_177 : memref<1x80x128xf32, #tpu.memory_space<hbm>> -> memref<80x128xf32, #tpu.memory_space<hbm>>
    tpu.enqueue_dma source(%arg9 : memref<80x128xf32, #tpu.memory_space<vmem>>) target(%dma_start3A_178 : memref<80x128xf32, #tpu.memory_space<hbm>>) target_semaphore(%arg13 : memref<!tpu.dma_semaphore, #tpu.memory_space<semaphore_mem>>)
    %add3A_179 = arith.constant 160 : i32
    %add3A_180 = arith.addi %mul3A_7, %add3A_179 : i32
    %dma_wait3A_181 = arith.constant 0 : i32
    %dma_wait3A_182 = tpu.memref_slice %arg5[%arg0, %add3A_180, %dma_wait3A_181] : memref<2x10240x128xf32, #tpu.memory_space<hbm>> -> memref<1x80x128xf32, #tpu.memory_space<hbm>>
    %dma_wait3A_183 = tpu.memref_squeeze %dma_wait3A_182 : memref<1x80x128xf32, #tpu.memory_space<hbm>> -> memref<80x128xf32, #tpu.memory_space<hbm>>
    %dma_wait3A_184 = arith.constant 0 : i32
    %dma_wait3A_185 = tpu.memref_slice %arg5[%arg0, %add3A_180, %dma_wait3A_184] : memref<2x10240x128xf32, #tpu.memory_space<hbm>> -> memref<1x80x128xf32, #tpu.memory_space<hbm>>
    %dma_wait3A_186 = tpu.memref_squeeze %dma_wait3A_185 : memref<1x80x128xf32, #tpu.memory_space<hbm>> -> memref<80x128xf32, #tpu.memory_space<hbm>>
    tpu.wait_dma2 semaphore(%arg13 : memref<!tpu.dma_semaphore, #tpu.memory_space<semaphore_mem>>) src(%arg8 : memref<80x128xf32, #tpu.memory_space<vmem>>) dst(%dma_wait3A_186 : memref<80x128xf32, #tpu.memory_space<hbm>>)
    %add3A_187 = arith.constant 320 : i32
    %add3A_188 = arith.addi %mul3A_7, %add3A_187 : i32
    "tpu.region"() ({
      %run_scoped3A = tpu.sem_alloc : memref<!tpu.dma_semaphore, #tpu.memory_space<semaphore_mem>>
      %dma_start3A_267 = arith.constant 0 : i32
      %dma_start3A_268 = tpu.memref_slice %arg10[%add3A_188, %dma_start3A_267] : memref<10240x128xf32, #tpu.memory_space<vmem_shared>> -> memref<80x128xf32, #tpu.memory_space<vmem_shared>>
      %dma_start3A_269 = arith.constant 0 : i32
      %dma_start3A_270 = tpu.memref_slice %arg10[%add3A_188, %dma_start3A_269] : memref<10240x128xf32, #tpu.memory_space<vmem_shared>> -> memref<80x128xf32, #tpu.memory_space<vmem_shared>>
      tpu.enqueue_dma source(%dma_start3A_270 : memref<80x128xf32, #tpu.memory_space<vmem_shared>>) target(%arg8 : memref<80x128xf32, #tpu.memory_space<vmem>>) target_semaphore(%run_scoped3A : memref<!tpu.dma_semaphore, #tpu.memory_space<semaphore_mem>>)
      %dma_wait3A_271 = arith.constant 0 : i32
      %dma_wait3A_272 = tpu.memref_slice %arg10[%add3A_188, %dma_wait3A_271] : memref<10240x128xf32, #tpu.memory_space<vmem_shared>> -> memref<80x128xf32, #tpu.memory_space<vmem_shared>>
      %dma_wait3A_273 = arith.constant 0 : i32
      %dma_wait3A_274 = tpu.memref_slice %arg10[%add3A_188, %dma_wait3A_273] : memref<10240x128xf32, #tpu.memory_space<vmem_shared>> -> memref<80x128xf32, #tpu.memory_space<vmem_shared>>
      tpu.wait_dma2 semaphore(%run_scoped3A : memref<!tpu.dma_semaphore, #tpu.memory_space<semaphore_mem>>) src(%dma_wait3A_274 : memref<80x128xf32, #tpu.memory_space<vmem_shared>>) dst(%arg8 : memref<80x128xf32, #tpu.memory_space<vmem>>)
      tpu.yield
    }) : () -> ()
    %add3A_189 = arith.constant 320 : i32
    %add3A_190 = arith.addi %mul3A_7, %add3A_189 : i32
    %dma_start3A_191 = arith.constant 0 : i32
    %dma_start3A_192 = tpu.memref_slice %arg5[%arg0, %add3A_190, %dma_start3A_191] : memref<2x10240x128xf32, #tpu.memory_space<hbm>> -> memref<1x80x128xf32, #tpu.memory_space<hbm>>
    %dma_start3A_193 = tpu.memref_squeeze %dma_start3A_192 : memref<1x80x128xf32, #tpu.memory_space<hbm>> -> memref<80x128xf32, #tpu.memory_space<hbm>>
    %dma_start3A_194 = arith.constant 0 : i32
    %dma_start3A_195 = tpu.memref_slice %arg5[%arg0, %add3A_190, %dma_start3A_194] : memref<2x10240x128xf32, #tpu.memory_space<hbm>> -> memref<1x80x128xf32, #tpu.memory_space<hbm>>
    %dma_start3A_196 = tpu.memref_squeeze %dma_start3A_195 : memref<1x80x128xf32, #tpu.memory_space<hbm>> -> memref<80x128xf32, #tpu.memory_space<hbm>>
    tpu.enqueue_dma source(%arg8 : memref<80x128xf32, #tpu.memory_space<vmem>>) target(%dma_start3A_196 : memref<80x128xf32, #tpu.memory_space<hbm>>) target_semaphore(%arg13 : memref<!tpu.dma_semaphore, #tpu.memory_space<semaphore_mem>>)
    %add3A_197 = arith.constant 240 : i32
    %add3A_198 = arith.addi %mul3A_7, %add3A_197 : i32
    %dma_wait3A_199 = arith.constant 0 : i32
    %dma_wait3A_200 = tpu.memref_slice %arg5[%arg0, %add3A_198, %dma_wait3A_199] : memref<2x10240x128xf32, #tpu.memory_space<hbm>> -> memref<1x80x128xf32, #tpu.memory_space<hbm>>
    %dma_wait3A_201 = tpu.memref_squeeze %dma_wait3A_200 : memref<1x80x128xf32, #tpu.memory_space<hbm>> -> memref<80x128xf32, #tpu.memory_space<hbm>>
    %dma_wait3A_202 = arith.constant 0 : i32
    %dma_wait3A_203 = tpu.memref_slice %arg5[%arg0, %add3A_198, %dma_wait3A_202] : memref<2x10240x128xf32, #tpu.memory_space<hbm>> -> memref<1x80x128xf32, #tpu.memory_space<hbm>>
    %dma_wait3A_204 = tpu.memref_squeeze %dma_wait3A_203 : memref<1x80x128xf32, #tpu.memory_space<hbm>> -> memref<80x128xf32, #tpu.memory_space<hbm>>
    tpu.wait_dma2 semaphore(%arg13 : memref<!tpu.dma_semaphore, #tpu.memory_space<semaphore_mem>>) src(%arg9 : memref<80x128xf32, #tpu.memory_space<vmem>>) dst(%dma_wait3A_204 : memref<80x128xf32, #tpu.memory_space<hbm>>)
    %add3A_205 = arith.constant 400 : i32
    %add3A_206 = arith.addi %mul3A_7, %add3A_205 : i32
    "tpu.region"() ({
      %run_scoped3A = tpu.sem_alloc : memref<!tpu.dma_semaphore, #tpu.memory_space<semaphore_mem>>
      %dma_start3A_267 = arith.constant 0 : i32
      %dma_start3A_268 = tpu.memref_slice %arg10[%add3A_206, %dma_start3A_267] : memref<10240x128xf32, #tpu.memory_space<vmem_shared>> -> memref<80x128xf32, #tpu.memory_space<vmem_shared>>
      %dma_start3A_269 = arith.constant 0 : i32
      %dma_start3A_270 = tpu.memref_slice %arg10[%add3A_206, %dma_start3A_269] : memref<10240x128xf32, #tpu.memory_space<vmem_shared>> -> memref<80x128xf32, #tpu.memory_space<vmem_shared>>
      tpu.enqueue_dma source(%dma_start3A_270 : memref<80x128xf32, #tpu.memory_space<vmem_shared>>) target(%arg9 : memref<80x128xf32, #tpu.memory_space<vmem>>) target_semaphore(%run_scoped3A : memref<!tpu.dma_semaphore, #tpu.memory_space<semaphore_mem>>)
      %dma_wait3A_271 = arith.constant 0 : i32
      %dma_wait3A_272 = tpu.memref_slice %arg10[%add3A_206, %dma_wait3A_271] : memref<10240x128xf32, #tpu.memory_space<vmem_shared>> -> memref<80x128xf32, #tpu.memory_space<vmem_shared>>
      %dma_wait3A_273 = arith.constant 0 : i32
      %dma_wait3A_274 = tpu.memref_slice %arg10[%add3A_206, %dma_wait3A_273] : memref<10240x128xf32, #tpu.memory_space<vmem_shared>> -> memref<80x128xf32, #tpu.memory_space<vmem_shared>>
      tpu.wait_dma2 semaphore(%run_scoped3A : memref<!tpu.dma_semaphore, #tpu.memory_space<semaphore_mem>>) src(%dma_wait3A_274 : memref<80x128xf32, #tpu.memory_space<vmem_shared>>) dst(%arg9 : memref<80x128xf32, #tpu.memory_space<vmem>>)
      tpu.yield
    }) : () -> ()
    %add3A_207 = arith.constant 400 : i32
    %add3A_208 = arith.addi %mul3A_7, %add3A_207 : i32
    %dma_start3A_209 = arith.constant 0 : i32
    %dma_start3A_210 = tpu.memref_slice %arg5[%arg0, %add3A_208, %dma_start3A_209] : memref<2x10240x128xf32, #tpu.memory_space<hbm>> -> memref<1x80x128xf32, #tpu.memory_space<hbm>>
    %dma_start3A_211 = tpu.memref_squeeze %dma_start3A_210 : memref<1x80x128xf32, #tpu.memory_space<hbm>> -> memref<80x128xf32, #tpu.memory_space<hbm>>
    %dma_start3A_212 = arith.constant 0 : i32
    %dma_start3A_213 = tpu.memref_slice %arg5[%arg0, %add3A_208, %dma_start3A_212] : memref<2x10240x128xf32, #tpu.memory_space<hbm>> -> memref<1x80x128xf32, #tpu.memory_space<hbm>>
    %dma_start3A_214 = tpu.memref_squeeze %dma_start3A_213 : memref<1x80x128xf32, #tpu.memory_space<hbm>> -> memref<80x128xf32, #tpu.memory_space<hbm>>
    tpu.enqueue_dma source(%arg9 : memref<80x128xf32, #tpu.memory_space<vmem>>) target(%dma_start3A_214 : memref<80x128xf32, #tpu.memory_space<hbm>>) target_semaphore(%arg13 : memref<!tpu.dma_semaphore, #tpu.memory_space<semaphore_mem>>)
    %add3A_215 = arith.constant 320 : i32
    %add3A_216 = arith.addi %mul3A_7, %add3A_215 : i32
    %dma_wait3A_217 = arith.constant 0 : i32
    %dma_wait3A_218 = tpu.memref_slice %arg5[%arg0, %add3A_216, %dma_wait3A_217] : memref<2x10240x128xf32, #tpu.memory_space<hbm>> -> memref<1x80x128xf32, #tpu.memory_space<hbm>>
    %dma_wait3A_219 = tpu.memref_squeeze %dma_wait3A_218 : memref<1x80x128xf32, #tpu.memory_space<hbm>> -> memref<80x128xf32, #tpu.memory_space<hbm>>
    %dma_wait3A_220 = arith.constant 0 : i32
    %dma_wait3A_221 = tpu.memref_slice %arg5[%arg0, %add3A_216, %dma_wait3A_220] : memref<2x10240x128xf32, #tpu.memory_space<hbm>> -> memref<1x80x128xf32, #tpu.memory_space<hbm>>
    %dma_wait3A_222 = tpu.memref_squeeze %dma_wait3A_221 : memref<1x80x128xf32, #tpu.memory_space<hbm>> -> memref<80x128xf32, #tpu.memory_space<hbm>>
    tpu.wait_dma2 semaphore(%arg13 : memref<!tpu.dma_semaphore, #tpu.memory_space<semaphore_mem>>) src(%arg8 : memref<80x128xf32, #tpu.memory_space<vmem>>) dst(%dma_wait3A_222 : memref<80x128xf32, #tpu.memory_space<hbm>>)
    %add3A_223 = arith.constant 480 : i32
    %add3A_224 = arith.addi %mul3A_7, %add3A_223 : i32
    "tpu.region"() ({
      %run_scoped3A = tpu.sem_alloc : memref<!tpu.dma_semaphore, #tpu.memory_space<semaphore_mem>>
      %dma_start3A_267 = arith.constant 0 : i32
      %dma_start3A_268 = tpu.memref_slice %arg10[%add3A_224, %dma_start3A_267] : memref<10240x128xf32, #tpu.memory_space<vmem_shared>> -> memref<80x128xf32, #tpu.memory_space<vmem_shared>>
      %dma_start3A_269 = arith.constant 0 : i32
      %dma_start3A_270 = tpu.memref_slice %arg10[%add3A_224, %dma_start3A_269] : memref<10240x128xf32, #tpu.memory_space<vmem_shared>> -> memref<80x128xf32, #tpu.memory_space<vmem_shared>>
      tpu.enqueue_dma source(%dma_start3A_270 : memref<80x128xf32, #tpu.memory_space<vmem_shared>>) target(%arg8 : memref<80x128xf32, #tpu.memory_space<vmem>>) target_semaphore(%run_scoped3A : memref<!tpu.dma_semaphore, #tpu.memory_space<semaphore_mem>>)
      %dma_wait3A_271 = arith.constant 0 : i32
      %dma_wait3A_272 = tpu.memref_slice %arg10[%add3A_224, %dma_wait3A_271] : memref<10240x128xf32, #tpu.memory_space<vmem_shared>> -> memref<80x128xf32, #tpu.memory_space<vmem_shared>>
      %dma_wait3A_273 = arith.constant 0 : i32
      %dma_wait3A_274 = tpu.memref_slice %arg10[%add3A_224, %dma_wait3A_273] : memref<10240x128xf32, #tpu.memory_space<vmem_shared>> -> memref<80x128xf32, #tpu.memory_space<vmem_shared>>
      tpu.wait_dma2 semaphore(%run_scoped3A : memref<!tpu.dma_semaphore, #tpu.memory_space<semaphore_mem>>) src(%dma_wait3A_274 : memref<80x128xf32, #tpu.memory_space<vmem_shared>>) dst(%arg8 : memref<80x128xf32, #tpu.memory_space<vmem>>)
      tpu.yield
    }) : () -> ()
    %add3A_225 = arith.constant 480 : i32
    %add3A_226 = arith.addi %mul3A_7, %add3A_225 : i32
    %dma_start3A_227 = arith.constant 0 : i32
    %dma_start3A_228 = tpu.memref_slice %arg5[%arg0, %add3A_226, %dma_start3A_227] : memref<2x10240x128xf32, #tpu.memory_space<hbm>> -> memref<1x80x128xf32, #tpu.memory_space<hbm>>
    %dma_start3A_229 = tpu.memref_squeeze %dma_start3A_228 : memref<1x80x128xf32, #tpu.memory_space<hbm>> -> memref<80x128xf32, #tpu.memory_space<hbm>>
    %dma_start3A_230 = arith.constant 0 : i32
    %dma_start3A_231 = tpu.memref_slice %arg5[%arg0, %add3A_226, %dma_start3A_230] : memref<2x10240x128xf32, #tpu.memory_space<hbm>> -> memref<1x80x128xf32, #tpu.memory_space<hbm>>
    %dma_start3A_232 = tpu.memref_squeeze %dma_start3A_231 : memref<1x80x128xf32, #tpu.memory_space<hbm>> -> memref<80x128xf32, #tpu.memory_space<hbm>>
    tpu.enqueue_dma source(%arg8 : memref<80x128xf32, #tpu.memory_space<vmem>>) target(%dma_start3A_232 : memref<80x128xf32, #tpu.memory_space<hbm>>) target_semaphore(%arg13 : memref<!tpu.dma_semaphore, #tpu.memory_space<semaphore_mem>>)
    %add3A_233 = arith.constant 400 : i32
    %add3A_234 = arith.addi %mul3A_7, %add3A_233 : i32
    %dma_wait3A_235 = arith.constant 0 : i32
    %dma_wait3A_236 = tpu.memref_slice %arg5[%arg0, %add3A_234, %dma_wait3A_235] : memref<2x10240x128xf32, #tpu.memory_space<hbm>> -> memref<1x80x128xf32, #tpu.memory_space<hbm>>
    %dma_wait3A_237 = tpu.memref_squeeze %dma_wait3A_236 : memref<1x80x128xf32, #tpu.memory_space<hbm>> -> memref<80x128xf32, #tpu.memory_space<hbm>>
    %dma_wait3A_238 = arith.constant 0 : i32
    %dma_wait3A_239 = tpu.memref_slice %arg5[%arg0, %add3A_234, %dma_wait3A_238] : memref<2x10240x128xf32, #tpu.memory_space<hbm>> -> memref<1x80x128xf32, #tpu.memory_space<hbm>>
    %dma_wait3A_240 = tpu.memref_squeeze %dma_wait3A_239 : memref<1x80x128xf32, #tpu.memory_space<hbm>> -> memref<80x128xf32, #tpu.memory_space<hbm>>
    tpu.wait_dma2 semaphore(%arg13 : memref<!tpu.dma_semaphore, #tpu.memory_space<semaphore_mem>>) src(%arg9 : memref<80x128xf32, #tpu.memory_space<vmem>>) dst(%dma_wait3A_240 : memref<80x128xf32, #tpu.memory_space<hbm>>)
    %add3A_241 = arith.constant 560 : i32
    %add3A_242 = arith.addi %mul3A_7, %add3A_241 : i32
    "tpu.region"() ({
      %run_scoped3A = tpu.sem_alloc : memref<!tpu.dma_semaphore, #tpu.memory_space<semaphore_mem>>
      %dma_start3A_267 = arith.constant 0 : i32
      %dma_start3A_268 = tpu.memref_slice %arg10[%add3A_242, %dma_start3A_267] : memref<10240x128xf32, #tpu.memory_space<vmem_shared>> -> memref<80x128xf32, #tpu.memory_space<vmem_shared>>
      %dma_start3A_269 = arith.constant 0 : i32
      %dma_start3A_270 = tpu.memref_slice %arg10[%add3A_242, %dma_start3A_269] : memref<10240x128xf32, #tpu.memory_space<vmem_shared>> -> memref<80x128xf32, #tpu.memory_space<vmem_shared>>
      tpu.enqueue_dma source(%dma_start3A_270 : memref<80x128xf32, #tpu.memory_space<vmem_shared>>) target(%arg9 : memref<80x128xf32, #tpu.memory_space<vmem>>) target_semaphore(%run_scoped3A : memref<!tpu.dma_semaphore, #tpu.memory_space<semaphore_mem>>)
      %dma_wait3A_271 = arith.constant 0 : i32
      %dma_wait3A_272 = tpu.memref_slice %arg10[%add3A_242, %dma_wait3A_271] : memref<10240x128xf32, #tpu.memory_space<vmem_shared>> -> memref<80x128xf32, #tpu.memory_space<vmem_shared>>
      %dma_wait3A_273 = arith.constant 0 : i32
      %dma_wait3A_274 = tpu.memref_slice %arg10[%add3A_242, %dma_wait3A_273] : memref<10240x128xf32, #tpu.memory_space<vmem_shared>> -> memref<80x128xf32, #tpu.memory_space<vmem_shared>>
      tpu.wait_dma2 semaphore(%run_scoped3A : memref<!tpu.dma_semaphore, #tpu.memory_space<semaphore_mem>>) src(%dma_wait3A_274 : memref<80x128xf32, #tpu.memory_space<vmem_shared>>) dst(%arg9 : memref<80x128xf32, #tpu.memory_space<vmem>>)
      tpu.yield
    }) : () -> ()
    %add3A_243 = arith.constant 560 : i32
    %add3A_244 = arith.addi %mul3A_7, %add3A_243 : i32
    %dma_start3A_245 = arith.constant 0 : i32
    %dma_start3A_246 = tpu.memref_slice %arg5[%arg0, %add3A_244, %dma_start3A_245] : memref<2x10240x128xf32, #tpu.memory_space<hbm>> -> memref<1x80x128xf32, #tpu.memory_space<hbm>>
    %dma_start3A_247 = tpu.memref_squeeze %dma_start3A_246 : memref<1x80x128xf32, #tpu.memory_space<hbm>> -> memref<80x128xf32, #tpu.memory_space<hbm>>
    %dma_start3A_248 = arith.constant 0 : i32
    %dma_start3A_249 = tpu.memref_slice %arg5[%arg0, %add3A_244, %dma_start3A_248] : memref<2x10240x128xf32, #tpu.memory_space<hbm>> -> memref<1x80x128xf32, #tpu.memory_space<hbm>>
    %dma_start3A_250 = tpu.memref_squeeze %dma_start3A_249 : memref<1x80x128xf32, #tpu.memory_space<hbm>> -> memref<80x128xf32, #tpu.memory_space<hbm>>
    tpu.enqueue_dma source(%arg9 : memref<80x128xf32, #tpu.memory_space<vmem>>) target(%dma_start3A_250 : memref<80x128xf32, #tpu.memory_space<hbm>>) target_semaphore(%arg13 : memref<!tpu.dma_semaphore, #tpu.memory_space<semaphore_mem>>)
    %add3A_251 = arith.constant 480 : i32
    %add3A_252 = arith.addi %mul3A_7, %add3A_251 : i32
    %dma_wait3A_253 = arith.constant 0 : i32
    %dma_wait3A_254 = tpu.memref_slice %arg5[%arg0, %add3A_252, %dma_wait3A_253] : memref<2x10240x128xf32, #tpu.memory_space<hbm>> -> memref<1x80x128xf32, #tpu.memory_space<hbm>>
    %dma_wait3A_255 = tpu.memref_squeeze %dma_wait3A_254 : memref<1x80x128xf32, #tpu.memory_space<hbm>> -> memref<80x128xf32, #tpu.memory_space<hbm>>
    %dma_wait3A_256 = arith.constant 0 : i32
    %dma_wait3A_257 = tpu.memref_slice %arg5[%arg0, %add3A_252, %dma_wait3A_256] : memref<2x10240x128xf32, #tpu.memory_space<hbm>> -> memref<1x80x128xf32, #tpu.memory_space<hbm>>
    %dma_wait3A_258 = tpu.memref_squeeze %dma_wait3A_257 : memref<1x80x128xf32, #tpu.memory_space<hbm>> -> memref<80x128xf32, #tpu.memory_space<hbm>>
    tpu.wait_dma2 semaphore(%arg13 : memref<!tpu.dma_semaphore, #tpu.memory_space<semaphore_mem>>) src(%arg8 : memref<80x128xf32, #tpu.memory_space<vmem>>) dst(%dma_wait3A_258 : memref<80x128xf32, #tpu.memory_space<hbm>>)
    %add3A_259 = arith.constant 560 : i32
    %add3A_260 = arith.addi %mul3A_7, %add3A_259 : i32
    %dma_wait3A_261 = arith.constant 0 : i32
    %dma_wait3A_262 = tpu.memref_slice %arg5[%arg0, %add3A_260, %dma_wait3A_261] : memref<2x10240x128xf32, #tpu.memory_space<hbm>> -> memref<1x80x128xf32, #tpu.memory_space<hbm>>
    %dma_wait3A_263 = tpu.memref_squeeze %dma_wait3A_262 : memref<1x80x128xf32, #tpu.memory_space<hbm>> -> memref<80x128xf32, #tpu.memory_space<hbm>>
    %dma_wait3A_264 = arith.constant 0 : i32
    %dma_wait3A_265 = tpu.memref_slice %arg5[%arg0, %add3A_260, %dma_wait3A_264] : memref<2x10240x128xf32, #tpu.memory_space<hbm>> -> memref<1x80x128xf32, #tpu.memory_space<hbm>>
    %dma_wait3A_266 = tpu.memref_squeeze %dma_wait3A_265 : memref<1x80x128xf32, #tpu.memory_space<hbm>> -> memref<80x128xf32, #tpu.memory_space<hbm>>
    tpu.wait_dma2 semaphore(%arg13 : memref<!tpu.dma_semaphore, #tpu.memory_space<semaphore_mem>>) src(%arg9 : memref<80x128xf32, #tpu.memory_space<vmem>>) dst(%dma_wait3A_266 : memref<80x128xf32, #tpu.memory_space<hbm>>)
    return
  }
}

#map = affine_map<(d0, d1) -> (0, 0)>
#map1 = affine_map<(d0, d1) -> (0)>
#map2 = affine_map<(d0, d1) -> (0, 0, 0)>
module attributes {stable_mosaic.version = 14 : i64} {
  func.func @scat_kernel(%arg0: i32, %arg1: i32, %arg2: memref<10000x128xf32, #tpu.memory_space<hbm>>, %arg3: memref<320000xi32, #tpu.memory_space<hbm>>, %arg4: memref<320000xi32, #tpu.memory_space<hbm>>, %arg5: memref<2x10240x128xf32, #tpu.memory_space<hbm>>, %arg6: memref<10000xi32, #tpu.memory_space<vmem>>, %arg7: memref<10000xi32, #tpu.memory_space<vmem>>, %arg8: memref<80x128xf32, #tpu.memory_space<vmem>>, %arg9: memref<80x128xf32, #tpu.memory_space<vmem>>, %arg10: memref<10240x128xf32, #tpu.memory_space<vmem_shared>>, %arg11: memref<!tpu.dma_semaphore, #tpu.memory_space<semaphore_mem>>, %arg12: memref<!tpu.dma_semaphore, #tpu.memory_space<semaphore_mem>>, %arg13: memref<!tpu.dma_semaphore, #tpu.memory_space<semaphore_mem>>) attributes {dimension_semantics = [#tpu.dimension_semantics<core_parallel>, #tpu.dimension_semantics<subcore_parallel>], iteration_bounds = array<i64: 2, 16>, scalar_prefetch = 0 : i64, scratch_operands = 8 : i64, tpu.core_type = #tpu.core_type<sc_vector_subcore>, window_params = [{transform_indices = #map}, {transform_indices = #map1}, {transform_indices = #map1}, {transform_indices = #map2}]} {
    %mul3A = arith.constant 16 : i32
    %mul3A_0 = arith.muli %arg0, %mul3A : i32
    %add3A = arith.addi %mul3A_0, %arg1 : i32
    %scan3A = arith.constant 0 : i32
    %scan3A_1 = arith.constant 0 : i32
    %scan3A_2 = arith.constant 80 : i32
    %scan3A_3 = arith.addi %scan3A_1, %scan3A_2 : i32
    %scan3A_4 = arith.constant 1 : i32
    scf.for %scan3A_267 = %scan3A_1 to %scan3A_3 step %scan3A_4  : i32 {
      %broadcast_in_dim3A = arith.constant 0.000000e+00 : f32
      %broadcast_in_dim3A_268 = vector.broadcast %broadcast_in_dim3A : f32 to vector<16xf32>
      %swap3A = arith.index_cast %scan3A_267 : i32 to index
      %swap3A_269 = arith.constant 0 : index
      %swap3A_270 = tpu.vector_load %arg8[%swap3A, %swap3A_269] {strides = array<i32>} : memref<80x128xf32, #tpu.memory_space<vmem>>, vector<1x16xf32>,
      %swap3A_271 = vector.shape_cast %swap3A_270 : vector<1x16xf32> to vector<16xf32>
      %swap3A_272 = vector.shape_cast %broadcast_in_dim3A_268 : vector<16xf32> to vector<1x16xf32>
      tpu.vector_store %arg8[%swap3A, %swap3A_269], %swap3A_272 {strides = array<i32>} : memref<80x128xf32, #tpu.memory_space<vmem>>, vector<1x16xf32>,
      %broadcast_in_dim3A_273 = arith.constant 0.000000e+00 : f32
      %broadcast_in_dim3A_274 = vector.broadcast %broadcast_in_dim3A_273 : f32 to vector<16xf32>
      %swap3A_275 = arith.index_cast %scan3A_267 : i32 to index
      %swap3A_276 = arith.constant 16 : index
      %swap3A_277 = tpu.vector_load %arg8[%swap3A_275, %swap3A_276] {strides = array<i32>} : memref<80x128xf32, #tpu.memory_space<vmem>>, vector<1x16xf32>,
      %swap3A_278 = vector.shape_cast %swap3A_277 : vector<1x16xf32> to vector<16xf32>
      %swap3A_279 = vector.shape_cast %broadcast_in_dim3A_274 : vector<16xf32> to vector<1x16xf32>
      tpu.vector_store %arg8[%swap3A_275, %swap3A_276], %swap3A_279 {strides = array<i32>} : memref<80x128xf32, #tpu.memory_space<vmem>>, vector<1x16xf32>,
      %broadcast_in_dim3A_280 = arith.constant 0.000000e+00 : f32
      %broadcast_in_dim3A_281 = vector.broadcast %broadcast_in_dim3A_280 : f32 to vector<16xf32>
      %swap3A_282 = arith.index_cast %scan3A_267 : i32 to index
      %swap3A_283 = arith.constant 32 : index
      %swap3A_284 = tpu.vector_load %arg8[%swap3A_282, %swap3A_283] {strides = array<i32>} : memref<80x128xf32, #tpu.memory_space<vmem>>, vector<1x16xf32>,
      %swap3A_285 = vector.shape_cast %swap3A_284 : vector<1x16xf32> to vector<16xf32>
      %swap3A_286 = vector.shape_cast %broadcast_in_dim3A_281 : vector<16xf32> to vector<1x16xf32>
      tpu.vector_store %arg8[%swap3A_282, %swap3A_283], %swap3A_286 {strides = array<i32>} : memref<80x128xf32, #tpu.memory_space<vmem>>, vector<1x16xf32>,
      %broadcast_in_dim3A_287 = arith.constant 0.000000e+00 : f32
      %broadcast_in_dim3A_288 = vector.broadcast %broadcast_in_dim3A_287 : f32 to vector<16xf32>
      %swap3A_289 = arith.index_cast %scan3A_267 : i32 to index
      %swap3A_290 = arith.constant 48 : index
      %swap3A_291 = tpu.vector_load %arg8[%swap3A_289, %swap3A_290] {strides = array<i32>} : memref<80x128xf32, #tpu.memory_space<vmem>>, vector<1x16xf32>,
      %swap3A_292 = vector.shape_cast %swap3A_291 : vector<1x16xf32> to vector<16xf32>
      %swap3A_293 = vector.shape_cast %broadcast_in_dim3A_288 : vector<16xf32> to vector<1x16xf32>
      tpu.vector_store %arg8[%swap3A_289, %swap3A_290], %swap3A_293 {strides = array<i32>} : memref<80x128xf32, #tpu.memory_space<vmem>>, vector<1x16xf32>,
      %broadcast_in_dim3A_294 = arith.constant 0.000000e+00 : f32
      %broadcast_in_dim3A_295 = vector.broadcast %broadcast_in_dim3A_294 : f32 to vector<16xf32>
      %swap3A_296 = arith.index_cast %scan3A_267 : i32 to index
      %swap3A_297 = arith.constant 64 : index
      %swap3A_298 = tpu.vector_load %arg8[%swap3A_296, %swap3A_297] {strides = array<i32>} : memref<80x128xf32, #tpu.memory_space<vmem>>, vector<1x16xf32>,
      %swap3A_299 = vector.shape_cast %swap3A_298 : vector<1x16xf32> to vector<16xf32>
      %swap3A_300 = vector.shape_cast %broadcast_in_dim3A_295 : vector<16xf32> to vector<1x16xf32>
      tpu.vector_store %arg8[%swap3A_296, %swap3A_297], %swap3A_300 {strides = array<i32>} : memref<80x128xf32, #tpu.memory_space<vmem>>, vector<1x16xf32>,
      %broadcast_in_dim3A_301 = arith.constant 0.000000e+00 : f32
      %broadcast_in_dim3A_302 = vector.broadcast %broadcast_in_dim3A_301 : f32 to vector<16xf32>
      %swap3A_303 = arith.index_cast %scan3A_267 : i32 to index
      %swap3A_304 = arith.constant 80 : index
      %swap3A_305 = tpu.vector_load %arg8[%swap3A_303, %swap3A_304] {strides = array<i32>} : memref<80x128xf32, #tpu.memory_space<vmem>>, vector<1x16xf32>,
      %swap3A_306 = vector.shape_cast %swap3A_305 : vector<1x16xf32> to vector<16xf32>
      %swap3A_307 = vector.shape_cast %broadcast_in_dim3A_302 : vector<16xf32> to vector<1x16xf32>
      tpu.vector_store %arg8[%swap3A_303, %swap3A_304], %swap3A_307 {strides = array<i32>} : memref<80x128xf32, #tpu.memory_space<vmem>>, vector<1x16xf32>,
      %broadcast_in_dim3A_308 = arith.constant 0.000000e+00 : f32
      %broadcast_in_dim3A_309 = vector.broadcast %broadcast_in_dim3A_308 : f32 to vector<16xf32>
      %swap3A_310 = arith.index_cast %scan3A_267 : i32 to index
      %swap3A_311 = arith.constant 96 : index
      %swap3A_312 = tpu.vector_load %arg8[%swap3A_310, %swap3A_311] {strides = array<i32>} : memref<80x128xf32, #tpu.memory_space<vmem>>, vector<1x16xf32>,
      %swap3A_313 = vector.shape_cast %swap3A_312 : vector<1x16xf32> to vector<16xf32>
      %swap3A_314 = vector.shape_cast %broadcast_in_dim3A_309 : vector<16xf32> to vector<1x16xf32>
      tpu.vector_store %arg8[%swap3A_310, %swap3A_311], %swap3A_314 {strides = array<i32>} : memref<80x128xf32, #tpu.memory_space<vmem>>, vector<1x16xf32>,
      %broadcast_in_dim3A_315 = arith.constant 0.000000e+00 : f32
      %broadcast_in_dim3A_316 = vector.broadcast %broadcast_in_dim3A_315 : f32 to vector<16xf32>
      %swap3A_317 = arith.index_cast %scan3A_267 : i32 to index
      %swap3A_318 = arith.constant 112 : index
      %swap3A_319 = tpu.vector_load %arg8[%swap3A_317, %swap3A_318] {strides = array<i32>} : memref<80x128xf32, #tpu.memory_space<vmem>>, vector<1x16xf32>,
      %swap3A_320 = vector.shape_cast %swap3A_319 : vector<1x16xf32> to vector<16xf32>
      %swap3A_321 = vector.shape_cast %broadcast_in_dim3A_316 : vector<16xf32> to vector<1x16xf32>
      tpu.vector_store %arg8[%swap3A_317, %swap3A_318], %swap3A_321 {strides = array<i32>} : memref<80x128xf32, #tpu.memory_space<vmem>>, vector<1x16xf32>,
    }
    %scan3A_5 = arith.constant 80 : i32
    %mul3A_6 = arith.constant 640 : i32
    %mul3A_7 = arith.muli %arg1, %mul3A_6 : i32
    %add3A_8 = arith.constant 0 : i32
    %add3A_9 = arith.addi %mul3A_7, %add3A_8 : i32
    %dma_start3A = arith.constant 0 : i32
    %dma_start3A_10 = tpu.memref_slice %arg10[%add3A_9, %dma_start3A] : memref<10240x128xf32, #tpu.memory_space<vmem_shared>> -> memref<80x128xf32, #tpu.memory_space<vmem_shared>>
    %dma_start3A_11 = arith.constant 0 : i32
    %dma_start3A_12 = tpu.memref_slice %arg10[%add3A_9, %dma_start3A_11] : memref<10240x128xf32, #tpu.memory_space<vmem_shared>> -> memref<80x128xf32, #tpu.memory_space<vmem_shared>>
    tpu.enqueue_dma source(%arg8 : memref<80x128xf32, #tpu.memory_space<vmem>>) target(%dma_start3A_12 : memref<80x128xf32, #tpu.memory_space<vmem_shared>>) target_semaphore(%arg13 : memref<!tpu.dma_semaphore, #tpu.memory_space<semaphore_mem>>)
    %add3A_13 = arith.constant 80 : i32
    %add3A_14 = arith.addi %mul3A_7, %add3A_13 : i32
    %dma_start3A_15 = arith.constant 0 : i32
    %dma_start3A_16 = tpu.memref_slice %arg10[%add3A_14, %dma_start3A_15] : memref<10240x128xf32, #tpu.memory_space<vmem_shared>> -> memref<80x128xf32, #tpu.memory_space<vmem_shared>>
    %dma_start3A_17 = arith.constant 0 : i32
    %dma_start3A_18 = tpu.memref_slice %arg10[%add3A_14, %dma_start3A_17] : memref<10240x128xf32, #tpu.memory_space<vmem_shared>> -> memref<80x128xf32, #tpu.memory_space<vmem_shared>>
    tpu.enqueue_dma source(%arg8 : memref<80x128xf32, #tpu.memory_space<vmem>>) target(%dma_start3A_18 : memref<80x128xf32, #tpu.memory_space<vmem_shared>>) target_semaphore(%arg13 : memref<!tpu.dma_semaphore, #tpu.memory_space<semaphore_mem>>)
    %add3A_19 = arith.constant 160 : i32
    %add3A_20 = arith.addi %mul3A_7, %add3A_19 : i32
    %dma_start3A_21 = arith.constant 0 : i32
    %dma_start3A_22 = tpu.memref_slice %arg10[%add3A_20, %dma_start3A_21] : memref<10240x128xf32, #tpu.memory_space<vmem_shared>> -> memref<80x128xf32, #tpu.memory_space<vmem_shared>>
    %dma_start3A_23 = arith.constant 0 : i32
    %dma_start3A_24 = tpu.memref_slice %arg10[%add3A_20, %dma_start3A_23] : memref<10240x128xf32, #tpu.memory_space<vmem_shared>> -> memref<80x128xf32, #tpu.memory_space<vmem_shared>>
    tpu.enqueue_dma source(%arg8 : memref<80x128xf32, #tpu.memory_space<vmem>>) target(%dma_start3A_24 : memref<80x128xf32, #tpu.memory_space<vmem_shared>>) target_semaphore(%arg13 : memref<!tpu.dma_semaphore, #tpu.memory_space<semaphore_mem>>)
    %add3A_25 = arith.constant 240 : i32
    %add3A_26 = arith.addi %mul3A_7, %add3A_25 : i32
    %dma_start3A_27 = arith.constant 0 : i32
    %dma_start3A_28 = tpu.memref_slice %arg10[%add3A_26, %dma_start3A_27] : memref<10240x128xf32, #tpu.memory_space<vmem_shared>> -> memref<80x128xf32, #tpu.memory_space<vmem_shared>>
    %dma_start3A_29 = arith.constant 0 : i32
    %dma_start3A_30 = tpu.memref_slice %arg10[%add3A_26, %dma_start3A_29] : memref<10240x128xf32, #tpu.memory_space<vmem_shared>> -> memref<80x128xf32, #tpu.memory_space<vmem_shared>>
    tpu.enqueue_dma source(%arg8 : memref<80x128xf32, #tpu.memory_space<vmem>>) target(%dma_start3A_30 : memref<80x128xf32, #tpu.memory_space<vmem_shared>>) target_semaphore(%arg13 : memref<!tpu.dma_semaphore, #tpu.memory_space<semaphore_mem>>)
    %add3A_31 = arith.constant 320 : i32
    %add3A_32 = arith.addi %mul3A_7, %add3A_31 : i32
    %dma_start3A_33 = arith.constant 0 : i32
    %dma_start3A_34 = tpu.memref_slice %arg10[%add3A_32, %dma_start3A_33] : memref<10240x128xf32, #tpu.memory_space<vmem_shared>> -> memref<80x128xf32, #tpu.memory_space<vmem_shared>>
    %dma_start3A_35 = arith.constant 0 : i32
    %dma_start3A_36 = tpu.memref_slice %arg10[%add3A_32, %dma_start3A_35] : memref<10240x128xf32, #tpu.memory_space<vmem_shared>> -> memref<80x128xf32, #tpu.memory_space<vmem_shared>>
    tpu.enqueue_dma source(%arg8 : memref<80x128xf32, #tpu.memory_space<vmem>>) target(%dma_start3A_36 : memref<80x128xf32, #tpu.memory_space<vmem_shared>>) target_semaphore(%arg13 : memref<!tpu.dma_semaphore, #tpu.memory_space<semaphore_mem>>)
    %add3A_37 = arith.constant 400 : i32
    %add3A_38 = arith.addi %mul3A_7, %add3A_37 : i32
    %dma_start3A_39 = arith.constant 0 : i32
    %dma_start3A_40 = tpu.memref_slice %arg10[%add3A_38, %dma_start3A_39] : memref<10240x128xf32, #tpu.memory_space<vmem_shared>> -> memref<80x128xf32, #tpu.memory_space<vmem_shared>>
    %dma_start3A_41 = arith.constant 0 : i32
    %dma_start3A_42 = tpu.memref_slice %arg10[%add3A_38, %dma_start3A_41] : memref<10240x128xf32, #tpu.memory_space<vmem_shared>> -> memref<80x128xf32, #tpu.memory_space<vmem_shared>>
    tpu.enqueue_dma source(%arg8 : memref<80x128xf32, #tpu.memory_space<vmem>>) target(%dma_start3A_42 : memref<80x128xf32, #tpu.memory_space<vmem_shared>>) target_semaphore(%arg13 : memref<!tpu.dma_semaphore, #tpu.memory_space<semaphore_mem>>)
    %add3A_43 = arith.constant 480 : i32
    %add3A_44 = arith.addi %mul3A_7, %add3A_43 : i32
    %dma_start3A_45 = arith.constant 0 : i32
    %dma_start3A_46 = tpu.memref_slice %arg10[%add3A_44, %dma_start3A_45] : memref<10240x128xf32, #tpu.memory_space<vmem_shared>> -> memref<80x128xf32, #tpu.memory_space<vmem_shared>>
    %dma_start3A_47 = arith.constant 0 : i32
    %dma_start3A_48 = tpu.memref_slice %arg10[%add3A_44, %dma_start3A_47] : memref<10240x128xf32, #tpu.memory_space<vmem_shared>> -> memref<80x128xf32, #tpu.memory_space<vmem_shared>>
    tpu.enqueue_dma source(%arg8 : memref<80x128xf32, #tpu.memory_space<vmem>>) target(%dma_start3A_48 : memref<80x128xf32, #tpu.memory_space<vmem_shared>>) target_semaphore(%arg13 : memref<!tpu.dma_semaphore, #tpu.memory_space<semaphore_mem>>)
    %add3A_49 = arith.constant 560 : i32
    %add3A_50 = arith.addi %mul3A_7, %add3A_49 : i32
    %dma_start3A_51 = arith.constant 0 : i32
    %dma_start3A_52 = tpu.memref_slice %arg10[%add3A_50, %dma_start3A_51] : memref<10240x128xf32, #tpu.memory_space<vmem_shared>> -> memref<80x128xf32, #tpu.memory_space<vmem_shared>>
    %dma_start3A_53 = arith.constant 0 : i32
    %dma_start3A_54 = tpu.memref_slice %arg10[%add3A_50, %dma_start3A_53] : memref<10240x128xf32, #tpu.memory_space<vmem_shared>> -> memref<80x128xf32, #tpu.memory_space<vmem_shared>>
    tpu.enqueue_dma source(%arg8 : memref<80x128xf32, #tpu.memory_space<vmem>>) target(%dma_start3A_54 : memref<80x128xf32, #tpu.memory_space<vmem_shared>>) target_semaphore(%arg13 : memref<!tpu.dma_semaphore, #tpu.memory_space<semaphore_mem>>)
    %mul3A_55 = arith.constant 10000 : i32
    %mul3A_56 = arith.muli %add3A, %mul3A_55 : i32
    "tpu.region"() ({
      %run_scoped3A = tpu.sem_alloc : memref<!tpu.dma_semaphore, #tpu.memory_space<semaphore_mem>>
      %dma_start3A_267 = tpu.memref_slice %arg3[%mul3A_56] : memref<320000xi32, #tpu.memory_space<hbm>> -> memref<10000xi32, #tpu.memory_space<hbm>>
      %dma_start3A_268 = tpu.memref_slice %arg3[%mul3A_56] : memref<320000xi32, #tpu.memory_space<hbm>> -> memref<10000xi32, #tpu.memory_space<hbm>>
      tpu.enqueue_dma source(%dma_start3A_268 : memref<10000xi32, #tpu.memory_space<hbm>>) target(%arg6 : memref<10000xi32, #tpu.memory_space<vmem>>) target_semaphore(%run_scoped3A : memref<!tpu.dma_semaphore, #tpu.memory_space<semaphore_mem>>)
      %dma_wait3A_269 = tpu.memref_slice %arg3[%mul3A_56] : memref<320000xi32, #tpu.memory_space<hbm>> -> memref<10000xi32, #tpu.memory_space<hbm>>
      %dma_wait3A_270 = tpu.memref_slice %arg3[%mul3A_56] : memref<320000xi32, #tpu.memory_space<hbm>> -> memref<10000xi32, #tpu.memory_space<hbm>>
      tpu.wait_dma2 semaphore(%run_scoped3A : memref<!tpu.dma_semaphore, #tpu.memory_space<semaphore_mem>>) src(%dma_wait3A_270 : memref<10000xi32, #tpu.memory_space<hbm>>) dst(%arg6 : memref<10000xi32, #tpu.memory_space<vmem>>)
      tpu.yield
    }) : () -> ()
    %mul3A_57 = arith.constant 10000 : i32
    %mul3A_58 = arith.muli %add3A, %mul3A_57 : i32
    "tpu.region"() ({
      %run_scoped3A = tpu.sem_alloc : memref<!tpu.dma_semaphore, #tpu.memory_space<semaphore_mem>>
      %dma_start3A_267 = tpu.memref_slice %arg4[%mul3A_58] : memref<320000xi32, #tpu.memory_space<hbm>> -> memref<10000xi32, #tpu.memory_space<hbm>>
      %dma_start3A_268 = tpu.memref_slice %arg4[%mul3A_58] : memref<320000xi32, #tpu.memory_space<hbm>> -> memref<10000xi32, #tpu.memory_space<hbm>>
      tpu.enqueue_dma source(%dma_start3A_268 : memref<10000xi32, #tpu.memory_space<hbm>>) target(%arg7 : memref<10000xi32, #tpu.memory_space<vmem>>) target_semaphore(%run_scoped3A : memref<!tpu.dma_semaphore, #tpu.memory_space<semaphore_mem>>)
      %dma_wait3A_269 = tpu.memref_slice %arg4[%mul3A_58] : memref<320000xi32, #tpu.memory_space<hbm>> -> memref<10000xi32, #tpu.memory_space<hbm>>
      %dma_wait3A_270 = tpu.memref_slice %arg4[%mul3A_58] : memref<320000xi32, #tpu.memory_space<hbm>> -> memref<10000xi32, #tpu.memory_space<hbm>>
      tpu.wait_dma2 semaphore(%run_scoped3A : memref<!tpu.dma_semaphore, #tpu.memory_space<semaphore_mem>>) src(%dma_wait3A_270 : memref<10000xi32, #tpu.memory_space<hbm>>) dst(%arg7 : memref<10000xi32, #tpu.memory_space<vmem>>)
      tpu.yield
    }) : () -> ()
    %add3A_59 = arith.constant 0 : i32
    %add3A_60 = arith.addi %mul3A_7, %add3A_59 : i32
    %dma_wait3A = arith.constant 0 : i32
    %dma_wait3A_61 = tpu.memref_slice %arg10[%add3A_60, %dma_wait3A] : memref<10240x128xf32, #tpu.memory_space<vmem_shared>> -> memref<80x128xf32, #tpu.memory_space<vmem_shared>>
    %dma_wait3A_62 = arith.constant 0 : i32
    %dma_wait3A_63 = tpu.memref_slice %arg10[%add3A_60, %dma_wait3A_62] : memref<10240x128xf32, #tpu.memory_space<vmem_shared>> -> memref<80x128xf32, #tpu.memory_space<vmem_shared>>
    tpu.wait_dma2 semaphore(%arg13 : memref<!tpu.dma_semaphore, #tpu.memory_space<semaphore_mem>>) src(%arg8 : memref<80x128xf32, #tpu.memory_space<vmem>>) dst(%dma_wait3A_63 : memref<80x128xf32, #tpu.memory_space<vmem_shared>>)
    %add3A_64 = arith.constant 80 : i32
    %add3A_65 = arith.addi %mul3A_7, %add3A_64 : i32
    %dma_wait3A_66 = arith.constant 0 : i32
    %dma_wait3A_67 = tpu.memref_slice %arg10[%add3A_65, %dma_wait3A_66] : memref<10240x128xf32, #tpu.memory_space<vmem_shared>> -> memref<80x128xf32, #tpu.memory_space<vmem_shared>>
    %dma_wait3A_68 = arith.constant 0 : i32
    %dma_wait3A_69 = tpu.memref_slice %arg10[%add3A_65, %dma_wait3A_68] : memref<10240x128xf32, #tpu.memory_space<vmem_shared>> -> memref<80x128xf32, #tpu.memory_space<vmem_shared>>
    tpu.wait_dma2 semaphore(%arg13 : memref<!tpu.dma_semaphore, #tpu.memory_space<semaphore_mem>>) src(%arg8 : memref<80x128xf32, #tpu.memory_space<vmem>>) dst(%dma_wait3A_69 : memref<80x128xf32, #tpu.memory_space<vmem_shared>>)
    %add3A_70 = arith.constant 160 : i32
    %add3A_71 = arith.addi %mul3A_7, %add3A_70 : i32
    %dma_wait3A_72 = arith.constant 0 : i32
    %dma_wait3A_73 = tpu.memref_slice %arg10[%add3A_71, %dma_wait3A_72] : memref<10240x128xf32, #tpu.memory_space<vmem_shared>> -> memref<80x128xf32, #tpu.memory_space<vmem_shared>>
    %dma_wait3A_74 = arith.constant 0 : i32
    %dma_wait3A_75 = tpu.memref_slice %arg10[%add3A_71, %dma_wait3A_74] : memref<10240x128xf32, #tpu.memory_space<vmem_shared>> -> memref<80x128xf32, #tpu.memory_space<vmem_shared>>
    tpu.wait_dma2 semaphore(%arg13 : memref<!tpu.dma_semaphore, #tpu.memory_space<semaphore_mem>>) src(%arg8 : memref<80x128xf32, #tpu.memory_space<vmem>>) dst(%dma_wait3A_75 : memref<80x128xf32, #tpu.memory_space<vmem_shared>>)
    %add3A_76 = arith.constant 240 : i32
    %add3A_77 = arith.addi %mul3A_7, %add3A_76 : i32
    %dma_wait3A_78 = arith.constant 0 : i32
    %dma_wait3A_79 = tpu.memref_slice %arg10[%add3A_77, %dma_wait3A_78] : memref<10240x128xf32, #tpu.memory_space<vmem_shared>> -> memref<80x128xf32, #tpu.memory_space<vmem_shared>>
    %dma_wait3A_80 = arith.constant 0 : i32
    %dma_wait3A_81 = tpu.memref_slice %arg10[%add3A_77, %dma_wait3A_80] : memref<10240x128xf32, #tpu.memory_space<vmem_shared>> -> memref<80x128xf32, #tpu.memory_space<vmem_shared>>
    tpu.wait_dma2 semaphore(%arg13 : memref<!tpu.dma_semaphore, #tpu.memory_space<semaphore_mem>>) src(%arg8 : memref<80x128xf32, #tpu.memory_space<vmem>>) dst(%dma_wait3A_81 : memref<80x128xf32, #tpu.memory_space<vmem_shared>>)
    %add3A_82 = arith.constant 320 : i32
    %add3A_83 = arith.addi %mul3A_7, %add3A_82 : i32
    %dma_wait3A_84 = arith.constant 0 : i32
    %dma_wait3A_85 = tpu.memref_slice %arg10[%add3A_83, %dma_wait3A_84] : memref<10240x128xf32, #tpu.memory_space<vmem_shared>> -> memref<80x128xf32, #tpu.memory_space<vmem_shared>>
    %dma_wait3A_86 = arith.constant 0 : i32
    %dma_wait3A_87 = tpu.memref_slice %arg10[%add3A_83, %dma_wait3A_86] : memref<10240x128xf32, #tpu.memory_space<vmem_shared>> -> memref<80x128xf32, #tpu.memory_space<vmem_shared>>
    tpu.wait_dma2 semaphore(%arg13 : memref<!tpu.dma_semaphore, #tpu.memory_space<semaphore_mem>>) src(%arg8 : memref<80x128xf32, #tpu.memory_space<vmem>>) dst(%dma_wait3A_87 : memref<80x128xf32, #tpu.memory_space<vmem_shared>>)
    %add3A_88 = arith.constant 400 : i32
    %add3A_89 = arith.addi %mul3A_7, %add3A_88 : i32
    %dma_wait3A_90 = arith.constant 0 : i32
    %dma_wait3A_91 = tpu.memref_slice %arg10[%add3A_89, %dma_wait3A_90] : memref<10240x128xf32, #tpu.memory_space<vmem_shared>> -> memref<80x128xf32, #tpu.memory_space<vmem_shared>>
    %dma_wait3A_92 = arith.constant 0 : i32
    %dma_wait3A_93 = tpu.memref_slice %arg10[%add3A_89, %dma_wait3A_92] : memref<10240x128xf32, #tpu.memory_space<vmem_shared>> -> memref<80x128xf32, #tpu.memory_space<vmem_shared>>
    tpu.wait_dma2 semaphore(%arg13 : memref<!tpu.dma_semaphore, #tpu.memory_space<semaphore_mem>>) src(%arg8 : memref<80x128xf32, #tpu.memory_space<vmem>>) dst(%dma_wait3A_93 : memref<80x128xf32, #tpu.memory_space<vmem_shared>>)
    %add3A_94 = arith.constant 480 : i32
    %add3A_95 = arith.addi %mul3A_7, %add3A_94 : i32
    %dma_wait3A_96 = arith.constant 0 : i32
    %dma_wait3A_97 = tpu.memref_slice %arg10[%add3A_95, %dma_wait3A_96] : memref<10240x128xf32, #tpu.memory_space<vmem_shared>> -> memref<80x128xf32, #tpu.memory_space<vmem_shared>>
    %dma_wait3A_98 = arith.constant 0 : i32
    %dma_wait3A_99 = tpu.memref_slice %arg10[%add3A_95, %dma_wait3A_98] : memref<10240x128xf32, #tpu.memory_space<vmem_shared>> -> memref<80x128xf32, #tpu.memory_space<vmem_shared>>
    tpu.wait_dma2 semaphore(%arg13 : memref<!tpu.dma_semaphore, #tpu.memory_space<semaphore_mem>>) src(%arg8 : memref<80x128xf32, #tpu.memory_space<vmem>>) dst(%dma_wait3A_99 : memref<80x128xf32, #tpu.memory_space<vmem_shared>>)
    %add3A_100 = arith.constant 560 : i32
    %add3A_101 = arith.addi %mul3A_7, %add3A_100 : i32
    %dma_wait3A_102 = arith.constant 0 : i32
    %dma_wait3A_103 = tpu.memref_slice %arg10[%add3A_101, %dma_wait3A_102] : memref<10240x128xf32, #tpu.memory_space<vmem_shared>> -> memref<80x128xf32, #tpu.memory_space<vmem_shared>>
    %dma_wait3A_104 = arith.constant 0 : i32
    %dma_wait3A_105 = tpu.memref_slice %arg10[%add3A_101, %dma_wait3A_104] : memref<10240x128xf32, #tpu.memory_space<vmem_shared>> -> memref<80x128xf32, #tpu.memory_space<vmem_shared>>
    tpu.wait_dma2 semaphore(%arg13 : memref<!tpu.dma_semaphore, #tpu.memory_space<semaphore_mem>>) src(%arg8 : memref<80x128xf32, #tpu.memory_space<vmem>>) dst(%dma_wait3A_105 : memref<80x128xf32, #tpu.memory_space<vmem_shared>>)
    %barrier3A = arith.constant 0 : index
    tpu.barrier barrier_id(%barrier3A)
    %dma_start3A_106 = arith.constant 0 : i32
    %dma_start3A_107 = tpu.memref_slice %arg6[%dma_start3A_106] : memref<10000xi32, #tpu.memory_space<vmem>> -> memref<80xi32, #tpu.memory_space<vmem>>
    %dma_start3A_108 = arith.constant 0 : i32
    %dma_start3A_109 = arith.constant 0 : i32
    %dma_start3A_110 = tpu.memref_slice %arg2[%dma_start3A_108, %dma_start3A_109] : memref<10000x128xf32, #tpu.memory_space<hbm>> -> memref<10000x128xf32, #tpu.memory_space<hbm>>
    tpu.enqueue_indirect_dma source(%dma_start3A_110 : memref<10000x128xf32, #tpu.memory_space<hbm>>) target(%arg8 : memref<80x128xf32, #tpu.memory_space<vmem>>) offsets(%dma_start3A_107 : memref<80xi32, #tpu.memory_space<vmem>>) semaphore(%arg11 : memref<!tpu.dma_semaphore, #tpu.memory_space<semaphore_mem>>)
    %scan3A_111 = arith.constant 0 : i32
    %scan3A_112 = arith.constant 0 : i32
    %scan3A_113 = arith.constant 62 : i32
    %scan3A_114 = arith.addi %scan3A_112, %scan3A_113 : i32
    %scan3A_115 = arith.constant 1 : i32
    scf.for %scan3A_267 = %scan3A_112 to %scan3A_114 step %scan3A_115  : i32 {
      %mul3A_268 = arith.constant 2 : i32
      %mul3A_269 = arith.muli %mul3A_268, %scan3A_267 : i32
      %mul3A_270 = arith.constant 80 : i32
      %mul3A_271 = arith.muli %mul3A_269, %mul3A_270 : i32
      %add3A_272 = arith.constant 80 : i32
      %add3A_273 = arith.addi %mul3A_271, %add3A_272 : i32
      %add3A_274 = arith.constant 80 : i32
      %add3A_275 = arith.addi %add3A_273, %add3A_274 : i32
      %dma_start3A_276 = tpu.memref_slice %arg6[%add3A_273] : memref<10000xi32, #tpu.memory_space<vmem>> -> memref<80xi32, #tpu.memory_space<vmem>>
      %dma_start3A_277 = arith.constant 0 : i32
      %dma_start3A_278 = arith.constant 0 : i32
      %dma_start3A_279 = tpu.memref_slice %arg2[%dma_start3A_277, %dma_start3A_278] : memref<10000x128xf32, #tpu.memory_space<hbm>> -> memref<10000x128xf32, #tpu.memory_space<hbm>>
      tpu.enqueue_indirect_dma source(%dma_start3A_279 : memref<10000x128xf32, #tpu.memory_space<hbm>>) target(%arg9 : memref<80x128xf32, #tpu.memory_space<vmem>>) offsets(%dma_start3A_276 : memref<80xi32, #tpu.memory_space<vmem>>) semaphore(%arg12 : memref<!tpu.dma_semaphore, #tpu.memory_space<semaphore_mem>>)
      %dma_wait3A_280 = tpu.memref_slice %arg6[%mul3A_271] : memref<10000xi32, #tpu.memory_space<vmem>> -> memref<80xi32, #tpu.memory_space<vmem>>
      %dma_wait3A_281 = arith.constant 0 : i32
      %dma_wait3A_282 = arith.constant 0 : i32
      %dma_wait3A_283 = tpu.memref_slice %arg2[%dma_wait3A_281, %dma_wait3A_282] : memref<10000x128xf32, #tpu.memory_space<hbm>> -> memref<10000x128xf32, #tpu.memory_space<hbm>>
      tpu.wait_indirect_dma semaphore(%arg11 : memref<!tpu.dma_semaphore, #tpu.memory_space<semaphore_mem>>) src(%dma_wait3A_283 : memref<10000x128xf32, #tpu.memory_space<hbm>>) dst(%arg8 : memref<80x128xf32, #tpu.memory_space<vmem>>)
      "tpu.region"() ({
        %run_scoped3A = tpu.sem_alloc : memref<!tpu.dma_semaphore, #tpu.memory_space<semaphore_mem>>
        %dma_start3A_292 = tpu.memref_slice %arg7[%mul3A_271] : memref<10000xi32, #tpu.memory_space<vmem>> -> memref<80xi32, #tpu.memory_space<vmem>>
        %dma_start3A_293 = arith.constant 0 : i32
        %dma_start3A_294 = arith.constant 0 : i32
        %dma_start3A_295 = tpu.memref_slice %arg10[%dma_start3A_293, %dma_start3A_294] : memref<10240x128xf32, #tpu.memory_space<vmem_shared>> -> memref<10240x128xf32, #tpu.memory_space<vmem_shared>>
        tpu.enqueue_indirect_dma source(%arg8 : memref<80x128xf32, #tpu.memory_space<vmem>>) target(%dma_start3A_295 : memref<10240x128xf32, #tpu.memory_space<vmem_shared>>) offsets(%dma_start3A_292 : memref<80xi32, #tpu.memory_space<vmem>>) semaphore(%run_scoped3A : memref<!tpu.dma_semaphore, #tpu.memory_space<semaphore_mem>>) {add = true}
        %dma_wait3A_296 = tpu.memref_slice %arg7[%mul3A_271] : memref<10000xi32, #tpu.memory_space<vmem>> -> memref<80xi32, #tpu.memory_space<vmem>>
        %dma_wait3A_297 = arith.constant 0 : i32
        %dma_wait3A_298 = arith.constant 0 : i32
        %dma_wait3A_299 = tpu.memref_slice %arg10[%dma_wait3A_297, %dma_wait3A_298] : memref<10240x128xf32, #tpu.memory_space<vmem_shared>> -> memref<10240x128xf32, #tpu.memory_space<vmem_shared>>
        tpu.wait_indirect_dma semaphore(%run_scoped3A : memref<!tpu.dma_semaphore, #tpu.memory_space<semaphore_mem>>) src(%arg8 : memref<80x128xf32, #tpu.memory_space<vmem>>) dst(%dma_wait3A_299 : memref<10240x128xf32, #tpu.memory_space<vmem_shared>>)
        tpu.yield
      }) : () -> ()
      %dma_start3A_284 = tpu.memref_slice %arg6[%add3A_275] : memref<10000xi32, #tpu.memory_space<vmem>> -> memref<80xi32, #tpu.memory_space<vmem>>
      %dma_start3A_285 = arith.constant 0 : i32
      %dma_start3A_286 = arith.constant 0 : i32
      %dma_start3A_287 = tpu.memref_slice %arg2[%dma_start3A_285, %dma_start3A_286] : memref<10000x128xf32, #tpu.memory_space<hbm>> -> memref<10000x128xf32, #tpu.memory_space<hbm>>
      tpu.enqueue_indirect_dma source(%dma_start3A_287 : memref<10000x128xf32, #tpu.memory_space<hbm>>) target(%arg8 : memref<80x128xf32, #tpu.memory_space<vmem>>) offsets(%dma_start3A_284 : memref<80xi32, #tpu.memory_space<vmem>>) semaphore(%arg11 : memref<!tpu.dma_semaphore, #tpu.memory_space<semaphore_mem>>)
      %dma_wait3A_288 = tpu.memref_slice %arg6[%add3A_273] : memref<10000xi32, #tpu.memory_space<vmem>> -> memref<80xi32, #tpu.memory_space<vmem>>
      %dma_wait3A_289 = arith.constant 0 : i32
      %dma_wait3A_290 = arith.constant 0 : i32
      %dma_wait3A_291 = tpu.memref_slice %arg2[%dma_wait3A_289, %dma_wait3A_290] : memref<10000x128xf32, #tpu.memory_space<hbm>> -> memref<10000x128xf32, #tpu.memory_space<hbm>>
      tpu.wait_indirect_dma semaphore(%arg12 : memref<!tpu.dma_semaphore, #tpu.memory_space<semaphore_mem>>) src(%dma_wait3A_291 : memref<10000x128xf32, #tpu.memory_space<hbm>>) dst(%arg9 : memref<80x128xf32, #tpu.memory_space<vmem>>)
      "tpu.region"() ({
        %run_scoped3A = tpu.sem_alloc : memref<!tpu.dma_semaphore, #tpu.memory_space<semaphore_mem>>
        %dma_start3A_292 = tpu.memref_slice %arg7[%add3A_273] : memref<10000xi32, #tpu.memory_space<vmem>> -> memref<80xi32, #tpu.memory_space<vmem>>
        %dma_start3A_293 = arith.constant 0 : i32
        %dma_start3A_294 = arith.constant 0 : i32
        %dma_start3A_295 = tpu.memref_slice %arg10[%dma_start3A_293, %dma_start3A_294] : memref<10240x128xf32, #tpu.memory_space<vmem_shared>> -> memref<10240x128xf32, #tpu.memory_space<vmem_shared>>
        tpu.enqueue_indirect_dma source(%arg9 : memref<80x128xf32, #tpu.memory_space<vmem>>) target(%dma_start3A_295 : memref<10240x128xf32, #tpu.memory_space<vmem_shared>>) offsets(%dma_start3A_292 : memref<80xi32, #tpu.memory_space<vmem>>) semaphore(%run_scoped3A : memref<!tpu.dma_semaphore, #tpu.memory_space<semaphore_mem>>) {add = true}
        %dma_wait3A_296 = tpu.memref_slice %arg7[%add3A_273] : memref<10000xi32, #tpu.memory_space<vmem>> -> memref<80xi32, #tpu.memory_space<vmem>>
        %dma_wait3A_297 = arith.constant 0 : i32
        %dma_wait3A_298 = arith.constant 0 : i32
        %dma_wait3A_299 = tpu.memref_slice %arg10[%dma_wait3A_297, %dma_wait3A_298] : memref<10240x128xf32, #tpu.memory_space<vmem_shared>> -> memref<10240x128xf32, #tpu.memory_space<vmem_shared>>
        tpu.wait_indirect_dma semaphore(%run_scoped3A : memref<!tpu.dma_semaphore, #tpu.memory_space<semaphore_mem>>) src(%arg9 : memref<80x128xf32, #tpu.memory_space<vmem>>) dst(%dma_wait3A_299 : memref<10240x128xf32, #tpu.memory_space<vmem_shared>>)
        tpu.yield
      }) : () -> ()
    }
    %scan3A_116 = arith.constant 62 : i32
    %dma_wait3A_117 = arith.constant 9920 : i32
    %dma_wait3A_118 = tpu.memref_slice %arg6[%dma_wait3A_117] : memref<10000xi32, #tpu.memory_space<vmem>> -> memref<80xi32, #tpu.memory_space<vmem>>
    %dma_wait3A_119 = arith.constant 0 : i32
    %dma_wait3A_120 = arith.constant 0 : i32
    %dma_wait3A_121 = tpu.memref_slice %arg2[%dma_wait3A_119, %dma_wait3A_120] : memref<10000x128xf32, #tpu.memory_space<hbm>> -> memref<10000x128xf32, #tpu.memory_space<hbm>>
    tpu.wait_indirect_dma semaphore(%arg11 : memref<!tpu.dma_semaphore, #tpu.memory_space<semaphore_mem>>) src(%dma_wait3A_121 : memref<10000x128xf32, #tpu.memory_space<hbm>>) dst(%arg8 : memref<80x128xf32, #tpu.memory_space<vmem>>)
    "tpu.region"() ({
      %run_scoped3A = tpu.sem_alloc : memref<!tpu.dma_semaphore, #tpu.memory_space<semaphore_mem>>
      %dma_start3A_267 = arith.constant 9920 : i32
      %dma_start3A_268 = tpu.memref_slice %arg7[%dma_start3A_267] : memref<10000xi32, #tpu.memory_space<vmem>> -> memref<80xi32, #tpu.memory_space<vmem>>
      %dma_start3A_269 = arith.constant 0 : i32
      %dma_start3A_270 = arith.constant 0 : i32
      %dma_start3A_271 = tpu.memref_slice %arg10[%dma_start3A_269, %dma_start3A_270] : memref<10240x128xf32, #tpu.memory_space<vmem_shared>> -> memref<10240x128xf32, #tpu.memory_space<vmem_shared>>
      tpu.enqueue_indirect_dma source(%arg8 : memref<80x128xf32, #tpu.memory_space<vmem>>) target(%dma_start3A_271 : memref<10240x128xf32, #tpu.memory_space<vmem_shared>>) offsets(%dma_start3A_268 : memref<80xi32, #tpu.memory_space<vmem>>) semaphore(%run_scoped3A : memref<!tpu.dma_semaphore, #tpu.memory_space<semaphore_mem>>) {add = true}
      %dma_wait3A_272 = arith.constant 9920 : i32
      %dma_wait3A_273 = tpu.memref_slice %arg7[%dma_wait3A_272] : memref<10000xi32, #tpu.memory_space<vmem>> -> memref<80xi32, #tpu.memory_space<vmem>>
      %dma_wait3A_274 = arith.constant 0 : i32
      %dma_wait3A_275 = arith.constant 0 : i32
      %dma_wait3A_276 = tpu.memref_slice %arg10[%dma_wait3A_274, %dma_wait3A_275] : memref<10240x128xf32, #tpu.memory_space<vmem_shared>> -> memref<10240x128xf32, #tpu.memory_space<vmem_shared>>
      tpu.wait_indirect_dma semaphore(%run_scoped3A : memref<!tpu.dma_semaphore, #tpu.memory_space<semaphore_mem>>) src(%arg8 : memref<80x128xf32, #tpu.memory_space<vmem>>) dst(%dma_wait3A_276 : memref<10240x128xf32, #tpu.memory_space<vmem_shared>>)
      tpu.yield
    }) : () -> ()
    %barrier3A_122 = arith.constant 0 : index
    tpu.barrier barrier_id(%barrier3A_122)
    %add3A_123 = arith.constant 0 : i32
    %add3A_124 = arith.addi %mul3A_7, %add3A_123 : i32
    "tpu.region"() ({
      %run_scoped3A = tpu.sem_alloc : memref<!tpu.dma_semaphore, #tpu.memory_space<semaphore_mem>>
      %dma_start3A_267 = arith.constant 0 : i32
      %dma_start3A_268 = tpu.memref_slice %arg10[%add3A_124, %dma_start3A_267] : memref<10240x128xf32, #tpu.memory_space<vmem_shared>> -> memref<80x128xf32, #tpu.memory_space<vmem_shared>>
      %dma_start3A_269 = arith.constant 0 : i32
      %dma_start3A_270 = tpu.memref_slice %arg10[%add3A_124, %dma_start3A_269] : memref<10240x128xf32, #tpu.memory_space<vmem_shared>> -> memref<80x128xf32, #tpu.memory_space<vmem_shared>>
      tpu.enqueue_dma source(%dma_start3A_270 : memref<80x128xf32, #tpu.memory_space<vmem_shared>>) target(%arg8 : memref<80x128xf32, #tpu.memory_space<vmem>>) target_semaphore(%run_scoped3A : memref<!tpu.dma_semaphore, #tpu.memory_space<semaphore_mem>>)
      %dma_wait3A_271 = arith.constant 0 : i32
      %dma_wait3A_272 = tpu.memref_slice %arg10[%add3A_124, %dma_wait3A_271] : memref<10240x128xf32, #tpu.memory_space<vmem_shared>> -> memref<80x128xf32, #tpu.memory_space<vmem_shared>>
      %dma_wait3A_273 = arith.constant 0 : i32
      %dma_wait3A_274 = tpu.memref_slice %arg10[%add3A_124, %dma_wait3A_273] : memref<10240x128xf32, #tpu.memory_space<vmem_shared>> -> memref<80x128xf32, #tpu.memory_space<vmem_shared>>
      tpu.wait_dma2 semaphore(%run_scoped3A : memref<!tpu.dma_semaphore, #tpu.memory_space<semaphore_mem>>) src(%dma_wait3A_274 : memref<80x128xf32, #tpu.memory_space<vmem_shared>>) dst(%arg8 : memref<80x128xf32, #tpu.memory_space<vmem>>)
      tpu.yield
    }) : () -> ()
    %add3A_125 = arith.constant 0 : i32
    %add3A_126 = arith.addi %mul3A_7, %add3A_125 : i32
    %dma_start3A_127 = arith.constant 0 : i32
    %dma_start3A_128 = tpu.memref_slice %arg5[%arg0, %add3A_126, %dma_start3A_127] : memref<2x10240x128xf32, #tpu.memory_space<hbm>> -> memref<1x80x128xf32, #tpu.memory_space<hbm>>
    %dma_start3A_129 = tpu.memref_squeeze %dma_start3A_128 : memref<1x80x128xf32, #tpu.memory_space<hbm>> -> memref<80x128xf32, #tpu.memory_space<hbm>>
    %dma_start3A_130 = arith.constant 0 : i32
    %dma_start3A_131 = tpu.memref_slice %arg5[%arg0, %add3A_126, %dma_start3A_130] : memref<2x10240x128xf32, #tpu.memory_space<hbm>> -> memref<1x80x128xf32, #tpu.memory_space<hbm>>
    %dma_start3A_132 = tpu.memref_squeeze %dma_start3A_131 : memref<1x80x128xf32, #tpu.memory_space<hbm>> -> memref<80x128xf32, #tpu.memory_space<hbm>>
    tpu.enqueue_dma source(%arg8 : memref<80x128xf32, #tpu.memory_space<vmem>>) target(%dma_start3A_132 : memref<80x128xf32, #tpu.memory_space<hbm>>) target_semaphore(%arg13 : memref<!tpu.dma_semaphore, #tpu.memory_space<semaphore_mem>>)
    %add3A_133 = arith.constant 80 : i32
    %add3A_134 = arith.addi %mul3A_7, %add3A_133 : i32
    "tpu.region"() ({
      %run_scoped3A = tpu.sem_alloc : memref<!tpu.dma_semaphore, #tpu.memory_space<semaphore_mem>>
      %dma_start3A_267 = arith.constant 0 : i32
      %dma_start3A_268 = tpu.memref_slice %arg10[%add3A_134, %dma_start3A_267] : memref<10240x128xf32, #tpu.memory_space<vmem_shared>> -> memref<80x128xf32, #tpu.memory_space<vmem_shared>>
      %dma_start3A_269 = arith.constant 0 : i32
      %dma_start3A_270 = tpu.memref_slice %arg10[%add3A_134, %dma_start3A_269] : memref<10240x128xf32, #tpu.memory_space<vmem_shared>> -> memref<80x128xf32, #tpu.memory_space<vmem_shared>>
      tpu.enqueue_dma source(%dma_start3A_270 : memref<80x128xf32, #tpu.memory_space<vmem_shared>>) target(%arg9 : memref<80x128xf32, #tpu.memory_space<vmem>>) target_semaphore(%run_scoped3A : memref<!tpu.dma_semaphore, #tpu.memory_space<semaphore_mem>>)
      %dma_wait3A_271 = arith.constant 0 : i32
      %dma_wait3A_272 = tpu.memref_slice %arg10[%add3A_134, %dma_wait3A_271] : memref<10240x128xf32, #tpu.memory_space<vmem_shared>> -> memref<80x128xf32, #tpu.memory_space<vmem_shared>>
      %dma_wait3A_273 = arith.constant 0 : i32
      %dma_wait3A_274 = tpu.memref_slice %arg10[%add3A_134, %dma_wait3A_273] : memref<10240x128xf32, #tpu.memory_space<vmem_shared>> -> memref<80x128xf32, #tpu.memory_space<vmem_shared>>
      tpu.wait_dma2 semaphore(%run_scoped3A : memref<!tpu.dma_semaphore, #tpu.memory_space<semaphore_mem>>) src(%dma_wait3A_274 : memref<80x128xf32, #tpu.memory_space<vmem_shared>>) dst(%arg9 : memref<80x128xf32, #tpu.memory_space<vmem>>)
      tpu.yield
    }) : () -> ()
    %add3A_135 = arith.constant 80 : i32
    %add3A_136 = arith.addi %mul3A_7, %add3A_135 : i32
    %dma_start3A_137 = arith.constant 0 : i32
    %dma_start3A_138 = tpu.memref_slice %arg5[%arg0, %add3A_136, %dma_start3A_137] : memref<2x10240x128xf32, #tpu.memory_space<hbm>> -> memref<1x80x128xf32, #tpu.memory_space<hbm>>
    %dma_start3A_139 = tpu.memref_squeeze %dma_start3A_138 : memref<1x80x128xf32, #tpu.memory_space<hbm>> -> memref<80x128xf32, #tpu.memory_space<hbm>>
    %dma_start3A_140 = arith.constant 0 : i32
    %dma_start3A_141 = tpu.memref_slice %arg5[%arg0, %add3A_136, %dma_start3A_140] : memref<2x10240x128xf32, #tpu.memory_space<hbm>> -> memref<1x80x128xf32, #tpu.memory_space<hbm>>
    %dma_start3A_142 = tpu.memref_squeeze %dma_start3A_141 : memref<1x80x128xf32, #tpu.memory_space<hbm>> -> memref<80x128xf32, #tpu.memory_space<hbm>>
    tpu.enqueue_dma source(%arg9 : memref<80x128xf32, #tpu.memory_space<vmem>>) target(%dma_start3A_142 : memref<80x128xf32, #tpu.memory_space<hbm>>) target_semaphore(%arg13 : memref<!tpu.dma_semaphore, #tpu.memory_space<semaphore_mem>>)
    %add3A_143 = arith.constant 0 : i32
    %add3A_144 = arith.addi %mul3A_7, %add3A_143 : i32
    %dma_wait3A_145 = arith.constant 0 : i32
    %dma_wait3A_146 = tpu.memref_slice %arg5[%arg0, %add3A_144, %dma_wait3A_145] : memref<2x10240x128xf32, #tpu.memory_space<hbm>> -> memref<1x80x128xf32, #tpu.memory_space<hbm>>
    %dma_wait3A_147 = tpu.memref_squeeze %dma_wait3A_146 : memref<1x80x128xf32, #tpu.memory_space<hbm>> -> memref<80x128xf32, #tpu.memory_space<hbm>>
    %dma_wait3A_148 = arith.constant 0 : i32
    %dma_wait3A_149 = tpu.memref_slice %arg5[%arg0, %add3A_144, %dma_wait3A_148] : memref<2x10240x128xf32, #tpu.memory_space<hbm>> -> memref<1x80x128xf32, #tpu.memory_space<hbm>>
    %dma_wait3A_150 = tpu.memref_squeeze %dma_wait3A_149 : memref<1x80x128xf32, #tpu.memory_space<hbm>> -> memref<80x128xf32, #tpu.memory_space<hbm>>
    tpu.wait_dma2 semaphore(%arg13 : memref<!tpu.dma_semaphore, #tpu.memory_space<semaphore_mem>>) src(%arg8 : memref<80x128xf32, #tpu.memory_space<vmem>>) dst(%dma_wait3A_150 : memref<80x128xf32, #tpu.memory_space<hbm>>)
    %add3A_151 = arith.constant 160 : i32
    %add3A_152 = arith.addi %mul3A_7, %add3A_151 : i32
    "tpu.region"() ({
      %run_scoped3A = tpu.sem_alloc : memref<!tpu.dma_semaphore, #tpu.memory_space<semaphore_mem>>
      %dma_start3A_267 = arith.constant 0 : i32
      %dma_start3A_268 = tpu.memref_slice %arg10[%add3A_152, %dma_start3A_267] : memref<10240x128xf32, #tpu.memory_space<vmem_shared>> -> memref<80x128xf32, #tpu.memory_space<vmem_shared>>
      %dma_start3A_269 = arith.constant 0 : i32
      %dma_start3A_270 = tpu.memref_slice %arg10[%add3A_152, %dma_start3A_269] : memref<10240x128xf32, #tpu.memory_space<vmem_shared>> -> memref<80x128xf32, #tpu.memory_space<vmem_shared>>
      tpu.enqueue_dma source(%dma_start3A_270 : memref<80x128xf32, #tpu.memory_space<vmem_shared>>) target(%arg8 : memref<80x128xf32, #tpu.memory_space<vmem>>) target_semaphore(%run_scoped3A : memref<!tpu.dma_semaphore, #tpu.memory_space<semaphore_mem>>)
      %dma_wait3A_271 = arith.constant 0 : i32
      %dma_wait3A_272 = tpu.memref_slice %arg10[%add3A_152, %dma_wait3A_271] : memref<10240x128xf32, #tpu.memory_space<vmem_shared>> -> memref<80x128xf32, #tpu.memory_space<vmem_shared>>
      %dma_wait3A_273 = arith.constant 0 : i32
      %dma_wait3A_274 = tpu.memref_slice %arg10[%add3A_152, %dma_wait3A_273] : memref<10240x128xf32, #tpu.memory_space<vmem_shared>> -> memref<80x128xf32, #tpu.memory_space<vmem_shared>>
      tpu.wait_dma2 semaphore(%run_scoped3A : memref<!tpu.dma_semaphore, #tpu.memory_space<semaphore_mem>>) src(%dma_wait3A_274 : memref<80x128xf32, #tpu.memory_space<vmem_shared>>) dst(%arg8 : memref<80x128xf32, #tpu.memory_space<vmem>>)
      tpu.yield
    }) : () -> ()
    %add3A_153 = arith.constant 160 : i32
    %add3A_154 = arith.addi %mul3A_7, %add3A_153 : i32
    %dma_start3A_155 = arith.constant 0 : i32
    %dma_start3A_156 = tpu.memref_slice %arg5[%arg0, %add3A_154, %dma_start3A_155] : memref<2x10240x128xf32, #tpu.memory_space<hbm>> -> memref<1x80x128xf32, #tpu.memory_space<hbm>>
    %dma_start3A_157 = tpu.memref_squeeze %dma_start3A_156 : memref<1x80x128xf32, #tpu.memory_space<hbm>> -> memref<80x128xf32, #tpu.memory_space<hbm>>
    %dma_start3A_158 = arith.constant 0 : i32
    %dma_start3A_159 = tpu.memref_slice %arg5[%arg0, %add3A_154, %dma_start3A_158] : memref<2x10240x128xf32, #tpu.memory_space<hbm>> -> memref<1x80x128xf32, #tpu.memory_space<hbm>>
    %dma_start3A_160 = tpu.memref_squeeze %dma_start3A_159 : memref<1x80x128xf32, #tpu.memory_space<hbm>> -> memref<80x128xf32, #tpu.memory_space<hbm>>
    tpu.enqueue_dma source(%arg8 : memref<80x128xf32, #tpu.memory_space<vmem>>) target(%dma_start3A_160 : memref<80x128xf32, #tpu.memory_space<hbm>>) target_semaphore(%arg13 : memref<!tpu.dma_semaphore, #tpu.memory_space<semaphore_mem>>)
    %add3A_161 = arith.constant 80 : i32
    %add3A_162 = arith.addi %mul3A_7, %add3A_161 : i32
    %dma_wait3A_163 = arith.constant 0 : i32
    %dma_wait3A_164 = tpu.memref_slice %arg5[%arg0, %add3A_162, %dma_wait3A_163] : memref<2x10240x128xf32, #tpu.memory_space<hbm>> -> memref<1x80x128xf32, #tpu.memory_space<hbm>>
    %dma_wait3A_165 = tpu.memref_squeeze %dma_wait3A_164 : memref<1x80x128xf32, #tpu.memory_space<hbm>> -> memref<80x128xf32, #tpu.memory_space<hbm>>
    %dma_wait3A_166 = arith.constant 0 : i32
    %dma_wait3A_167 = tpu.memref_slice %arg5[%arg0, %add3A_162, %dma_wait3A_166] : memref<2x10240x128xf32, #tpu.memory_space<hbm>> -> memref<1x80x128xf32, #tpu.memory_space<hbm>>
    %dma_wait3A_168 = tpu.memref_squeeze %dma_wait3A_167 : memref<1x80x128xf32, #tpu.memory_space<hbm>> -> memref<80x128xf32, #tpu.memory_space<hbm>>
    tpu.wait_dma2 semaphore(%arg13 : memref<!tpu.dma_semaphore, #tpu.memory_space<semaphore_mem>>) src(%arg9 : memref<80x128xf32, #tpu.memory_space<vmem>>) dst(%dma_wait3A_168 : memref<80x128xf32, #tpu.memory_space<hbm>>)
    %add3A_169 = arith.constant 240 : i32
    %add3A_170 = arith.addi %mul3A_7, %add3A_169 : i32
    "tpu.region"() ({
      %run_scoped3A = tpu.sem_alloc : memref<!tpu.dma_semaphore, #tpu.memory_space<semaphore_mem>>
      %dma_start3A_267 = arith.constant 0 : i32
      %dma_start3A_268 = tpu.memref_slice %arg10[%add3A_170, %dma_start3A_267] : memref<10240x128xf32, #tpu.memory_space<vmem_shared>> -> memref<80x128xf32, #tpu.memory_space<vmem_shared>>
      %dma_start3A_269 = arith.constant 0 : i32
      %dma_start3A_270 = tpu.memref_slice %arg10[%add3A_170, %dma_start3A_269] : memref<10240x128xf32, #tpu.memory_space<vmem_shared>> -> memref<80x128xf32, #tpu.memory_space<vmem_shared>>
      tpu.enqueue_dma source(%dma_start3A_270 : memref<80x128xf32, #tpu.memory_space<vmem_shared>>) target(%arg9 : memref<80x128xf32, #tpu.memory_space<vmem>>) target_semaphore(%run_scoped3A : memref<!tpu.dma_semaphore, #tpu.memory_space<semaphore_mem>>)
      %dma_wait3A_271 = arith.constant 0 : i32
      %dma_wait3A_272 = tpu.memref_slice %arg10[%add3A_170, %dma_wait3A_271] : memref<10240x128xf32, #tpu.memory_space<vmem_shared>> -> memref<80x128xf32, #tpu.memory_space<vmem_shared>>
      %dma_wait3A_273 = arith.constant 0 : i32
      %dma_wait3A_274 = tpu.memref_slice %arg10[%add3A_170, %dma_wait3A_273] : memref<10240x128xf32, #tpu.memory_space<vmem_shared>> -> memref<80x128xf32, #tpu.memory_space<vmem_shared>>
      tpu.wait_dma2 semaphore(%run_scoped3A : memref<!tpu.dma_semaphore, #tpu.memory_space<semaphore_mem>>) src(%dma_wait3A_274 : memref<80x128xf32, #tpu.memory_space<vmem_shared>>) dst(%arg9 : memref<80x128xf32, #tpu.memory_space<vmem>>)
      tpu.yield
    }) : () -> ()
    %add3A_171 = arith.constant 240 : i32
    %add3A_172 = arith.addi %mul3A_7, %add3A_171 : i32
    %dma_start3A_173 = arith.constant 0 : i32
    %dma_start3A_174 = tpu.memref_slice %arg5[%arg0, %add3A_172, %dma_start3A_173] : memref<2x10240x128xf32, #tpu.memory_space<hbm>> -> memref<1x80x128xf32, #tpu.memory_space<hbm>>
    %dma_start3A_175 = tpu.memref_squeeze %dma_start3A_174 : memref<1x80x128xf32, #tpu.memory_space<hbm>> -> memref<80x128xf32, #tpu.memory_space<hbm>>
    %dma_start3A_176 = arith.constant 0 : i32
    %dma_start3A_177 = tpu.memref_slice %arg5[%arg0, %add3A_172, %dma_start3A_176] : memref<2x10240x128xf32, #tpu.memory_space<hbm>> -> memref<1x80x128xf32, #tpu.memory_space<hbm>>
    %dma_start3A_178 = tpu.memref_squeeze %dma_start3A_177 : memref<1x80x128xf32, #tpu.memory_space<hbm>> -> memref<80x128xf32, #tpu.memory_space<hbm>>
    tpu.enqueue_dma source(%arg9 : memref<80x128xf32, #tpu.memory_space<vmem>>) target(%dma_start3A_178 : memref<80x128xf32, #tpu.memory_space<hbm>>) target_semaphore(%arg13 : memref<!tpu.dma_semaphore, #tpu.memory_space<semaphore_mem>>)
    %add3A_179 = arith.constant 160 : i32
    %add3A_180 = arith.addi %mul3A_7, %add3A_179 : i32
    %dma_wait3A_181 = arith.constant 0 : i32
    %dma_wait3A_182 = tpu.memref_slice %arg5[%arg0, %add3A_180, %dma_wait3A_181] : memref<2x10240x128xf32, #tpu.memory_space<hbm>> -> memref<1x80x128xf32, #tpu.memory_space<hbm>>
    %dma_wait3A_183 = tpu.memref_squeeze %dma_wait3A_182 : memref<1x80x128xf32, #tpu.memory_space<hbm>> -> memref<80x128xf32, #tpu.memory_space<hbm>>
    %dma_wait3A_184 = arith.constant 0 : i32
    %dma_wait3A_185 = tpu.memref_slice %arg5[%arg0, %add3A_180, %dma_wait3A_184] : memref<2x10240x128xf32, #tpu.memory_space<hbm>> -> memref<1x80x128xf32, #tpu.memory_space<hbm>>
    %dma_wait3A_186 = tpu.memref_squeeze %dma_wait3A_185 : memref<1x80x128xf32, #tpu.memory_space<hbm>> -> memref<80x128xf32, #tpu.memory_space<hbm>>
    tpu.wait_dma2 semaphore(%arg13 : memref<!tpu.dma_semaphore, #tpu.memory_space<semaphore_mem>>) src(%arg8 : memref<80x128xf32, #tpu.memory_space<vmem>>) dst(%dma_wait3A_186 : memref<80x128xf32, #tpu.memory_space<hbm>>)
    %add3A_187 = arith.constant 320 : i32
    %add3A_188 = arith.addi %mul3A_7, %add3A_187 : i32
    "tpu.region"() ({
      %run_scoped3A = tpu.sem_alloc : memref<!tpu.dma_semaphore, #tpu.memory_space<semaphore_mem>>
      %dma_start3A_267 = arith.constant 0 : i32
      %dma_start3A_268 = tpu.memref_slice %arg10[%add3A_188, %dma_start3A_267] : memref<10240x128xf32, #tpu.memory_space<vmem_shared>> -> memref<80x128xf32, #tpu.memory_space<vmem_shared>>
      %dma_start3A_269 = arith.constant 0 : i32
      %dma_start3A_270 = tpu.memref_slice %arg10[%add3A_188, %dma_start3A_269] : memref<10240x128xf32, #tpu.memory_space<vmem_shared>> -> memref<80x128xf32, #tpu.memory_space<vmem_shared>>
      tpu.enqueue_dma source(%dma_start3A_270 : memref<80x128xf32, #tpu.memory_space<vmem_shared>>) target(%arg8 : memref<80x128xf32, #tpu.memory_space<vmem>>) target_semaphore(%run_scoped3A : memref<!tpu.dma_semaphore, #tpu.memory_space<semaphore_mem>>)
      %dma_wait3A_271 = arith.constant 0 : i32
      %dma_wait3A_272 = tpu.memref_slice %arg10[%add3A_188, %dma_wait3A_271] : memref<10240x128xf32, #tpu.memory_space<vmem_shared>> -> memref<80x128xf32, #tpu.memory_space<vmem_shared>>
      %dma_wait3A_273 = arith.constant 0 : i32
      %dma_wait3A_274 = tpu.memref_slice %arg10[%add3A_188, %dma_wait3A_273] : memref<10240x128xf32, #tpu.memory_space<vmem_shared>> -> memref<80x128xf32, #tpu.memory_space<vmem_shared>>
      tpu.wait_dma2 semaphore(%run_scoped3A : memref<!tpu.dma_semaphore, #tpu.memory_space<semaphore_mem>>) src(%dma_wait3A_274 : memref<80x128xf32, #tpu.memory_space<vmem_shared>>) dst(%arg8 : memref<80x128xf32, #tpu.memory_space<vmem>>)
      tpu.yield
    }) : () -> ()
    %add3A_189 = arith.constant 320 : i32
    %add3A_190 = arith.addi %mul3A_7, %add3A_189 : i32
    %dma_start3A_191 = arith.constant 0 : i32
    %dma_start3A_192 = tpu.memref_slice %arg5[%arg0, %add3A_190, %dma_start3A_191] : memref<2x10240x128xf32, #tpu.memory_space<hbm>> -> memref<1x80x128xf32, #tpu.memory_space<hbm>>
    %dma_start3A_193 = tpu.memref_squeeze %dma_start3A_192 : memref<1x80x128xf32, #tpu.memory_space<hbm>> -> memref<80x128xf32, #tpu.memory_space<hbm>>
    %dma_start3A_194 = arith.constant 0 : i32
    %dma_start3A_195 = tpu.memref_slice %arg5[%arg0, %add3A_190, %dma_start3A_194] : memref<2x10240x128xf32, #tpu.memory_space<hbm>> -> memref<1x80x128xf32, #tpu.memory_space<hbm>>
    %dma_start3A_196 = tpu.memref_squeeze %dma_start3A_195 : memref<1x80x128xf32, #tpu.memory_space<hbm>> -> memref<80x128xf32, #tpu.memory_space<hbm>>
    tpu.enqueue_dma source(%arg8 : memref<80x128xf32, #tpu.memory_space<vmem>>) target(%dma_start3A_196 : memref<80x128xf32, #tpu.memory_space<hbm>>) target_semaphore(%arg13 : memref<!tpu.dma_semaphore, #tpu.memory_space<semaphore_mem>>)
    %add3A_197 = arith.constant 240 : i32
    %add3A_198 = arith.addi %mul3A_7, %add3A_197 : i32
    %dma_wait3A_199 = arith.constant 0 : i32
    %dma_wait3A_200 = tpu.memref_slice %arg5[%arg0, %add3A_198, %dma_wait3A_199] : memref<2x10240x128xf32, #tpu.memory_space<hbm>> -> memref<1x80x128xf32, #tpu.memory_space<hbm>>
    %dma_wait3A_201 = tpu.memref_squeeze %dma_wait3A_200 : memref<1x80x128xf32, #tpu.memory_space<hbm>> -> memref<80x128xf32, #tpu.memory_space<hbm>>
    %dma_wait3A_202 = arith.constant 0 : i32
    %dma_wait3A_203 = tpu.memref_slice %arg5[%arg0, %add3A_198, %dma_wait3A_202] : memref<2x10240x128xf32, #tpu.memory_space<hbm>> -> memref<1x80x128xf32, #tpu.memory_space<hbm>>
    %dma_wait3A_204 = tpu.memref_squeeze %dma_wait3A_203 : memref<1x80x128xf32, #tpu.memory_space<hbm>> -> memref<80x128xf32, #tpu.memory_space<hbm>>
    tpu.wait_dma2 semaphore(%arg13 : memref<!tpu.dma_semaphore, #tpu.memory_space<semaphore_mem>>) src(%arg9 : memref<80x128xf32, #tpu.memory_space<vmem>>) dst(%dma_wait3A_204 : memref<80x128xf32, #tpu.memory_space<hbm>>)
    %add3A_205 = arith.constant 400 : i32
    %add3A_206 = arith.addi %mul3A_7, %add3A_205 : i32
    "tpu.region"() ({
      %run_scoped3A = tpu.sem_alloc : memref<!tpu.dma_semaphore, #tpu.memory_space<semaphore_mem>>
      %dma_start3A_267 = arith.constant 0 : i32
      %dma_start3A_268 = tpu.memref_slice %arg10[%add3A_206, %dma_start3A_267] : memref<10240x128xf32, #tpu.memory_space<vmem_shared>> -> memref<80x128xf32, #tpu.memory_space<vmem_shared>>
      %dma_start3A_269 = arith.constant 0 : i32
      %dma_start3A_270 = tpu.memref_slice %arg10[%add3A_206, %dma_start3A_269] : memref<10240x128xf32, #tpu.memory_space<vmem_shared>> -> memref<80x128xf32, #tpu.memory_space<vmem_shared>>
      tpu.enqueue_dma source(%dma_start3A_270 : memref<80x128xf32, #tpu.memory_space<vmem_shared>>) target(%arg9 : memref<80x128xf32, #tpu.memory_space<vmem>>) target_semaphore(%run_scoped3A : memref<!tpu.dma_semaphore, #tpu.memory_space<semaphore_mem>>)
      %dma_wait3A_271 = arith.constant 0 : i32
      %dma_wait3A_272 = tpu.memref_slice %arg10[%add3A_206, %dma_wait3A_271] : memref<10240x128xf32, #tpu.memory_space<vmem_shared>> -> memref<80x128xf32, #tpu.memory_space<vmem_shared>>
      %dma_wait3A_273 = arith.constant 0 : i32
      %dma_wait3A_274 = tpu.memref_slice %arg10[%add3A_206, %dma_wait3A_273] : memref<10240x128xf32, #tpu.memory_space<vmem_shared>> -> memref<80x128xf32, #tpu.memory_space<vmem_shared>>
      tpu.wait_dma2 semaphore(%run_scoped3A : memref<!tpu.dma_semaphore, #tpu.memory_space<semaphore_mem>>) src(%dma_wait3A_274 : memref<80x128xf32, #tpu.memory_space<vmem_shared>>) dst(%arg9 : memref<80x128xf32, #tpu.memory_space<vmem>>)
      tpu.yield
    }) : () -> ()
    %add3A_207 = arith.constant 400 : i32
    %add3A_208 = arith.addi %mul3A_7, %add3A_207 : i32
    %dma_start3A_209 = arith.constant 0 : i32
    %dma_start3A_210 = tpu.memref_slice %arg5[%arg0, %add3A_208, %dma_start3A_209] : memref<2x10240x128xf32, #tpu.memory_space<hbm>> -> memref<1x80x128xf32, #tpu.memory_space<hbm>>
    %dma_start3A_211 = tpu.memref_squeeze %dma_start3A_210 : memref<1x80x128xf32, #tpu.memory_space<hbm>> -> memref<80x128xf32, #tpu.memory_space<hbm>>
    %dma_start3A_212 = arith.constant 0 : i32
    %dma_start3A_213 = tpu.memref_slice %arg5[%arg0, %add3A_208, %dma_start3A_212] : memref<2x10240x128xf32, #tpu.memory_space<hbm>> -> memref<1x80x128xf32, #tpu.memory_space<hbm>>
    %dma_start3A_214 = tpu.memref_squeeze %dma_start3A_213 : memref<1x80x128xf32, #tpu.memory_space<hbm>> -> memref<80x128xf32, #tpu.memory_space<hbm>>
    tpu.enqueue_dma source(%arg9 : memref<80x128xf32, #tpu.memory_space<vmem>>) target(%dma_start3A_214 : memref<80x128xf32, #tpu.memory_space<hbm>>) target_semaphore(%arg13 : memref<!tpu.dma_semaphore, #tpu.memory_space<semaphore_mem>>)
    %add3A_215 = arith.constant 320 : i32
    %add3A_216 = arith.addi %mul3A_7, %add3A_215 : i32
    %dma_wait3A_217 = arith.constant 0 : i32
    %dma_wait3A_218 = tpu.memref_slice %arg5[%arg0, %add3A_216, %dma_wait3A_217] : memref<2x10240x128xf32, #tpu.memory_space<hbm>> -> memref<1x80x128xf32, #tpu.memory_space<hbm>>
    %dma_wait3A_219 = tpu.memref_squeeze %dma_wait3A_218 : memref<1x80x128xf32, #tpu.memory_space<hbm>> -> memref<80x128xf32, #tpu.memory_space<hbm>>
    %dma_wait3A_220 = arith.constant 0 : i32
    %dma_wait3A_221 = tpu.memref_slice %arg5[%arg0, %add3A_216, %dma_wait3A_220] : memref<2x10240x128xf32, #tpu.memory_space<hbm>> -> memref<1x80x128xf32, #tpu.memory_space<hbm>>
    %dma_wait3A_222 = tpu.memref_squeeze %dma_wait3A_221 : memref<1x80x128xf32, #tpu.memory_space<hbm>> -> memref<80x128xf32, #tpu.memory_space<hbm>>
    tpu.wait_dma2 semaphore(%arg13 : memref<!tpu.dma_semaphore, #tpu.memory_space<semaphore_mem>>) src(%arg8 : memref<80x128xf32, #tpu.memory_space<vmem>>) dst(%dma_wait3A_222 : memref<80x128xf32, #tpu.memory_space<hbm>>)
    %add3A_223 = arith.constant 480 : i32
    %add3A_224 = arith.addi %mul3A_7, %add3A_223 : i32
    "tpu.region"() ({
      %run_scoped3A = tpu.sem_alloc : memref<!tpu.dma_semaphore, #tpu.memory_space<semaphore_mem>>
      %dma_start3A_267 = arith.constant 0 : i32
      %dma_start3A_268 = tpu.memref_slice %arg10[%add3A_224, %dma_start3A_267] : memref<10240x128xf32, #tpu.memory_space<vmem_shared>> -> memref<80x128xf32, #tpu.memory_space<vmem_shared>>
      %dma_start3A_269 = arith.constant 0 : i32
      %dma_start3A_270 = tpu.memref_slice %arg10[%add3A_224, %dma_start3A_269] : memref<10240x128xf32, #tpu.memory_space<vmem_shared>> -> memref<80x128xf32, #tpu.memory_space<vmem_shared>>
      tpu.enqueue_dma source(%dma_start3A_270 : memref<80x128xf32, #tpu.memory_space<vmem_shared>>) target(%arg8 : memref<80x128xf32, #tpu.memory_space<vmem>>) target_semaphore(%run_scoped3A : memref<!tpu.dma_semaphore, #tpu.memory_space<semaphore_mem>>)
      %dma_wait3A_271 = arith.constant 0 : i32
      %dma_wait3A_272 = tpu.memref_slice %arg10[%add3A_224, %dma_wait3A_271] : memref<10240x128xf32, #tpu.memory_space<vmem_shared>> -> memref<80x128xf32, #tpu.memory_space<vmem_shared>>
      %dma_wait3A_273 = arith.constant 0 : i32
      %dma_wait3A_274 = tpu.memref_slice %arg10[%add3A_224, %dma_wait3A_273] : memref<10240x128xf32, #tpu.memory_space<vmem_shared>> -> memref<80x128xf32, #tpu.memory_space<vmem_shared>>
      tpu.wait_dma2 semaphore(%run_scoped3A : memref<!tpu.dma_semaphore, #tpu.memory_space<semaphore_mem>>) src(%dma_wait3A_274 : memref<80x128xf32, #tpu.memory_space<vmem_shared>>) dst(%arg8 : memref<80x128xf32, #tpu.memory_space<vmem>>)
      tpu.yield
    }) : () -> ()
    %add3A_225 = arith.constant 480 : i32
    %add3A_226 = arith.addi %mul3A_7, %add3A_225 : i32
    %dma_start3A_227 = arith.constant 0 : i32
    %dma_start3A_228 = tpu.memref_slice %arg5[%arg0, %add3A_226, %dma_start3A_227] : memref<2x10240x128xf32, #tpu.memory_space<hbm>> -> memref<1x80x128xf32, #tpu.memory_space<hbm>>
    %dma_start3A_229 = tpu.memref_squeeze %dma_start3A_228 : memref<1x80x128xf32, #tpu.memory_space<hbm>> -> memref<80x128xf32, #tpu.memory_space<hbm>>
    %dma_start3A_230 = arith.constant 0 : i32
    %dma_start3A_231 = tpu.memref_slice %arg5[%arg0, %add3A_226, %dma_start3A_230] : memref<2x10240x128xf32, #tpu.memory_space<hbm>> -> memref<1x80x128xf32, #tpu.memory_space<hbm>>
    %dma_start3A_232 = tpu.memref_squeeze %dma_start3A_231 : memref<1x80x128xf32, #tpu.memory_space<hbm>> -> memref<80x128xf32, #tpu.memory_space<hbm>>
    tpu.enqueue_dma source(%arg8 : memref<80x128xf32, #tpu.memory_space<vmem>>) target(%dma_start3A_232 : memref<80x128xf32, #tpu.memory_space<hbm>>) target_semaphore(%arg13 : memref<!tpu.dma_semaphore, #tpu.memory_space<semaphore_mem>>)
    %add3A_233 = arith.constant 400 : i32
    %add3A_234 = arith.addi %mul3A_7, %add3A_233 : i32
    %dma_wait3A_235 = arith.constant 0 : i32
    %dma_wait3A_236 = tpu.memref_slice %arg5[%arg0, %add3A_234, %dma_wait3A_235] : memref<2x10240x128xf32, #tpu.memory_space<hbm>> -> memref<1x80x128xf32, #tpu.memory_space<hbm>>
    %dma_wait3A_237 = tpu.memref_squeeze %dma_wait3A_236 : memref<1x80x128xf32, #tpu.memory_space<hbm>> -> memref<80x128xf32, #tpu.memory_space<hbm>>
    %dma_wait3A_238 = arith.constant 0 : i32
    %dma_wait3A_239 = tpu.memref_slice %arg5[%arg0, %add3A_234, %dma_wait3A_238] : memref<2x10240x128xf32, #tpu.memory_space<hbm>> -> memref<1x80x128xf32, #tpu.memory_space<hbm>>
    %dma_wait3A_240 = tpu.memref_squeeze %dma_wait3A_239 : memref<1x80x128xf32, #tpu.memory_space<hbm>> -> memref<80x128xf32, #tpu.memory_space<hbm>>
    tpu.wait_dma2 semaphore(%arg13 : memref<!tpu.dma_semaphore, #tpu.memory_space<semaphore_mem>>) src(%arg9 : memref<80x128xf32, #tpu.memory_space<vmem>>) dst(%dma_wait3A_240 : memref<80x128xf32, #tpu.memory_space<hbm>>)
    %add3A_241 = arith.constant 560 : i32
    %add3A_242 = arith.addi %mul3A_7, %add3A_241 : i32
    "tpu.region"() ({
      %run_scoped3A = tpu.sem_alloc : memref<!tpu.dma_semaphore, #tpu.memory_space<semaphore_mem>>
      %dma_start3A_267 = arith.constant 0 : i32
      %dma_start3A_268 = tpu.memref_slice %arg10[%add3A_242, %dma_start3A_267] : memref<10240x128xf32, #tpu.memory_space<vmem_shared>> -> memref<80x128xf32, #tpu.memory_space<vmem_shared>>
      %dma_start3A_269 = arith.constant 0 : i32
      %dma_start3A_270 = tpu.memref_slice %arg10[%add3A_242, %dma_start3A_269] : memref<10240x128xf32, #tpu.memory_space<vmem_shared>> -> memref<80x128xf32, #tpu.memory_space<vmem_shared>>
      tpu.enqueue_dma source(%dma_start3A_270 : memref<80x128xf32, #tpu.memory_space<vmem_shared>>) target(%arg9 : memref<80x128xf32, #tpu.memory_space<vmem>>) target_semaphore(%run_scoped3A : memref<!tpu.dma_semaphore, #tpu.memory_space<semaphore_mem>>)
      %dma_wait3A_271 = arith.constant 0 : i32
      %dma_wait3A_272 = tpu.memref_slice %arg10[%add3A_242, %dma_wait3A_271] : memref<10240x128xf32, #tpu.memory_space<vmem_shared>> -> memref<80x128xf32, #tpu.memory_space<vmem_shared>>
      %dma_wait3A_273 = arith.constant 0 : i32
      %dma_wait3A_274 = tpu.memref_slice %arg10[%add3A_242, %dma_wait3A_273] : memref<10240x128xf32, #tpu.memory_space<vmem_shared>> -> memref<80x128xf32, #tpu.memory_space<vmem_shared>>
      tpu.wait_dma2 semaphore(%run_scoped3A : memref<!tpu.dma_semaphore, #tpu.memory_space<semaphore_mem>>) src(%dma_wait3A_274 : memref<80x128xf32, #tpu.memory_space<vmem_shared>>) dst(%arg9 : memref<80x128xf32, #tpu.memory_space<vmem>>)
      tpu.yield
    }) : () -> ()
    %add3A_243 = arith.constant 560 : i32
    %add3A_244 = arith.addi %mul3A_7, %add3A_243 : i32
    %dma_start3A_245 = arith.constant 0 : i32
    %dma_start3A_246 = tpu.memref_slice %arg5[%arg0, %add3A_244, %dma_start3A_245] : memref<2x10240x128xf32, #tpu.memory_space<hbm>> -> memref<1x80x128xf32, #tpu.memory_space<hbm>>
    %dma_start3A_247 = tpu.memref_squeeze %dma_start3A_246 : memref<1x80x128xf32, #tpu.memory_space<hbm>> -> memref<80x128xf32, #tpu.memory_space<hbm>>
    %dma_start3A_248 = arith.constant 0 : i32
    %dma_start3A_249 = tpu.memref_slice %arg5[%arg0, %add3A_244, %dma_start3A_248] : memref<2x10240x128xf32, #tpu.memory_space<hbm>> -> memref<1x80x128xf32, #tpu.memory_space<hbm>>
    %dma_start3A_250 = tpu.memref_squeeze %dma_start3A_249 : memref<1x80x128xf32, #tpu.memory_space<hbm>> -> memref<80x128xf32, #tpu.memory_space<hbm>>
    tpu.enqueue_dma source(%arg9 : memref<80x128xf32, #tpu.memory_space<vmem>>) target(%dma_start3A_250 : memref<80x128xf32, #tpu.memory_space<hbm>>) target_semaphore(%arg13 : memref<!tpu.dma_semaphore, #tpu.memory_space<semaphore_mem>>)
    %add3A_251 = arith.constant 480 : i32
    %add3A_252 = arith.addi %mul3A_7, %add3A_251 : i32
    %dma_wait3A_253 = arith.constant 0 : i32
    %dma_wait3A_254 = tpu.memref_slice %arg5[%arg0, %add3A_252, %dma_wait3A_253] : memref<2x10240x128xf32, #tpu.memory_space<hbm>> -> memref<1x80x128xf32, #tpu.memory_space<hbm>>
    %dma_wait3A_255 = tpu.memref_squeeze %dma_wait3A_254 : memref<1x80x128xf32, #tpu.memory_space<hbm>> -> memref<80x128xf32, #tpu.memory_space<hbm>>
    %dma_wait3A_256 = arith.constant 0 : i32
    %dma_wait3A_257 = tpu.memref_slice %arg5[%arg0, %add3A_252, %dma_wait3A_256] : memref<2x10240x128xf32, #tpu.memory_space<hbm>> -> memref<1x80x128xf32, #tpu.memory_space<hbm>>
    %dma_wait3A_258 = tpu.memref_squeeze %dma_wait3A_257 : memref<1x80x128xf32, #tpu.memory_space<hbm>> -> memref<80x128xf32, #tpu.memory_space<hbm>>
    tpu.wait_dma2 semaphore(%arg13 : memref<!tpu.dma_semaphore, #tpu.memory_space<semaphore_mem>>) src(%arg8 : memref<80x128xf32, #tpu.memory_space<vmem>>) dst(%dma_wait3A_258 : memref<80x128xf32, #tpu.memory_space<hbm>>)
    %add3A_259 = arith.constant 560 : i32
    %add3A_260 = arith.addi %mul3A_7, %add3A_259 : i32
    %dma_wait3A_261 = arith.constant 0 : i32
    %dma_wait3A_262 = tpu.memref_slice %arg5[%arg0, %add3A_260, %dma_wait3A_261] : memref<2x10240x128xf32, #tpu.memory_space<hbm>> -> memref<1x80x128xf32, #tpu.memory_space<hbm>>
    %dma_wait3A_263 = tpu.memref_squeeze %dma_wait3A_262 : memref<1x80x128xf32, #tpu.memory_space<hbm>> -> memref<80x128xf32, #tpu.memory_space<hbm>>
    %dma_wait3A_264 = arith.constant 0 : i32
    %dma_wait3A_265 = tpu.memref_slice %arg5[%arg0, %add3A_260, %dma_wait3A_264] : memref<2x10240x128xf32, #tpu.memory_space<hbm>> -> memref<1x80x128xf32, #tpu.memory_space<hbm>>
    %dma_wait3A_266 = tpu.memref_squeeze %dma_wait3A_265 : memref<1x80x128xf32, #tpu.memory_space<hbm>> -> memref<80x128xf32, #tpu.memory_space<hbm>>
    tpu.wait_dma2 semaphore(%arg13 : memref<!tpu.dma_semaphore, #tpu.memory_space<semaphore_mem>>) src(%arg9 : memref<80x128xf32, #tpu.memory_space<vmem>>) dst(%dma_wait3A_266 : memref<80x128xf32, #tpu.memory_space<hbm>>)
    return
  }
}

#map = affine_map<(d0, d1) -> (0)>
#map1 = affine_map<(d0, d1) -> (0, 0, 0)>
module attributes {stable_mosaic.version = 14 : i64} {
  func.func @deg_kernel(%arg0: i32, %arg1: i32, %arg2: memref<320000xi32, #tpu.memory_space<hbm>>, %arg3: memref<2x10240x128xf32, #tpu.memory_space<hbm>>, %arg4: memref<10000xi32, #tpu.memory_space<vmem>>, %arg5: memref<80x128xf32, #tpu.memory_space<vmem>>, %arg6: memref<80x128xf32, #tpu.memory_space<vmem>>, %arg7: memref<10240x128xf32, #tpu.memory_space<vmem_shared>>, %arg8: memref<!tpu.dma_semaphore, #tpu.memory_space<semaphore_mem>>) attributes {dimension_semantics = [#tpu.dimension_semantics<core_parallel>, #tpu.dimension_semantics<subcore_parallel>], iteration_bounds = array<i64: 2, 16>, scalar_prefetch = 0 : i64, scratch_operands = 5 : i64, tpu.core_type = #tpu.core_type<sc_vector_subcore>, window_params = [{transform_indices = #map}, {transform_indices = #map1}]} {
    %mul3A = arith.constant 16 : i32
    %mul3A_0 = arith.muli %arg0, %mul3A : i32
    %add3A = arith.addi %mul3A_0, %arg1 : i32
    %mul3A_1 = arith.constant 640 : i32
    %mul3A_2 = arith.muli %arg1, %mul3A_1 : i32
    %scan3A = arith.constant 0 : i32
    %scan3A_3 = arith.constant 0 : i32
    %scan3A_4 = arith.constant 80 : i32
    %scan3A_5 = arith.addi %scan3A_3, %scan3A_4 : i32
    %scan3A_6 = arith.constant 1 : i32
    scf.for %scan3A_261 = %scan3A_3 to %scan3A_5 step %scan3A_6  : i32 {
      %broadcast_in_dim3A = arith.constant 0.000000e+00 : f32
      %broadcast_in_dim3A_262 = vector.broadcast %broadcast_in_dim3A : f32 to vector<16xf32>
      %swap3A = arith.index_cast %scan3A_261 : i32 to index
      %swap3A_263 = arith.constant 0 : index
      %swap3A_264 = tpu.vector_load %arg6[%swap3A, %swap3A_263] {strides = array<i32>} : memref<80x128xf32, #tpu.memory_space<vmem>>, vector<1x16xf32>,
      %swap3A_265 = vector.shape_cast %swap3A_264 : vector<1x16xf32> to vector<16xf32>
      %swap3A_266 = vector.shape_cast %broadcast_in_dim3A_262 : vector<16xf32> to vector<1x16xf32>
      tpu.vector_store %arg6[%swap3A, %swap3A_263], %swap3A_266 {strides = array<i32>} : memref<80x128xf32, #tpu.memory_space<vmem>>, vector<1x16xf32>,
      %broadcast_in_dim3A_267 = arith.constant 0.000000e+00 : f32
      %broadcast_in_dim3A_268 = vector.broadcast %broadcast_in_dim3A_267 : f32 to vector<16xf32>
      %swap3A_269 = arith.index_cast %scan3A_261 : i32 to index
      %swap3A_270 = arith.constant 16 : index
      %swap3A_271 = tpu.vector_load %arg6[%swap3A_269, %swap3A_270] {strides = array<i32>} : memref<80x128xf32, #tpu.memory_space<vmem>>, vector<1x16xf32>,
      %swap3A_272 = vector.shape_cast %swap3A_271 : vector<1x16xf32> to vector<16xf32>
      %swap3A_273 = vector.shape_cast %broadcast_in_dim3A_268 : vector<16xf32> to vector<1x16xf32>
      tpu.vector_store %arg6[%swap3A_269, %swap3A_270], %swap3A_273 {strides = array<i32>} : memref<80x128xf32, #tpu.memory_space<vmem>>, vector<1x16xf32>,
      %broadcast_in_dim3A_274 = arith.constant 0.000000e+00 : f32
      %broadcast_in_dim3A_275 = vector.broadcast %broadcast_in_dim3A_274 : f32 to vector<16xf32>
      %swap3A_276 = arith.index_cast %scan3A_261 : i32 to index
      %swap3A_277 = arith.constant 32 : index
      %swap3A_278 = tpu.vector_load %arg6[%swap3A_276, %swap3A_277] {strides = array<i32>} : memref<80x128xf32, #tpu.memory_space<vmem>>, vector<1x16xf32>,
      %swap3A_279 = vector.shape_cast %swap3A_278 : vector<1x16xf32> to vector<16xf32>
      %swap3A_280 = vector.shape_cast %broadcast_in_dim3A_275 : vector<16xf32> to vector<1x16xf32>
      tpu.vector_store %arg6[%swap3A_276, %swap3A_277], %swap3A_280 {strides = array<i32>} : memref<80x128xf32, #tpu.memory_space<vmem>>, vector<1x16xf32>,
      %broadcast_in_dim3A_281 = arith.constant 0.000000e+00 : f32
      %broadcast_in_dim3A_282 = vector.broadcast %broadcast_in_dim3A_281 : f32 to vector<16xf32>
      %swap3A_283 = arith.index_cast %scan3A_261 : i32 to index
      %swap3A_284 = arith.constant 48 : index
      %swap3A_285 = tpu.vector_load %arg6[%swap3A_283, %swap3A_284] {strides = array<i32>} : memref<80x128xf32, #tpu.memory_space<vmem>>, vector<1x16xf32>,
      %swap3A_286 = vector.shape_cast %swap3A_285 : vector<1x16xf32> to vector<16xf32>
      %swap3A_287 = vector.shape_cast %broadcast_in_dim3A_282 : vector<16xf32> to vector<1x16xf32>
      tpu.vector_store %arg6[%swap3A_283, %swap3A_284], %swap3A_287 {strides = array<i32>} : memref<80x128xf32, #tpu.memory_space<vmem>>, vector<1x16xf32>,
      %broadcast_in_dim3A_288 = arith.constant 0.000000e+00 : f32
      %broadcast_in_dim3A_289 = vector.broadcast %broadcast_in_dim3A_288 : f32 to vector<16xf32>
      %swap3A_290 = arith.index_cast %scan3A_261 : i32 to index
      %swap3A_291 = arith.constant 64 : index
      %swap3A_292 = tpu.vector_load %arg6[%swap3A_290, %swap3A_291] {strides = array<i32>} : memref<80x128xf32, #tpu.memory_space<vmem>>, vector<1x16xf32>,
      %swap3A_293 = vector.shape_cast %swap3A_292 : vector<1x16xf32> to vector<16xf32>
      %swap3A_294 = vector.shape_cast %broadcast_in_dim3A_289 : vector<16xf32> to vector<1x16xf32>
      tpu.vector_store %arg6[%swap3A_290, %swap3A_291], %swap3A_294 {strides = array<i32>} : memref<80x128xf32, #tpu.memory_space<vmem>>, vector<1x16xf32>,
      %broadcast_in_dim3A_295 = arith.constant 0.000000e+00 : f32
      %broadcast_in_dim3A_296 = vector.broadcast %broadcast_in_dim3A_295 : f32 to vector<16xf32>
      %swap3A_297 = arith.index_cast %scan3A_261 : i32 to index
      %swap3A_298 = arith.constant 80 : index
      %swap3A_299 = tpu.vector_load %arg6[%swap3A_297, %swap3A_298] {strides = array<i32>} : memref<80x128xf32, #tpu.memory_space<vmem>>, vector<1x16xf32>,
      %swap3A_300 = vector.shape_cast %swap3A_299 : vector<1x16xf32> to vector<16xf32>
      %swap3A_301 = vector.shape_cast %broadcast_in_dim3A_296 : vector<16xf32> to vector<1x16xf32>
      tpu.vector_store %arg6[%swap3A_297, %swap3A_298], %swap3A_301 {strides = array<i32>} : memref<80x128xf32, #tpu.memory_space<vmem>>, vector<1x16xf32>,
      %broadcast_in_dim3A_302 = arith.constant 0.000000e+00 : f32
      %broadcast_in_dim3A_303 = vector.broadcast %broadcast_in_dim3A_302 : f32 to vector<16xf32>
      %swap3A_304 = arith.index_cast %scan3A_261 : i32 to index
      %swap3A_305 = arith.constant 96 : index
      %swap3A_306 = tpu.vector_load %arg6[%swap3A_304, %swap3A_305] {strides = array<i32>} : memref<80x128xf32, #tpu.memory_space<vmem>>, vector<1x16xf32>,
      %swap3A_307 = vector.shape_cast %swap3A_306 : vector<1x16xf32> to vector<16xf32>
      %swap3A_308 = vector.shape_cast %broadcast_in_dim3A_303 : vector<16xf32> to vector<1x16xf32>
      tpu.vector_store %arg6[%swap3A_304, %swap3A_305], %swap3A_308 {strides = array<i32>} : memref<80x128xf32, #tpu.memory_space<vmem>>, vector<1x16xf32>,
      %broadcast_in_dim3A_309 = arith.constant 0.000000e+00 : f32
      %broadcast_in_dim3A_310 = vector.broadcast %broadcast_in_dim3A_309 : f32 to vector<16xf32>
      %swap3A_311 = arith.index_cast %scan3A_261 : i32 to index
      %swap3A_312 = arith.constant 112 : index
      %swap3A_313 = tpu.vector_load %arg6[%swap3A_311, %swap3A_312] {strides = array<i32>} : memref<80x128xf32, #tpu.memory_space<vmem>>, vector<1x16xf32>,
      %swap3A_314 = vector.shape_cast %swap3A_313 : vector<1x16xf32> to vector<16xf32>
      %swap3A_315 = vector.shape_cast %broadcast_in_dim3A_310 : vector<16xf32> to vector<1x16xf32>
      tpu.vector_store %arg6[%swap3A_311, %swap3A_312], %swap3A_315 {strides = array<i32>} : memref<80x128xf32, #tpu.memory_space<vmem>>, vector<1x16xf32>,
    }
    %scan3A_7 = arith.constant 80 : i32
    %add3A_8 = arith.constant 0 : i32
    %add3A_9 = arith.addi %mul3A_2, %add3A_8 : i32
    %dma_start3A = arith.constant 0 : i32
    %dma_start3A_10 = tpu.memref_slice %arg7[%add3A_9, %dma_start3A] : memref<10240x128xf32, #tpu.memory_space<vmem_shared>> -> memref<80x128xf32, #tpu.memory_space<vmem_shared>>
    %dma_start3A_11 = arith.constant 0 : i32
    %dma_start3A_12 = tpu.memref_slice %arg7[%add3A_9, %dma_start3A_11] : memref<10240x128xf32, #tpu.memory_space<vmem_shared>> -> memref<80x128xf32, #tpu.memory_space<vmem_shared>>
    tpu.enqueue_dma source(%arg6 : memref<80x128xf32, #tpu.memory_space<vmem>>) target(%dma_start3A_12 : memref<80x128xf32, #tpu.memory_space<vmem_shared>>) target_semaphore(%arg8 : memref<!tpu.dma_semaphore, #tpu.memory_space<semaphore_mem>>)
    %add3A_13 = arith.constant 80 : i32
    %add3A_14 = arith.addi %mul3A_2, %add3A_13 : i32
    %dma_start3A_15 = arith.constant 0 : i32
    %dma_start3A_16 = tpu.memref_slice %arg7[%add3A_14, %dma_start3A_15] : memref<10240x128xf32, #tpu.memory_space<vmem_shared>> -> memref<80x128xf32, #tpu.memory_space<vmem_shared>>
    %dma_start3A_17 = arith.constant 0 : i32
    %dma_start3A_18 = tpu.memref_slice %arg7[%add3A_14, %dma_start3A_17] : memref<10240x128xf32, #tpu.memory_space<vmem_shared>> -> memref<80x128xf32, #tpu.memory_space<vmem_shared>>
    tpu.enqueue_dma source(%arg6 : memref<80x128xf32, #tpu.memory_space<vmem>>) target(%dma_start3A_18 : memref<80x128xf32, #tpu.memory_space<vmem_shared>>) target_semaphore(%arg8 : memref<!tpu.dma_semaphore, #tpu.memory_space<semaphore_mem>>)
    %add3A_19 = arith.constant 160 : i32
    %add3A_20 = arith.addi %mul3A_2, %add3A_19 : i32
    %dma_start3A_21 = arith.constant 0 : i32
    %dma_start3A_22 = tpu.memref_slice %arg7[%add3A_20, %dma_start3A_21] : memref<10240x128xf32, #tpu.memory_space<vmem_shared>> -> memref<80x128xf32, #tpu.memory_space<vmem_shared>>
    %dma_start3A_23 = arith.constant 0 : i32
    %dma_start3A_24 = tpu.memref_slice %arg7[%add3A_20, %dma_start3A_23] : memref<10240x128xf32, #tpu.memory_space<vmem_shared>> -> memref<80x128xf32, #tpu.memory_space<vmem_shared>>
    tpu.enqueue_dma source(%arg6 : memref<80x128xf32, #tpu.memory_space<vmem>>) target(%dma_start3A_24 : memref<80x128xf32, #tpu.memory_space<vmem_shared>>) target_semaphore(%arg8 : memref<!tpu.dma_semaphore, #tpu.memory_space<semaphore_mem>>)
    %add3A_25 = arith.constant 240 : i32
    %add3A_26 = arith.addi %mul3A_2, %add3A_25 : i32
    %dma_start3A_27 = arith.constant 0 : i32
    %dma_start3A_28 = tpu.memref_slice %arg7[%add3A_26, %dma_start3A_27] : memref<10240x128xf32, #tpu.memory_space<vmem_shared>> -> memref<80x128xf32, #tpu.memory_space<vmem_shared>>
    %dma_start3A_29 = arith.constant 0 : i32
    %dma_start3A_30 = tpu.memref_slice %arg7[%add3A_26, %dma_start3A_29] : memref<10240x128xf32, #tpu.memory_space<vmem_shared>> -> memref<80x128xf32, #tpu.memory_space<vmem_shared>>
    tpu.enqueue_dma source(%arg6 : memref<80x128xf32, #tpu.memory_space<vmem>>) target(%dma_start3A_30 : memref<80x128xf32, #tpu.memory_space<vmem_shared>>) target_semaphore(%arg8 : memref<!tpu.dma_semaphore, #tpu.memory_space<semaphore_mem>>)
    %add3A_31 = arith.constant 320 : i32
    %add3A_32 = arith.addi %mul3A_2, %add3A_31 : i32
    %dma_start3A_33 = arith.constant 0 : i32
    %dma_start3A_34 = tpu.memref_slice %arg7[%add3A_32, %dma_start3A_33] : memref<10240x128xf32, #tpu.memory_space<vmem_shared>> -> memref<80x128xf32, #tpu.memory_space<vmem_shared>>
    %dma_start3A_35 = arith.constant 0 : i32
    %dma_start3A_36 = tpu.memref_slice %arg7[%add3A_32, %dma_start3A_35] : memref<10240x128xf32, #tpu.memory_space<vmem_shared>> -> memref<80x128xf32, #tpu.memory_space<vmem_shared>>
    tpu.enqueue_dma source(%arg6 : memref<80x128xf32, #tpu.memory_space<vmem>>) target(%dma_start3A_36 : memref<80x128xf32, #tpu.memory_space<vmem_shared>>) target_semaphore(%arg8 : memref<!tpu.dma_semaphore, #tpu.memory_space<semaphore_mem>>)
    %add3A_37 = arith.constant 400 : i32
    %add3A_38 = arith.addi %mul3A_2, %add3A_37 : i32
    %dma_start3A_39 = arith.constant 0 : i32
    %dma_start3A_40 = tpu.memref_slice %arg7[%add3A_38, %dma_start3A_39] : memref<10240x128xf32, #tpu.memory_space<vmem_shared>> -> memref<80x128xf32, #tpu.memory_space<vmem_shared>>
    %dma_start3A_41 = arith.constant 0 : i32
    %dma_start3A_42 = tpu.memref_slice %arg7[%add3A_38, %dma_start3A_41] : memref<10240x128xf32, #tpu.memory_space<vmem_shared>> -> memref<80x128xf32, #tpu.memory_space<vmem_shared>>
    tpu.enqueue_dma source(%arg6 : memref<80x128xf32, #tpu.memory_space<vmem>>) target(%dma_start3A_42 : memref<80x128xf32, #tpu.memory_space<vmem_shared>>) target_semaphore(%arg8 : memref<!tpu.dma_semaphore, #tpu.memory_space<semaphore_mem>>)
    %add3A_43 = arith.constant 480 : i32
    %add3A_44 = arith.addi %mul3A_2, %add3A_43 : i32
    %dma_start3A_45 = arith.constant 0 : i32
    %dma_start3A_46 = tpu.memref_slice %arg7[%add3A_44, %dma_start3A_45] : memref<10240x128xf32, #tpu.memory_space<vmem_shared>> -> memref<80x128xf32, #tpu.memory_space<vmem_shared>>
    %dma_start3A_47 = arith.constant 0 : i32
    %dma_start3A_48 = tpu.memref_slice %arg7[%add3A_44, %dma_start3A_47] : memref<10240x128xf32, #tpu.memory_space<vmem_shared>> -> memref<80x128xf32, #tpu.memory_space<vmem_shared>>
    tpu.enqueue_dma source(%arg6 : memref<80x128xf32, #tpu.memory_space<vmem>>) target(%dma_start3A_48 : memref<80x128xf32, #tpu.memory_space<vmem_shared>>) target_semaphore(%arg8 : memref<!tpu.dma_semaphore, #tpu.memory_space<semaphore_mem>>)
    %add3A_49 = arith.constant 560 : i32
    %add3A_50 = arith.addi %mul3A_2, %add3A_49 : i32
    %dma_start3A_51 = arith.constant 0 : i32
    %dma_start3A_52 = tpu.memref_slice %arg7[%add3A_50, %dma_start3A_51] : memref<10240x128xf32, #tpu.memory_space<vmem_shared>> -> memref<80x128xf32, #tpu.memory_space<vmem_shared>>
    %dma_start3A_53 = arith.constant 0 : i32
    %dma_start3A_54 = tpu.memref_slice %arg7[%add3A_50, %dma_start3A_53] : memref<10240x128xf32, #tpu.memory_space<vmem_shared>> -> memref<80x128xf32, #tpu.memory_space<vmem_shared>>
    tpu.enqueue_dma source(%arg6 : memref<80x128xf32, #tpu.memory_space<vmem>>) target(%dma_start3A_54 : memref<80x128xf32, #tpu.memory_space<vmem_shared>>) target_semaphore(%arg8 : memref<!tpu.dma_semaphore, #tpu.memory_space<semaphore_mem>>)
    %scan3A_55 = arith.constant 0 : i32
    %scan3A_56 = arith.constant 0 : i32
    %scan3A_57 = arith.constant 80 : i32
    %scan3A_58 = arith.addi %scan3A_56, %scan3A_57 : i32
    %scan3A_59 = arith.constant 1 : i32
    scf.for %scan3A_261 = %scan3A_56 to %scan3A_58 step %scan3A_59  : i32 {
      %broadcast_in_dim3A = arith.constant 1.000000e+00 : f32
      %broadcast_in_dim3A_262 = vector.broadcast %broadcast_in_dim3A : f32 to vector<16xf32>
      %swap3A = arith.index_cast %scan3A_261 : i32 to index
      %swap3A_263 = arith.constant 0 : index
      %swap3A_264 = tpu.vector_load %arg5[%swap3A, %swap3A_263] {strides = array<i32>} : memref<80x128xf32, #tpu.memory_space<vmem>>, vector<1x16xf32>,
      %swap3A_265 = vector.shape_cast %swap3A_264 : vector<1x16xf32> to vector<16xf32>
      %swap3A_266 = vector.shape_cast %broadcast_in_dim3A_262 : vector<16xf32> to vector<1x16xf32>
      tpu.vector_store %arg5[%swap3A, %swap3A_263], %swap3A_266 {strides = array<i32>} : memref<80x128xf32, #tpu.memory_space<vmem>>, vector<1x16xf32>,
      %broadcast_in_dim3A_267 = arith.constant 1.000000e+00 : f32
      %broadcast_in_dim3A_268 = vector.broadcast %broadcast_in_dim3A_267 : f32 to vector<16xf32>
      %swap3A_269 = arith.index_cast %scan3A_261 : i32 to index
      %swap3A_270 = arith.constant 16 : index
      %swap3A_271 = tpu.vector_load %arg5[%swap3A_269, %swap3A_270] {strides = array<i32>} : memref<80x128xf32, #tpu.memory_space<vmem>>, vector<1x16xf32>,
      %swap3A_272 = vector.shape_cast %swap3A_271 : vector<1x16xf32> to vector<16xf32>
      %swap3A_273 = vector.shape_cast %broadcast_in_dim3A_268 : vector<16xf32> to vector<1x16xf32>
      tpu.vector_store %arg5[%swap3A_269, %swap3A_270], %swap3A_273 {strides = array<i32>} : memref<80x128xf32, #tpu.memory_space<vmem>>, vector<1x16xf32>,
      %broadcast_in_dim3A_274 = arith.constant 1.000000e+00 : f32
      %broadcast_in_dim3A_275 = vector.broadcast %broadcast_in_dim3A_274 : f32 to vector<16xf32>
      %swap3A_276 = arith.index_cast %scan3A_261 : i32 to index
      %swap3A_277 = arith.constant 32 : index
      %swap3A_278 = tpu.vector_load %arg5[%swap3A_276, %swap3A_277] {strides = array<i32>} : memref<80x128xf32, #tpu.memory_space<vmem>>, vector<1x16xf32>,
      %swap3A_279 = vector.shape_cast %swap3A_278 : vector<1x16xf32> to vector<16xf32>
      %swap3A_280 = vector.shape_cast %broadcast_in_dim3A_275 : vector<16xf32> to vector<1x16xf32>
      tpu.vector_store %arg5[%swap3A_276, %swap3A_277], %swap3A_280 {strides = array<i32>} : memref<80x128xf32, #tpu.memory_space<vmem>>, vector<1x16xf32>,
      %broadcast_in_dim3A_281 = arith.constant 1.000000e+00 : f32
      %broadcast_in_dim3A_282 = vector.broadcast %broadcast_in_dim3A_281 : f32 to vector<16xf32>
      %swap3A_283 = arith.index_cast %scan3A_261 : i32 to index
      %swap3A_284 = arith.constant 48 : index
      %swap3A_285 = tpu.vector_load %arg5[%swap3A_283, %swap3A_284] {strides = array<i32>} : memref<80x128xf32, #tpu.memory_space<vmem>>, vector<1x16xf32>,
      %swap3A_286 = vector.shape_cast %swap3A_285 : vector<1x16xf32> to vector<16xf32>
      %swap3A_287 = vector.shape_cast %broadcast_in_dim3A_282 : vector<16xf32> to vector<1x16xf32>
      tpu.vector_store %arg5[%swap3A_283, %swap3A_284], %swap3A_287 {strides = array<i32>} : memref<80x128xf32, #tpu.memory_space<vmem>>, vector<1x16xf32>,
      %broadcast_in_dim3A_288 = arith.constant 1.000000e+00 : f32
      %broadcast_in_dim3A_289 = vector.broadcast %broadcast_in_dim3A_288 : f32 to vector<16xf32>
      %swap3A_290 = arith.index_cast %scan3A_261 : i32 to index
      %swap3A_291 = arith.constant 64 : index
      %swap3A_292 = tpu.vector_load %arg5[%swap3A_290, %swap3A_291] {strides = array<i32>} : memref<80x128xf32, #tpu.memory_space<vmem>>, vector<1x16xf32>,
      %swap3A_293 = vector.shape_cast %swap3A_292 : vector<1x16xf32> to vector<16xf32>
      %swap3A_294 = vector.shape_cast %broadcast_in_dim3A_289 : vector<16xf32> to vector<1x16xf32>
      tpu.vector_store %arg5[%swap3A_290, %swap3A_291], %swap3A_294 {strides = array<i32>} : memref<80x128xf32, #tpu.memory_space<vmem>>, vector<1x16xf32>,
      %broadcast_in_dim3A_295 = arith.constant 1.000000e+00 : f32
      %broadcast_in_dim3A_296 = vector.broadcast %broadcast_in_dim3A_295 : f32 to vector<16xf32>
      %swap3A_297 = arith.index_cast %scan3A_261 : i32 to index
      %swap3A_298 = arith.constant 80 : index
      %swap3A_299 = tpu.vector_load %arg5[%swap3A_297, %swap3A_298] {strides = array<i32>} : memref<80x128xf32, #tpu.memory_space<vmem>>, vector<1x16xf32>,
      %swap3A_300 = vector.shape_cast %swap3A_299 : vector<1x16xf32> to vector<16xf32>
      %swap3A_301 = vector.shape_cast %broadcast_in_dim3A_296 : vector<16xf32> to vector<1x16xf32>
      tpu.vector_store %arg5[%swap3A_297, %swap3A_298], %swap3A_301 {strides = array<i32>} : memref<80x128xf32, #tpu.memory_space<vmem>>, vector<1x16xf32>,
      %broadcast_in_dim3A_302 = arith.constant 1.000000e+00 : f32
      %broadcast_in_dim3A_303 = vector.broadcast %broadcast_in_dim3A_302 : f32 to vector<16xf32>
      %swap3A_304 = arith.index_cast %scan3A_261 : i32 to index
      %swap3A_305 = arith.constant 96 : index
      %swap3A_306 = tpu.vector_load %arg5[%swap3A_304, %swap3A_305] {strides = array<i32>} : memref<80x128xf32, #tpu.memory_space<vmem>>, vector<1x16xf32>,
      %swap3A_307 = vector.shape_cast %swap3A_306 : vector<1x16xf32> to vector<16xf32>
      %swap3A_308 = vector.shape_cast %broadcast_in_dim3A_303 : vector<16xf32> to vector<1x16xf32>
      tpu.vector_store %arg5[%swap3A_304, %swap3A_305], %swap3A_308 {strides = array<i32>} : memref<80x128xf32, #tpu.memory_space<vmem>>, vector<1x16xf32>,
      %broadcast_in_dim3A_309 = arith.constant 1.000000e+00 : f32
      %broadcast_in_dim3A_310 = vector.broadcast %broadcast_in_dim3A_309 : f32 to vector<16xf32>
      %swap3A_311 = arith.index_cast %scan3A_261 : i32 to index
      %swap3A_312 = arith.constant 112 : index
      %swap3A_313 = tpu.vector_load %arg5[%swap3A_311, %swap3A_312] {strides = array<i32>} : memref<80x128xf32, #tpu.memory_space<vmem>>, vector<1x16xf32>,
      %swap3A_314 = vector.shape_cast %swap3A_313 : vector<1x16xf32> to vector<16xf32>
      %swap3A_315 = vector.shape_cast %broadcast_in_dim3A_310 : vector<16xf32> to vector<1x16xf32>
      tpu.vector_store %arg5[%swap3A_311, %swap3A_312], %swap3A_315 {strides = array<i32>} : memref<80x128xf32, #tpu.memory_space<vmem>>, vector<1x16xf32>,
    }
    %scan3A_60 = arith.constant 80 : i32
    %mul3A_61 = arith.constant 10000 : i32
    %mul3A_62 = arith.muli %add3A, %mul3A_61 : i32
    "tpu.region"() ({
      %run_scoped3A = tpu.sem_alloc : memref<!tpu.dma_semaphore, #tpu.memory_space<semaphore_mem>>
      %dma_start3A_261 = tpu.memref_slice %arg2[%mul3A_62] : memref<320000xi32, #tpu.memory_space<hbm>> -> memref<10000xi32, #tpu.memory_space<hbm>>
      %dma_start3A_262 = tpu.memref_slice %arg2[%mul3A_62] : memref<320000xi32, #tpu.memory_space<hbm>> -> memref<10000xi32, #tpu.memory_space<hbm>>
      tpu.enqueue_dma source(%dma_start3A_262 : memref<10000xi32, #tpu.memory_space<hbm>>) target(%arg4 : memref<10000xi32, #tpu.memory_space<vmem>>) target_semaphore(%run_scoped3A : memref<!tpu.dma_semaphore, #tpu.memory_space<semaphore_mem>>)
      %dma_wait3A_263 = tpu.memref_slice %arg2[%mul3A_62] : memref<320000xi32, #tpu.memory_space<hbm>> -> memref<10000xi32, #tpu.memory_space<hbm>>
      %dma_wait3A_264 = tpu.memref_slice %arg2[%mul3A_62] : memref<320000xi32, #tpu.memory_space<hbm>> -> memref<10000xi32, #tpu.memory_space<hbm>>
      tpu.wait_dma2 semaphore(%run_scoped3A : memref<!tpu.dma_semaphore, #tpu.memory_space<semaphore_mem>>) src(%dma_wait3A_264 : memref<10000xi32, #tpu.memory_space<hbm>>) dst(%arg4 : memref<10000xi32, #tpu.memory_space<vmem>>)
      tpu.yield
    }) : () -> ()
    %add3A_63 = arith.constant 0 : i32
    %add3A_64 = arith.addi %mul3A_2, %add3A_63 : i32
    %dma_wait3A = arith.constant 0 : i32
    %dma_wait3A_65 = tpu.memref_slice %arg7[%add3A_64, %dma_wait3A] : memref<10240x128xf32, #tpu.memory_space<vmem_shared>> -> memref<80x128xf32, #tpu.memory_space<vmem_shared>>
    %dma_wait3A_66 = arith.constant 0 : i32
    %dma_wait3A_67 = tpu.memref_slice %arg7[%add3A_64, %dma_wait3A_66] : memref<10240x128xf32, #tpu.memory_space<vmem_shared>> -> memref<80x128xf32, #tpu.memory_space<vmem_shared>>
    tpu.wait_dma2 semaphore(%arg8 : memref<!tpu.dma_semaphore, #tpu.memory_space<semaphore_mem>>) src(%arg6 : memref<80x128xf32, #tpu.memory_space<vmem>>) dst(%dma_wait3A_67 : memref<80x128xf32, #tpu.memory_space<vmem_shared>>)
    %add3A_68 = arith.constant 80 : i32
    %add3A_69 = arith.addi %mul3A_2, %add3A_68 : i32
    %dma_wait3A_70 = arith.constant 0 : i32
    %dma_wait3A_71 = tpu.memref_slice %arg7[%add3A_69, %dma_wait3A_70] : memref<10240x128xf32, #tpu.memory_space<vmem_shared>> -> memref<80x128xf32, #tpu.memory_space<vmem_shared>>
    %dma_wait3A_72 = arith.constant 0 : i32
    %dma_wait3A_73 = tpu.memref_slice %arg7[%add3A_69, %dma_wait3A_72] : memref<10240x128xf32, #tpu.memory_space<vmem_shared>> -> memref<80x128xf32, #tpu.memory_space<vmem_shared>>
    tpu.wait_dma2 semaphore(%arg8 : memref<!tpu.dma_semaphore, #tpu.memory_space<semaphore_mem>>) src(%arg6 : memref<80x128xf32, #tpu.memory_space<vmem>>) dst(%dma_wait3A_73 : memref<80x128xf32, #tpu.memory_space<vmem_shared>>)
    %add3A_74 = arith.constant 160 : i32
    %add3A_75 = arith.addi %mul3A_2, %add3A_74 : i32
    %dma_wait3A_76 = arith.constant 0 : i32
    %dma_wait3A_77 = tpu.memref_slice %arg7[%add3A_75, %dma_wait3A_76] : memref<10240x128xf32, #tpu.memory_space<vmem_shared>> -> memref<80x128xf32, #tpu.memory_space<vmem_shared>>
    %dma_wait3A_78 = arith.constant 0 : i32
    %dma_wait3A_79 = tpu.memref_slice %arg7[%add3A_75, %dma_wait3A_78] : memref<10240x128xf32, #tpu.memory_space<vmem_shared>> -> memref<80x128xf32, #tpu.memory_space<vmem_shared>>
    tpu.wait_dma2 semaphore(%arg8 : memref<!tpu.dma_semaphore, #tpu.memory_space<semaphore_mem>>) src(%arg6 : memref<80x128xf32, #tpu.memory_space<vmem>>) dst(%dma_wait3A_79 : memref<80x128xf32, #tpu.memory_space<vmem_shared>>)
    %add3A_80 = arith.constant 240 : i32
    %add3A_81 = arith.addi %mul3A_2, %add3A_80 : i32
    %dma_wait3A_82 = arith.constant 0 : i32
    %dma_wait3A_83 = tpu.memref_slice %arg7[%add3A_81, %dma_wait3A_82] : memref<10240x128xf32, #tpu.memory_space<vmem_shared>> -> memref<80x128xf32, #tpu.memory_space<vmem_shared>>
    %dma_wait3A_84 = arith.constant 0 : i32
    %dma_wait3A_85 = tpu.memref_slice %arg7[%add3A_81, %dma_wait3A_84] : memref<10240x128xf32, #tpu.memory_space<vmem_shared>> -> memref<80x128xf32, #tpu.memory_space<vmem_shared>>
    tpu.wait_dma2 semaphore(%arg8 : memref<!tpu.dma_semaphore, #tpu.memory_space<semaphore_mem>>) src(%arg6 : memref<80x128xf32, #tpu.memory_space<vmem>>) dst(%dma_wait3A_85 : memref<80x128xf32, #tpu.memory_space<vmem_shared>>)
    %add3A_86 = arith.constant 320 : i32
    %add3A_87 = arith.addi %mul3A_2, %add3A_86 : i32
    %dma_wait3A_88 = arith.constant 0 : i32
    %dma_wait3A_89 = tpu.memref_slice %arg7[%add3A_87, %dma_wait3A_88] : memref<10240x128xf32, #tpu.memory_space<vmem_shared>> -> memref<80x128xf32, #tpu.memory_space<vmem_shared>>
    %dma_wait3A_90 = arith.constant 0 : i32
    %dma_wait3A_91 = tpu.memref_slice %arg7[%add3A_87, %dma_wait3A_90] : memref<10240x128xf32, #tpu.memory_space<vmem_shared>> -> memref<80x128xf32, #tpu.memory_space<vmem_shared>>
    tpu.wait_dma2 semaphore(%arg8 : memref<!tpu.dma_semaphore, #tpu.memory_space<semaphore_mem>>) src(%arg6 : memref<80x128xf32, #tpu.memory_space<vmem>>) dst(%dma_wait3A_91 : memref<80x128xf32, #tpu.memory_space<vmem_shared>>)
    %add3A_92 = arith.constant 400 : i32
    %add3A_93 = arith.addi %mul3A_2, %add3A_92 : i32
    %dma_wait3A_94 = arith.constant 0 : i32
    %dma_wait3A_95 = tpu.memref_slice %arg7[%add3A_93, %dma_wait3A_94] : memref<10240x128xf32, #tpu.memory_space<vmem_shared>> -> memref<80x128xf32, #tpu.memory_space<vmem_shared>>
    %dma_wait3A_96 = arith.constant 0 : i32
    %dma_wait3A_97 = tpu.memref_slice %arg7[%add3A_93, %dma_wait3A_96] : memref<10240x128xf32, #tpu.memory_space<vmem_shared>> -> memref<80x128xf32, #tpu.memory_space<vmem_shared>>
    tpu.wait_dma2 semaphore(%arg8 : memref<!tpu.dma_semaphore, #tpu.memory_space<semaphore_mem>>) src(%arg6 : memref<80x128xf32, #tpu.memory_space<vmem>>) dst(%dma_wait3A_97 : memref<80x128xf32, #tpu.memory_space<vmem_shared>>)
    %add3A_98 = arith.constant 480 : i32
    %add3A_99 = arith.addi %mul3A_2, %add3A_98 : i32
    %dma_wait3A_100 = arith.constant 0 : i32
    %dma_wait3A_101 = tpu.memref_slice %arg7[%add3A_99, %dma_wait3A_100] : memref<10240x128xf32, #tpu.memory_space<vmem_shared>> -> memref<80x128xf32, #tpu.memory_space<vmem_shared>>
    %dma_wait3A_102 = arith.constant 0 : i32
    %dma_wait3A_103 = tpu.memref_slice %arg7[%add3A_99, %dma_wait3A_102] : memref<10240x128xf32, #tpu.memory_space<vmem_shared>> -> memref<80x128xf32, #tpu.memory_space<vmem_shared>>
    tpu.wait_dma2 semaphore(%arg8 : memref<!tpu.dma_semaphore, #tpu.memory_space<semaphore_mem>>) src(%arg6 : memref<80x128xf32, #tpu.memory_space<vmem>>) dst(%dma_wait3A_103 : memref<80x128xf32, #tpu.memory_space<vmem_shared>>)
    %add3A_104 = arith.constant 560 : i32
    %add3A_105 = arith.addi %mul3A_2, %add3A_104 : i32
    %dma_wait3A_106 = arith.constant 0 : i32
    %dma_wait3A_107 = tpu.memref_slice %arg7[%add3A_105, %dma_wait3A_106] : memref<10240x128xf32, #tpu.memory_space<vmem_shared>> -> memref<80x128xf32, #tpu.memory_space<vmem_shared>>
    %dma_wait3A_108 = arith.constant 0 : i32
    %dma_wait3A_109 = tpu.memref_slice %arg7[%add3A_105, %dma_wait3A_108] : memref<10240x128xf32, #tpu.memory_space<vmem_shared>> -> memref<80x128xf32, #tpu.memory_space<vmem_shared>>
    tpu.wait_dma2 semaphore(%arg8 : memref<!tpu.dma_semaphore, #tpu.memory_space<semaphore_mem>>) src(%arg6 : memref<80x128xf32, #tpu.memory_space<vmem>>) dst(%dma_wait3A_109 : memref<80x128xf32, #tpu.memory_space<vmem_shared>>)
    %barrier3A = arith.constant 0 : index
    tpu.barrier barrier_id(%barrier3A)
    %scan3A_110 = arith.constant 0 : i32
    %scan3A_111 = arith.constant 0 : i32
    %scan3A_112 = arith.constant 125 : i32
    %scan3A_113 = arith.addi %scan3A_111, %scan3A_112 : i32
    %scan3A_114 = arith.constant 1 : i32
    scf.for %scan3A_261 = %scan3A_111 to %scan3A_113 step %scan3A_114  : i32 {
      %mul3A_262 = arith.constant 80 : i32
      %mul3A_263 = arith.muli %scan3A_261, %mul3A_262 : i32
      "tpu.region"() ({
        %run_scoped3A = tpu.sem_alloc : memref<!tpu.dma_semaphore, #tpu.memory_space<semaphore_mem>>
        %dma_start3A_264 = tpu.memref_slice %arg4[%mul3A_263] : memref<10000xi32, #tpu.memory_space<vmem>> -> memref<80xi32, #tpu.memory_space<vmem>>
        %dma_start3A_265 = arith.constant 0 : i32
        %dma_start3A_266 = arith.constant 0 : i32
        %dma_start3A_267 = tpu.memref_slice %arg7[%dma_start3A_265, %dma_start3A_266] : memref<10240x128xf32, #tpu.memory_space<vmem_shared>> -> memref<10240x128xf32, #tpu.memory_space<vmem_shared>>
        tpu.enqueue_indirect_dma source(%arg5 : memref<80x128xf32, #tpu.memory_space<vmem>>) target(%dma_start3A_267 : memref<10240x128xf32, #tpu.memory_space<vmem_shared>>) offsets(%dma_start3A_264 : memref<80xi32, #tpu.memory_space<vmem>>) semaphore(%run_scoped3A : memref<!tpu.dma_semaphore, #tpu.memory_space<semaphore_mem>>) {add = true}
        %dma_wait3A_268 = tpu.memref_slice %arg4[%mul3A_263] : memref<10000xi32, #tpu.memory_space<vmem>> -> memref<80xi32, #tpu.memory_space<vmem>>
        %dma_wait3A_269 = arith.constant 0 : i32
        %dma_wait3A_270 = arith.constant 0 : i32
        %dma_wait3A_271 = tpu.memref_slice %arg7[%dma_wait3A_269, %dma_wait3A_270] : memref<10240x128xf32, #tpu.memory_space<vmem_shared>> -> memref<10240x128xf32, #tpu.memory_space<vmem_shared>>
        tpu.wait_indirect_dma semaphore(%run_scoped3A : memref<!tpu.dma_semaphore, #tpu.memory_space<semaphore_mem>>) src(%arg5 : memref<80x128xf32, #tpu.memory_space<vmem>>) dst(%dma_wait3A_271 : memref<10240x128xf32, #tpu.memory_space<vmem_shared>>)
        tpu.yield
      }) : () -> ()
    }
    %scan3A_115 = arith.constant 125 : i32
    %barrier3A_116 = arith.constant 0 : index
    tpu.barrier barrier_id(%barrier3A_116)
    %add3A_117 = arith.constant 0 : i32
    %add3A_118 = arith.addi %mul3A_2, %add3A_117 : i32
    "tpu.region"() ({
      %run_scoped3A = tpu.sem_alloc : memref<!tpu.dma_semaphore, #tpu.memory_space<semaphore_mem>>
      %dma_start3A_261 = arith.constant 0 : i32
      %dma_start3A_262 = tpu.memref_slice %arg7[%add3A_118, %dma_start3A_261] : memref<10240x128xf32, #tpu.memory_space<vmem_shared>> -> memref<80x128xf32, #tpu.memory_space<vmem_shared>>
      %dma_start3A_263 = arith.constant 0 : i32
      %dma_start3A_264 = tpu.memref_slice %arg7[%add3A_118, %dma_start3A_263] : memref<10240x128xf32, #tpu.memory_space<vmem_shared>> -> memref<80x128xf32, #tpu.memory_space<vmem_shared>>
      tpu.enqueue_dma source(%dma_start3A_264 : memref<80x128xf32, #tpu.memory_space<vmem_shared>>) target(%arg5 : memref<80x128xf32, #tpu.memory_space<vmem>>) target_semaphore(%run_scoped3A : memref<!tpu.dma_semaphore, #tpu.memory_space<semaphore_mem>>)
      %dma_wait3A_265 = arith.constant 0 : i32
      %dma_wait3A_266 = tpu.memref_slice %arg7[%add3A_118, %dma_wait3A_265] : memref<10240x128xf32, #tpu.memory_space<vmem_shared>> -> memref<80x128xf32, #tpu.memory_space<vmem_shared>>
      %dma_wait3A_267 = arith.constant 0 : i32
      %dma_wait3A_268 = tpu.memref_slice %arg7[%add3A_118, %dma_wait3A_267] : memref<10240x128xf32, #tpu.memory_space<vmem_shared>> -> memref<80x128xf32, #tpu.memory_space<vmem_shared>>
      tpu.wait_dma2 semaphore(%run_scoped3A : memref<!tpu.dma_semaphore, #tpu.memory_space<semaphore_mem>>) src(%dma_wait3A_268 : memref<80x128xf32, #tpu.memory_space<vmem_shared>>) dst(%arg5 : memref<80x128xf32, #tpu.memory_space<vmem>>)
      tpu.yield
    }) : () -> ()
    %add3A_119 = arith.constant 0 : i32
    %add3A_120 = arith.addi %mul3A_2, %add3A_119 : i32
    %dma_start3A_121 = arith.constant 0 : i32
    %dma_start3A_122 = tpu.memref_slice %arg3[%arg0, %add3A_120, %dma_start3A_121] : memref<2x10240x128xf32, #tpu.memory_space<hbm>> -> memref<1x80x128xf32, #tpu.memory_space<hbm>>
    %dma_start3A_123 = tpu.memref_squeeze %dma_start3A_122 : memref<1x80x128xf32, #tpu.memory_space<hbm>> -> memref<80x128xf32, #tpu.memory_space<hbm>>
    %dma_start3A_124 = arith.constant 0 : i32
    %dma_start3A_125 = tpu.memref_slice %arg3[%arg0, %add3A_120, %dma_start3A_124] : memref<2x10240x128xf32, #tpu.memory_space<hbm>> -> memref<1x80x128xf32, #tpu.memory_space<hbm>>
    %dma_start3A_126 = tpu.memref_squeeze %dma_start3A_125 : memref<1x80x128xf32, #tpu.memory_space<hbm>> -> memref<80x128xf32, #tpu.memory_space<hbm>>
    tpu.enqueue_dma source(%arg5 : memref<80x128xf32, #tpu.memory_space<vmem>>) target(%dma_start3A_126 : memref<80x128xf32, #tpu.memory_space<hbm>>) target_semaphore(%arg8 : memref<!tpu.dma_semaphore, #tpu.memory_space<semaphore_mem>>)
    %add3A_127 = arith.constant 80 : i32
    %add3A_128 = arith.addi %mul3A_2, %add3A_127 : i32
    "tpu.region"() ({
      %run_scoped3A = tpu.sem_alloc : memref<!tpu.dma_semaphore, #tpu.memory_space<semaphore_mem>>
      %dma_start3A_261 = arith.constant 0 : i32
      %dma_start3A_262 = tpu.memref_slice %arg7[%add3A_128, %dma_start3A_261] : memref<10240x128xf32, #tpu.memory_space<vmem_shared>> -> memref<80x128xf32, #tpu.memory_space<vmem_shared>>
      %dma_start3A_263 = arith.constant 0 : i32
      %dma_start3A_264 = tpu.memref_slice %arg7[%add3A_128, %dma_start3A_263] : memref<10240x128xf32, #tpu.memory_space<vmem_shared>> -> memref<80x128xf32, #tpu.memory_space<vmem_shared>>
      tpu.enqueue_dma source(%dma_start3A_264 : memref<80x128xf32, #tpu.memory_space<vmem_shared>>) target(%arg6 : memref<80x128xf32, #tpu.memory_space<vmem>>) target_semaphore(%run_scoped3A : memref<!tpu.dma_semaphore, #tpu.memory_space<semaphore_mem>>)
      %dma_wait3A_265 = arith.constant 0 : i32
      %dma_wait3A_266 = tpu.memref_slice %arg7[%add3A_128, %dma_wait3A_265] : memref<10240x128xf32, #tpu.memory_space<vmem_shared>> -> memref<80x128xf32, #tpu.memory_space<vmem_shared>>
      %dma_wait3A_267 = arith.constant 0 : i32
      %dma_wait3A_268 = tpu.memref_slice %arg7[%add3A_128, %dma_wait3A_267] : memref<10240x128xf32, #tpu.memory_space<vmem_shared>> -> memref<80x128xf32, #tpu.memory_space<vmem_shared>>
      tpu.wait_dma2 semaphore(%run_scoped3A : memref<!tpu.dma_semaphore, #tpu.memory_space<semaphore_mem>>) src(%dma_wait3A_268 : memref<80x128xf32, #tpu.memory_space<vmem_shared>>) dst(%arg6 : memref<80x128xf32, #tpu.memory_space<vmem>>)
      tpu.yield
    }) : () -> ()
    %add3A_129 = arith.constant 80 : i32
    %add3A_130 = arith.addi %mul3A_2, %add3A_129 : i32
    %dma_start3A_131 = arith.constant 0 : i32
    %dma_start3A_132 = tpu.memref_slice %arg3[%arg0, %add3A_130, %dma_start3A_131] : memref<2x10240x128xf32, #tpu.memory_space<hbm>> -> memref<1x80x128xf32, #tpu.memory_space<hbm>>
    %dma_start3A_133 = tpu.memref_squeeze %dma_start3A_132 : memref<1x80x128xf32, #tpu.memory_space<hbm>> -> memref<80x128xf32, #tpu.memory_space<hbm>>
    %dma_start3A_134 = arith.constant 0 : i32
    %dma_start3A_135 = tpu.memref_slice %arg3[%arg0, %add3A_130, %dma_start3A_134] : memref<2x10240x128xf32, #tpu.memory_space<hbm>> -> memref<1x80x128xf32, #tpu.memory_space<hbm>>
    %dma_start3A_136 = tpu.memref_squeeze %dma_start3A_135 : memref<1x80x128xf32, #tpu.memory_space<hbm>> -> memref<80x128xf32, #tpu.memory_space<hbm>>
    tpu.enqueue_dma source(%arg6 : memref<80x128xf32, #tpu.memory_space<vmem>>) target(%dma_start3A_136 : memref<80x128xf32, #tpu.memory_space<hbm>>) target_semaphore(%arg8 : memref<!tpu.dma_semaphore, #tpu.memory_space<semaphore_mem>>)
    %add3A_137 = arith.constant 0 : i32
    %add3A_138 = arith.addi %mul3A_2, %add3A_137 : i32
    %dma_wait3A_139 = arith.constant 0 : i32
    %dma_wait3A_140 = tpu.memref_slice %arg3[%arg0, %add3A_138, %dma_wait3A_139] : memref<2x10240x128xf32, #tpu.memory_space<hbm>> -> memref<1x80x128xf32, #tpu.memory_space<hbm>>
    %dma_wait3A_141 = tpu.memref_squeeze %dma_wait3A_140 : memref<1x80x128xf32, #tpu.memory_space<hbm>> -> memref<80x128xf32, #tpu.memory_space<hbm>>
    %dma_wait3A_142 = arith.constant 0 : i32
    %dma_wait3A_143 = tpu.memref_slice %arg3[%arg0, %add3A_138, %dma_wait3A_142] : memref<2x10240x128xf32, #tpu.memory_space<hbm>> -> memref<1x80x128xf32, #tpu.memory_space<hbm>>
    %dma_wait3A_144 = tpu.memref_squeeze %dma_wait3A_143 : memref<1x80x128xf32, #tpu.memory_space<hbm>> -> memref<80x128xf32, #tpu.memory_space<hbm>>
    tpu.wait_dma2 semaphore(%arg8 : memref<!tpu.dma_semaphore, #tpu.memory_space<semaphore_mem>>) src(%arg5 : memref<80x128xf32, #tpu.memory_space<vmem>>) dst(%dma_wait3A_144 : memref<80x128xf32, #tpu.memory_space<hbm>>)
    %add3A_145 = arith.constant 160 : i32
    %add3A_146 = arith.addi %mul3A_2, %add3A_145 : i32
    "tpu.region"() ({
      %run_scoped3A = tpu.sem_alloc : memref<!tpu.dma_semaphore, #tpu.memory_space<semaphore_mem>>
      %dma_start3A_261 = arith.constant 0 : i32
      %dma_start3A_262 = tpu.memref_slice %arg7[%add3A_146, %dma_start3A_261] : memref<10240x128xf32, #tpu.memory_space<vmem_shared>> -> memref<80x128xf32, #tpu.memory_space<vmem_shared>>
      %dma_start3A_263 = arith.constant 0 : i32
      %dma_start3A_264 = tpu.memref_slice %arg7[%add3A_146, %dma_start3A_263] : memref<10240x128xf32, #tpu.memory_space<vmem_shared>> -> memref<80x128xf32, #tpu.memory_space<vmem_shared>>
      tpu.enqueue_dma source(%dma_start3A_264 : memref<80x128xf32, #tpu.memory_space<vmem_shared>>) target(%arg5 : memref<80x128xf32, #tpu.memory_space<vmem>>) target_semaphore(%run_scoped3A : memref<!tpu.dma_semaphore, #tpu.memory_space<semaphore_mem>>)
      %dma_wait3A_265 = arith.constant 0 : i32
      %dma_wait3A_266 = tpu.memref_slice %arg7[%add3A_146, %dma_wait3A_265] : memref<10240x128xf32, #tpu.memory_space<vmem_shared>> -> memref<80x128xf32, #tpu.memory_space<vmem_shared>>
      %dma_wait3A_267 = arith.constant 0 : i32
      %dma_wait3A_268 = tpu.memref_slice %arg7[%add3A_146, %dma_wait3A_267] : memref<10240x128xf32, #tpu.memory_space<vmem_shared>> -> memref<80x128xf32, #tpu.memory_space<vmem_shared>>
      tpu.wait_dma2 semaphore(%run_scoped3A : memref<!tpu.dma_semaphore, #tpu.memory_space<semaphore_mem>>) src(%dma_wait3A_268 : memref<80x128xf32, #tpu.memory_space<vmem_shared>>) dst(%arg5 : memref<80x128xf32, #tpu.memory_space<vmem>>)
      tpu.yield
    }) : () -> ()
    %add3A_147 = arith.constant 160 : i32
    %add3A_148 = arith.addi %mul3A_2, %add3A_147 : i32
    %dma_start3A_149 = arith.constant 0 : i32
    %dma_start3A_150 = tpu.memref_slice %arg3[%arg0, %add3A_148, %dma_start3A_149] : memref<2x10240x128xf32, #tpu.memory_space<hbm>> -> memref<1x80x128xf32, #tpu.memory_space<hbm>>
    %dma_start3A_151 = tpu.memref_squeeze %dma_start3A_150 : memref<1x80x128xf32, #tpu.memory_space<hbm>> -> memref<80x128xf32, #tpu.memory_space<hbm>>
    %dma_start3A_152 = arith.constant 0 : i32
    %dma_start3A_153 = tpu.memref_slice %arg3[%arg0, %add3A_148, %dma_start3A_152] : memref<2x10240x128xf32, #tpu.memory_space<hbm>> -> memref<1x80x128xf32, #tpu.memory_space<hbm>>
    %dma_start3A_154 = tpu.memref_squeeze %dma_start3A_153 : memref<1x80x128xf32, #tpu.memory_space<hbm>> -> memref<80x128xf32, #tpu.memory_space<hbm>>
    tpu.enqueue_dma source(%arg5 : memref<80x128xf32, #tpu.memory_space<vmem>>) target(%dma_start3A_154 : memref<80x128xf32, #tpu.memory_space<hbm>>) target_semaphore(%arg8 : memref<!tpu.dma_semaphore, #tpu.memory_space<semaphore_mem>>)
    %add3A_155 = arith.constant 80 : i32
    %add3A_156 = arith.addi %mul3A_2, %add3A_155 : i32
    %dma_wait3A_157 = arith.constant 0 : i32
    %dma_wait3A_158 = tpu.memref_slice %arg3[%arg0, %add3A_156, %dma_wait3A_157] : memref<2x10240x128xf32, #tpu.memory_space<hbm>> -> memref<1x80x128xf32, #tpu.memory_space<hbm>>
    %dma_wait3A_159 = tpu.memref_squeeze %dma_wait3A_158 : memref<1x80x128xf32, #tpu.memory_space<hbm>> -> memref<80x128xf32, #tpu.memory_space<hbm>>
    %dma_wait3A_160 = arith.constant 0 : i32
    %dma_wait3A_161 = tpu.memref_slice %arg3[%arg0, %add3A_156, %dma_wait3A_160] : memref<2x10240x128xf32, #tpu.memory_space<hbm>> -> memref<1x80x128xf32, #tpu.memory_space<hbm>>
    %dma_wait3A_162 = tpu.memref_squeeze %dma_wait3A_161 : memref<1x80x128xf32, #tpu.memory_space<hbm>> -> memref<80x128xf32, #tpu.memory_space<hbm>>
    tpu.wait_dma2 semaphore(%arg8 : memref<!tpu.dma_semaphore, #tpu.memory_space<semaphore_mem>>) src(%arg6 : memref<80x128xf32, #tpu.memory_space<vmem>>) dst(%dma_wait3A_162 : memref<80x128xf32, #tpu.memory_space<hbm>>)
    %add3A_163 = arith.constant 240 : i32
    %add3A_164 = arith.addi %mul3A_2, %add3A_163 : i32
    "tpu.region"() ({
      %run_scoped3A = tpu.sem_alloc : memref<!tpu.dma_semaphore, #tpu.memory_space<semaphore_mem>>
      %dma_start3A_261 = arith.constant 0 : i32
      %dma_start3A_262 = tpu.memref_slice %arg7[%add3A_164, %dma_start3A_261] : memref<10240x128xf32, #tpu.memory_space<vmem_shared>> -> memref<80x128xf32, #tpu.memory_space<vmem_shared>>
      %dma_start3A_263 = arith.constant 0 : i32
      %dma_start3A_264 = tpu.memref_slice %arg7[%add3A_164, %dma_start3A_263] : memref<10240x128xf32, #tpu.memory_space<vmem_shared>> -> memref<80x128xf32, #tpu.memory_space<vmem_shared>>
      tpu.enqueue_dma source(%dma_start3A_264 : memref<80x128xf32, #tpu.memory_space<vmem_shared>>) target(%arg6 : memref<80x128xf32, #tpu.memory_space<vmem>>) target_semaphore(%run_scoped3A : memref<!tpu.dma_semaphore, #tpu.memory_space<semaphore_mem>>)
      %dma_wait3A_265 = arith.constant 0 : i32
      %dma_wait3A_266 = tpu.memref_slice %arg7[%add3A_164, %dma_wait3A_265] : memref<10240x128xf32, #tpu.memory_space<vmem_shared>> -> memref<80x128xf32, #tpu.memory_space<vmem_shared>>
      %dma_wait3A_267 = arith.constant 0 : i32
      %dma_wait3A_268 = tpu.memref_slice %arg7[%add3A_164, %dma_wait3A_267] : memref<10240x128xf32, #tpu.memory_space<vmem_shared>> -> memref<80x128xf32, #tpu.memory_space<vmem_shared>>
      tpu.wait_dma2 semaphore(%run_scoped3A : memref<!tpu.dma_semaphore, #tpu.memory_space<semaphore_mem>>) src(%dma_wait3A_268 : memref<80x128xf32, #tpu.memory_space<vmem_shared>>) dst(%arg6 : memref<80x128xf32, #tpu.memory_space<vmem>>)
      tpu.yield
    }) : () -> ()
    %add3A_165 = arith.constant 240 : i32
    %add3A_166 = arith.addi %mul3A_2, %add3A_165 : i32
    %dma_start3A_167 = arith.constant 0 : i32
    %dma_start3A_168 = tpu.memref_slice %arg3[%arg0, %add3A_166, %dma_start3A_167] : memref<2x10240x128xf32, #tpu.memory_space<hbm>> -> memref<1x80x128xf32, #tpu.memory_space<hbm>>
    %dma_start3A_169 = tpu.memref_squeeze %dma_start3A_168 : memref<1x80x128xf32, #tpu.memory_space<hbm>> -> memref<80x128xf32, #tpu.memory_space<hbm>>
    %dma_start3A_170 = arith.constant 0 : i32
    %dma_start3A_171 = tpu.memref_slice %arg3[%arg0, %add3A_166, %dma_start3A_170] : memref<2x10240x128xf32, #tpu.memory_space<hbm>> -> memref<1x80x128xf32, #tpu.memory_space<hbm>>
    %dma_start3A_172 = tpu.memref_squeeze %dma_start3A_171 : memref<1x80x128xf32, #tpu.memory_space<hbm>> -> memref<80x128xf32, #tpu.memory_space<hbm>>
    tpu.enqueue_dma source(%arg6 : memref<80x128xf32, #tpu.memory_space<vmem>>) target(%dma_start3A_172 : memref<80x128xf32, #tpu.memory_space<hbm>>) target_semaphore(%arg8 : memref<!tpu.dma_semaphore, #tpu.memory_space<semaphore_mem>>)
    %add3A_173 = arith.constant 160 : i32
    %add3A_174 = arith.addi %mul3A_2, %add3A_173 : i32
    %dma_wait3A_175 = arith.constant 0 : i32
    %dma_wait3A_176 = tpu.memref_slice %arg3[%arg0, %add3A_174, %dma_wait3A_175] : memref<2x10240x128xf32, #tpu.memory_space<hbm>> -> memref<1x80x128xf32, #tpu.memory_space<hbm>>
    %dma_wait3A_177 = tpu.memref_squeeze %dma_wait3A_176 : memref<1x80x128xf32, #tpu.memory_space<hbm>> -> memref<80x128xf32, #tpu.memory_space<hbm>>
    %dma_wait3A_178 = arith.constant 0 : i32
    %dma_wait3A_179 = tpu.memref_slice %arg3[%arg0, %add3A_174, %dma_wait3A_178] : memref<2x10240x128xf32, #tpu.memory_space<hbm>> -> memref<1x80x128xf32, #tpu.memory_space<hbm>>
    %dma_wait3A_180 = tpu.memref_squeeze %dma_wait3A_179 : memref<1x80x128xf32, #tpu.memory_space<hbm>> -> memref<80x128xf32, #tpu.memory_space<hbm>>
    tpu.wait_dma2 semaphore(%arg8 : memref<!tpu.dma_semaphore, #tpu.memory_space<semaphore_mem>>) src(%arg5 : memref<80x128xf32, #tpu.memory_space<vmem>>) dst(%dma_wait3A_180 : memref<80x128xf32, #tpu.memory_space<hbm>>)
    %add3A_181 = arith.constant 320 : i32
    %add3A_182 = arith.addi %mul3A_2, %add3A_181 : i32
    "tpu.region"() ({
      %run_scoped3A = tpu.sem_alloc : memref<!tpu.dma_semaphore, #tpu.memory_space<semaphore_mem>>
      %dma_start3A_261 = arith.constant 0 : i32
      %dma_start3A_262 = tpu.memref_slice %arg7[%add3A_182, %dma_start3A_261] : memref<10240x128xf32, #tpu.memory_space<vmem_shared>> -> memref<80x128xf32, #tpu.memory_space<vmem_shared>>
      %dma_start3A_263 = arith.constant 0 : i32
      %dma_start3A_264 = tpu.memref_slice %arg7[%add3A_182, %dma_start3A_263] : memref<10240x128xf32, #tpu.memory_space<vmem_shared>> -> memref<80x128xf32, #tpu.memory_space<vmem_shared>>
      tpu.enqueue_dma source(%dma_start3A_264 : memref<80x128xf32, #tpu.memory_space<vmem_shared>>) target(%arg5 : memref<80x128xf32, #tpu.memory_space<vmem>>) target_semaphore(%run_scoped3A : memref<!tpu.dma_semaphore, #tpu.memory_space<semaphore_mem>>)
      %dma_wait3A_265 = arith.constant 0 : i32
      %dma_wait3A_266 = tpu.memref_slice %arg7[%add3A_182, %dma_wait3A_265] : memref<10240x128xf32, #tpu.memory_space<vmem_shared>> -> memref<80x128xf32, #tpu.memory_space<vmem_shared>>
      %dma_wait3A_267 = arith.constant 0 : i32
      %dma_wait3A_268 = tpu.memref_slice %arg7[%add3A_182, %dma_wait3A_267] : memref<10240x128xf32, #tpu.memory_space<vmem_shared>> -> memref<80x128xf32, #tpu.memory_space<vmem_shared>>
      tpu.wait_dma2 semaphore(%run_scoped3A : memref<!tpu.dma_semaphore, #tpu.memory_space<semaphore_mem>>) src(%dma_wait3A_268 : memref<80x128xf32, #tpu.memory_space<vmem_shared>>) dst(%arg5 : memref<80x128xf32, #tpu.memory_space<vmem>>)
      tpu.yield
    }) : () -> ()
    %add3A_183 = arith.constant 320 : i32
    %add3A_184 = arith.addi %mul3A_2, %add3A_183 : i32
    %dma_start3A_185 = arith.constant 0 : i32
    %dma_start3A_186 = tpu.memref_slice %arg3[%arg0, %add3A_184, %dma_start3A_185] : memref<2x10240x128xf32, #tpu.memory_space<hbm>> -> memref<1x80x128xf32, #tpu.memory_space<hbm>>
    %dma_start3A_187 = tpu.memref_squeeze %dma_start3A_186 : memref<1x80x128xf32, #tpu.memory_space<hbm>> -> memref<80x128xf32, #tpu.memory_space<hbm>>
    %dma_start3A_188 = arith.constant 0 : i32
    %dma_start3A_189 = tpu.memref_slice %arg3[%arg0, %add3A_184, %dma_start3A_188] : memref<2x10240x128xf32, #tpu.memory_space<hbm>> -> memref<1x80x128xf32, #tpu.memory_space<hbm>>
    %dma_start3A_190 = tpu.memref_squeeze %dma_start3A_189 : memref<1x80x128xf32, #tpu.memory_space<hbm>> -> memref<80x128xf32, #tpu.memory_space<hbm>>
    tpu.enqueue_dma source(%arg5 : memref<80x128xf32, #tpu.memory_space<vmem>>) target(%dma_start3A_190 : memref<80x128xf32, #tpu.memory_space<hbm>>) target_semaphore(%arg8 : memref<!tpu.dma_semaphore, #tpu.memory_space<semaphore_mem>>)
    %add3A_191 = arith.constant 240 : i32
    %add3A_192 = arith.addi %mul3A_2, %add3A_191 : i32
    %dma_wait3A_193 = arith.constant 0 : i32
    %dma_wait3A_194 = tpu.memref_slice %arg3[%arg0, %add3A_192, %dma_wait3A_193] : memref<2x10240x128xf32, #tpu.memory_space<hbm>> -> memref<1x80x128xf32, #tpu.memory_space<hbm>>
    %dma_wait3A_195 = tpu.memref_squeeze %dma_wait3A_194 : memref<1x80x128xf32, #tpu.memory_space<hbm>> -> memref<80x128xf32, #tpu.memory_space<hbm>>
    %dma_wait3A_196 = arith.constant 0 : i32
    %dma_wait3A_197 = tpu.memref_slice %arg3[%arg0, %add3A_192, %dma_wait3A_196] : memref<2x10240x128xf32, #tpu.memory_space<hbm>> -> memref<1x80x128xf32, #tpu.memory_space<hbm>>
    %dma_wait3A_198 = tpu.memref_squeeze %dma_wait3A_197 : memref<1x80x128xf32, #tpu.memory_space<hbm>> -> memref<80x128xf32, #tpu.memory_space<hbm>>
    tpu.wait_dma2 semaphore(%arg8 : memref<!tpu.dma_semaphore, #tpu.memory_space<semaphore_mem>>) src(%arg6 : memref<80x128xf32, #tpu.memory_space<vmem>>) dst(%dma_wait3A_198 : memref<80x128xf32, #tpu.memory_space<hbm>>)
    %add3A_199 = arith.constant 400 : i32
    %add3A_200 = arith.addi %mul3A_2, %add3A_199 : i32
    "tpu.region"() ({
      %run_scoped3A = tpu.sem_alloc : memref<!tpu.dma_semaphore, #tpu.memory_space<semaphore_mem>>
      %dma_start3A_261 = arith.constant 0 : i32
      %dma_start3A_262 = tpu.memref_slice %arg7[%add3A_200, %dma_start3A_261] : memref<10240x128xf32, #tpu.memory_space<vmem_shared>> -> memref<80x128xf32, #tpu.memory_space<vmem_shared>>
      %dma_start3A_263 = arith.constant 0 : i32
      %dma_start3A_264 = tpu.memref_slice %arg7[%add3A_200, %dma_start3A_263] : memref<10240x128xf32, #tpu.memory_space<vmem_shared>> -> memref<80x128xf32, #tpu.memory_space<vmem_shared>>
      tpu.enqueue_dma source(%dma_start3A_264 : memref<80x128xf32, #tpu.memory_space<vmem_shared>>) target(%arg6 : memref<80x128xf32, #tpu.memory_space<vmem>>) target_semaphore(%run_scoped3A : memref<!tpu.dma_semaphore, #tpu.memory_space<semaphore_mem>>)
      %dma_wait3A_265 = arith.constant 0 : i32
      %dma_wait3A_266 = tpu.memref_slice %arg7[%add3A_200, %dma_wait3A_265] : memref<10240x128xf32, #tpu.memory_space<vmem_shared>> -> memref<80x128xf32, #tpu.memory_space<vmem_shared>>
      %dma_wait3A_267 = arith.constant 0 : i32
      %dma_wait3A_268 = tpu.memref_slice %arg7[%add3A_200, %dma_wait3A_267] : memref<10240x128xf32, #tpu.memory_space<vmem_shared>> -> memref<80x128xf32, #tpu.memory_space<vmem_shared>>
      tpu.wait_dma2 semaphore(%run_scoped3A : memref<!tpu.dma_semaphore, #tpu.memory_space<semaphore_mem>>) src(%dma_wait3A_268 : memref<80x128xf32, #tpu.memory_space<vmem_shared>>) dst(%arg6 : memref<80x128xf32, #tpu.memory_space<vmem>>)
      tpu.yield
    }) : () -> ()
    %add3A_201 = arith.constant 400 : i32
    %add3A_202 = arith.addi %mul3A_2, %add3A_201 : i32
    %dma_start3A_203 = arith.constant 0 : i32
    %dma_start3A_204 = tpu.memref_slice %arg3[%arg0, %add3A_202, %dma_start3A_203] : memref<2x10240x128xf32, #tpu.memory_space<hbm>> -> memref<1x80x128xf32, #tpu.memory_space<hbm>>
    %dma_start3A_205 = tpu.memref_squeeze %dma_start3A_204 : memref<1x80x128xf32, #tpu.memory_space<hbm>> -> memref<80x128xf32, #tpu.memory_space<hbm>>
    %dma_start3A_206 = arith.constant 0 : i32
    %dma_start3A_207 = tpu.memref_slice %arg3[%arg0, %add3A_202, %dma_start3A_206] : memref<2x10240x128xf32, #tpu.memory_space<hbm>> -> memref<1x80x128xf32, #tpu.memory_space<hbm>>
    %dma_start3A_208 = tpu.memref_squeeze %dma_start3A_207 : memref<1x80x128xf32, #tpu.memory_space<hbm>> -> memref<80x128xf32, #tpu.memory_space<hbm>>
    tpu.enqueue_dma source(%arg6 : memref<80x128xf32, #tpu.memory_space<vmem>>) target(%dma_start3A_208 : memref<80x128xf32, #tpu.memory_space<hbm>>) target_semaphore(%arg8 : memref<!tpu.dma_semaphore, #tpu.memory_space<semaphore_mem>>)
    %add3A_209 = arith.constant 320 : i32
    %add3A_210 = arith.addi %mul3A_2, %add3A_209 : i32
    %dma_wait3A_211 = arith.constant 0 : i32
    %dma_wait3A_212 = tpu.memref_slice %arg3[%arg0, %add3A_210, %dma_wait3A_211] : memref<2x10240x128xf32, #tpu.memory_space<hbm>> -> memref<1x80x128xf32, #tpu.memory_space<hbm>>
    %dma_wait3A_213 = tpu.memref_squeeze %dma_wait3A_212 : memref<1x80x128xf32, #tpu.memory_space<hbm>> -> memref<80x128xf32, #tpu.memory_space<hbm>>
    %dma_wait3A_214 = arith.constant 0 : i32
    %dma_wait3A_215 = tpu.memref_slice %arg3[%arg0, %add3A_210, %dma_wait3A_214] : memref<2x10240x128xf32, #tpu.memory_space<hbm>> -> memref<1x80x128xf32, #tpu.memory_space<hbm>>
    %dma_wait3A_216 = tpu.memref_squeeze %dma_wait3A_215 : memref<1x80x128xf32, #tpu.memory_space<hbm>> -> memref<80x128xf32, #tpu.memory_space<hbm>>
    tpu.wait_dma2 semaphore(%arg8 : memref<!tpu.dma_semaphore, #tpu.memory_space<semaphore_mem>>) src(%arg5 : memref<80x128xf32, #tpu.memory_space<vmem>>) dst(%dma_wait3A_216 : memref<80x128xf32, #tpu.memory_space<hbm>>)
    %add3A_217 = arith.constant 480 : i32
    %add3A_218 = arith.addi %mul3A_2, %add3A_217 : i32
    "tpu.region"() ({
      %run_scoped3A = tpu.sem_alloc : memref<!tpu.dma_semaphore, #tpu.memory_space<semaphore_mem>>
      %dma_start3A_261 = arith.constant 0 : i32
      %dma_start3A_262 = tpu.memref_slice %arg7[%add3A_218, %dma_start3A_261] : memref<10240x128xf32, #tpu.memory_space<vmem_shared>> -> memref<80x128xf32, #tpu.memory_space<vmem_shared>>
      %dma_start3A_263 = arith.constant 0 : i32
      %dma_start3A_264 = tpu.memref_slice %arg7[%add3A_218, %dma_start3A_263] : memref<10240x128xf32, #tpu.memory_space<vmem_shared>> -> memref<80x128xf32, #tpu.memory_space<vmem_shared>>
      tpu.enqueue_dma source(%dma_start3A_264 : memref<80x128xf32, #tpu.memory_space<vmem_shared>>) target(%arg5 : memref<80x128xf32, #tpu.memory_space<vmem>>) target_semaphore(%run_scoped3A : memref<!tpu.dma_semaphore, #tpu.memory_space<semaphore_mem>>)
      %dma_wait3A_265 = arith.constant 0 : i32
      %dma_wait3A_266 = tpu.memref_slice %arg7[%add3A_218, %dma_wait3A_265] : memref<10240x128xf32, #tpu.memory_space<vmem_shared>> -> memref<80x128xf32, #tpu.memory_space<vmem_shared>>
      %dma_wait3A_267 = arith.constant 0 : i32
      %dma_wait3A_268 = tpu.memref_slice %arg7[%add3A_218, %dma_wait3A_267] : memref<10240x128xf32, #tpu.memory_space<vmem_shared>> -> memref<80x128xf32, #tpu.memory_space<vmem_shared>>
      tpu.wait_dma2 semaphore(%run_scoped3A : memref<!tpu.dma_semaphore, #tpu.memory_space<semaphore_mem>>) src(%dma_wait3A_268 : memref<80x128xf32, #tpu.memory_space<vmem_shared>>) dst(%arg5 : memref<80x128xf32, #tpu.memory_space<vmem>>)
      tpu.yield
    }) : () -> ()
    %add3A_219 = arith.constant 480 : i32
    %add3A_220 = arith.addi %mul3A_2, %add3A_219 : i32
    %dma_start3A_221 = arith.constant 0 : i32
    %dma_start3A_222 = tpu.memref_slice %arg3[%arg0, %add3A_220, %dma_start3A_221] : memref<2x10240x128xf32, #tpu.memory_space<hbm>> -> memref<1x80x128xf32, #tpu.memory_space<hbm>>
    %dma_start3A_223 = tpu.memref_squeeze %dma_start3A_222 : memref<1x80x128xf32, #tpu.memory_space<hbm>> -> memref<80x128xf32, #tpu.memory_space<hbm>>
    %dma_start3A_224 = arith.constant 0 : i32
    %dma_start3A_225 = tpu.memref_slice %arg3[%arg0, %add3A_220, %dma_start3A_224] : memref<2x10240x128xf32, #tpu.memory_space<hbm>> -> memref<1x80x128xf32, #tpu.memory_space<hbm>>
    %dma_start3A_226 = tpu.memref_squeeze %dma_start3A_225 : memref<1x80x128xf32, #tpu.memory_space<hbm>> -> memref<80x128xf32, #tpu.memory_space<hbm>>
    tpu.enqueue_dma source(%arg5 : memref<80x128xf32, #tpu.memory_space<vmem>>) target(%dma_start3A_226 : memref<80x128xf32, #tpu.memory_space<hbm>>) target_semaphore(%arg8 : memref<!tpu.dma_semaphore, #tpu.memory_space<semaphore_mem>>)
    %add3A_227 = arith.constant 400 : i32
    %add3A_228 = arith.addi %mul3A_2, %add3A_227 : i32
    %dma_wait3A_229 = arith.constant 0 : i32
    %dma_wait3A_230 = tpu.memref_slice %arg3[%arg0, %add3A_228, %dma_wait3A_229] : memref<2x10240x128xf32, #tpu.memory_space<hbm>> -> memref<1x80x128xf32, #tpu.memory_space<hbm>>
    %dma_wait3A_231 = tpu.memref_squeeze %dma_wait3A_230 : memref<1x80x128xf32, #tpu.memory_space<hbm>> -> memref<80x128xf32, #tpu.memory_space<hbm>>
    %dma_wait3A_232 = arith.constant 0 : i32
    %dma_wait3A_233 = tpu.memref_slice %arg3[%arg0, %add3A_228, %dma_wait3A_232] : memref<2x10240x128xf32, #tpu.memory_space<hbm>> -> memref<1x80x128xf32, #tpu.memory_space<hbm>>
    %dma_wait3A_234 = tpu.memref_squeeze %dma_wait3A_233 : memref<1x80x128xf32, #tpu.memory_space<hbm>> -> memref<80x128xf32, #tpu.memory_space<hbm>>
    tpu.wait_dma2 semaphore(%arg8 : memref<!tpu.dma_semaphore, #tpu.memory_space<semaphore_mem>>) src(%arg6 : memref<80x128xf32, #tpu.memory_space<vmem>>) dst(%dma_wait3A_234 : memref<80x128xf32, #tpu.memory_space<hbm>>)
    %add3A_235 = arith.constant 560 : i32
    %add3A_236 = arith.addi %mul3A_2, %add3A_235 : i32
    "tpu.region"() ({
      %run_scoped3A = tpu.sem_alloc : memref<!tpu.dma_semaphore, #tpu.memory_space<semaphore_mem>>
      %dma_start3A_261 = arith.constant 0 : i32
      %dma_start3A_262 = tpu.memref_slice %arg7[%add3A_236, %dma_start3A_261] : memref<10240x128xf32, #tpu.memory_space<vmem_shared>> -> memref<80x128xf32, #tpu.memory_space<vmem_shared>>
      %dma_start3A_263 = arith.constant 0 : i32
      %dma_start3A_264 = tpu.memref_slice %arg7[%add3A_236, %dma_start3A_263] : memref<10240x128xf32, #tpu.memory_space<vmem_shared>> -> memref<80x128xf32, #tpu.memory_space<vmem_shared>>
      tpu.enqueue_dma source(%dma_start3A_264 : memref<80x128xf32, #tpu.memory_space<vmem_shared>>) target(%arg6 : memref<80x128xf32, #tpu.memory_space<vmem>>) target_semaphore(%run_scoped3A : memref<!tpu.dma_semaphore, #tpu.memory_space<semaphore_mem>>)
      %dma_wait3A_265 = arith.constant 0 : i32
      %dma_wait3A_266 = tpu.memref_slice %arg7[%add3A_236, %dma_wait3A_265] : memref<10240x128xf32, #tpu.memory_space<vmem_shared>> -> memref<80x128xf32, #tpu.memory_space<vmem_shared>>
      %dma_wait3A_267 = arith.constant 0 : i32
      %dma_wait3A_268 = tpu.memref_slice %arg7[%add3A_236, %dma_wait3A_267] : memref<10240x128xf32, #tpu.memory_space<vmem_shared>> -> memref<80x128xf32, #tpu.memory_space<vmem_shared>>
      tpu.wait_dma2 semaphore(%run_scoped3A : memref<!tpu.dma_semaphore, #tpu.memory_space<semaphore_mem>>) src(%dma_wait3A_268 : memref<80x128xf32, #tpu.memory_space<vmem_shared>>) dst(%arg6 : memref<80x128xf32, #tpu.memory_space<vmem>>)
      tpu.yield
    }) : () -> ()
    %add3A_237 = arith.constant 560 : i32
    %add3A_238 = arith.addi %mul3A_2, %add3A_237 : i32
    %dma_start3A_239 = arith.constant 0 : i32
    %dma_start3A_240 = tpu.memref_slice %arg3[%arg0, %add3A_238, %dma_start3A_239] : memref<2x10240x128xf32, #tpu.memory_space<hbm>> -> memref<1x80x128xf32, #tpu.memory_space<hbm>>
    %dma_start3A_241 = tpu.memref_squeeze %dma_start3A_240 : memref<1x80x128xf32, #tpu.memory_space<hbm>> -> memref<80x128xf32, #tpu.memory_space<hbm>>
    %dma_start3A_242 = arith.constant 0 : i32
    %dma_start3A_243 = tpu.memref_slice %arg3[%arg0, %add3A_238, %dma_start3A_242] : memref<2x10240x128xf32, #tpu.memory_space<hbm>> -> memref<1x80x128xf32, #tpu.memory_space<hbm>>
    %dma_start3A_244 = tpu.memref_squeeze %dma_start3A_243 : memref<1x80x128xf32, #tpu.memory_space<hbm>> -> memref<80x128xf32, #tpu.memory_space<hbm>>
    tpu.enqueue_dma source(%arg6 : memref<80x128xf32, #tpu.memory_space<vmem>>) target(%dma_start3A_244 : memref<80x128xf32, #tpu.memory_space<hbm>>) target_semaphore(%arg8 : memref<!tpu.dma_semaphore, #tpu.memory_space<semaphore_mem>>)
    %add3A_245 = arith.constant 480 : i32
    %add3A_246 = arith.addi %mul3A_2, %add3A_245 : i32
    %dma_wait3A_247 = arith.constant 0 : i32
    %dma_wait3A_248 = tpu.memref_slice %arg3[%arg0, %add3A_246, %dma_wait3A_247] : memref<2x10240x128xf32, #tpu.memory_space<hbm>> -> memref<1x80x128xf32, #tpu.memory_space<hbm>>
    %dma_wait3A_249 = tpu.memref_squeeze %dma_wait3A_248 : memref<1x80x128xf32, #tpu.memory_space<hbm>> -> memref<80x128xf32, #tpu.memory_space<hbm>>
    %dma_wait3A_250 = arith.constant 0 : i32
    %dma_wait3A_251 = tpu.memref_slice %arg3[%arg0, %add3A_246, %dma_wait3A_250] : memref<2x10240x128xf32, #tpu.memory_space<hbm>> -> memref<1x80x128xf32, #tpu.memory_space<hbm>>
    %dma_wait3A_252 = tpu.memref_squeeze %dma_wait3A_251 : memref<1x80x128xf32, #tpu.memory_space<hbm>> -> memref<80x128xf32, #tpu.memory_space<hbm>>
    tpu.wait_dma2 semaphore(%arg8 : memref<!tpu.dma_semaphore, #tpu.memory_space<semaphore_mem>>) src(%arg5 : memref<80x128xf32, #tpu.memory_space<vmem>>) dst(%dma_wait3A_252 : memref<80x128xf32, #tpu.memory_space<hbm>>)
    %add3A_253 = arith.constant 560 : i32
    %add3A_254 = arith.addi %mul3A_2, %add3A_253 : i32
    %dma_wait3A_255 = arith.constant 0 : i32
    %dma_wait3A_256 = tpu.memref_slice %arg3[%arg0, %add3A_254, %dma_wait3A_255] : memref<2x10240x128xf32, #tpu.memory_space<hbm>> -> memref<1x80x128xf32, #tpu.memory_space<hbm>>
    %dma_wait3A_257 = tpu.memref_squeeze %dma_wait3A_256 : memref<1x80x128xf32, #tpu.memory_space<hbm>> -> memref<80x128xf32, #tpu.memory_space<hbm>>
    %dma_wait3A_258 = arith.constant 0 : i32
    %dma_wait3A_259 = tpu.memref_slice %arg3[%arg0, %add3A_254, %dma_wait3A_258] : memref<2x10240x128xf32, #tpu.memory_space<hbm>> -> memref<1x80x128xf32, #tpu.memory_space<hbm>>
    %dma_wait3A_260 = tpu.memref_squeeze %dma_wait3A_259 : memref<1x80x128xf32, #tpu.memory_space<hbm>> -> memref<80x128xf32, #tpu.memory_space<hbm>>
    tpu.wait_dma2 semaphore(%arg8 : memref<!tpu.dma_semaphore, #tpu.memory_space<semaphore_mem>>) src(%arg6 : memref<80x128xf32, #tpu.memory_space<vmem>>) dst(%dma_wait3A_260 : memref<80x128xf32, #tpu.memory_space<hbm>>)
    return
  }
}

module attributes {stable_mosaic.version = 14 : i64} {
  func.func @_mm_scale_body(%arg0: i32, %arg1: memref<2000x128xf32, #tpu.memory_space<vmem>>, %arg2: memref<128x128xf32, #tpu.memory_space<vmem>>, %arg3: memref<2x2000x128xf32, #tpu.memory_space<vmem>>, %arg4: memref<2000x128xf32, #tpu.memory_space<vmem>>, %arg5: memref<2000x128xf32, #tpu.memory_space<vmem>>, %arg6: memref<2000x1xf32, #tpu.memory_space<vmem>>) attributes {dimension_semantics = [#tpu.dimension_semantics<arbitrary>], iteration_bounds = array<i64: 5>, scalar_prefetch = 0 : i64, scratch_operands = 0 : i64, tpu.core_type = #tpu.core_type<tc>, window_params = [{transform_indices = @transform_0, window_bounds = array<i64: 2000, 128>}, {pipeline_mode = #tpu.pipeline_mode<synchronous>, transform_indices = @transform_1, window_bounds = array<i64: 128, 128>}, {transform_indices = @transform_2, window_bounds = array<i64: 2, 2000, 128>}, {transform_indices = @transform_3, window_bounds = array<i64: 2000, 128>}, {transform_indices = @transform_4, window_bounds = array<i64: 2000, 128>}, {transform_indices = @transform_5, window_bounds = array<i64: 2000, 1>}]} {
    %get3A = arith.constant 0 : index
    %get3A_0 = arith.constant 0 : index
    %get3A_1 = vector.load %arg1[%get3A, %get3A_0] : memref<2000x128xf32, #tpu.memory_space<vmem>>, vector<2000x128xf32>
    %get3A_2 = arith.constant 0 : index
    %get3A_3 = arith.constant 0 : index
    %get3A_4 = vector.load %arg2[%get3A_2, %get3A_3] : memref<128x128xf32, #tpu.memory_space<vmem>>, vector<128x128xf32>
    %dot_general3A = arith.constant dense<0.000000e+00> : vector<2000x128xf32>
    %dot_general3A_5 = tpu.matmul %get3A_1, %get3A_4, %dot_general3A {dimension_numbers = #tpu.dot_dimension_numbers<[1], [0], [0], [1], [0, 0, 1, 1], [], []>, transpose_lhs_hint = false} : vector<2000x128xf32>, vector<128x128xf32>, vector<2000x128xf32> -> vector<2000x128xf32>
    %swap3A = arith.constant 0 : index
    %swap3A_6 = arith.constant 0 : index
    %swap3A_7 = vector.load %arg4[%swap3A, %swap3A_6] : memref<2000x128xf32, #tpu.memory_space<vmem>>, vector<2000x128xf32>
    tpu.vector_store %arg4[%swap3A, %swap3A_6], %dot_general3A_5 {strides = array<i32>} : memref<2000x128xf32, #tpu.memory_space<vmem>>, vector<2000x128xf32>,
    %get3A_8 = arith.constant 0 : index
    %get3A_9 = arith.constant 0 : index
    %get3A_10 = arith.constant 0 : index
    %get3A_11 = vector.load %arg3[%get3A_8, %get3A_9, %get3A_10] : memref<2x2000x128xf32, #tpu.memory_space<vmem>>, vector<1x2000x1xf32>
    %get3A_12 = vector.shape_cast %get3A_11 : vector<1x2000x1xf32> to vector<2000x1xf32>
    %get3A_13 = arith.constant 1 : index
    %get3A_14 = arith.constant 0 : index
    %get3A_15 = arith.constant 0 : index
    %get3A_16 = vector.load %arg3[%get3A_13, %get3A_14, %get3A_15] : memref<2x2000x128xf32, #tpu.memory_space<vmem>>, vector<1x2000x1xf32>
    %get3A_17 = vector.shape_cast %get3A_16 : vector<1x2000x1xf32> to vector<2000x1xf32>
    %add3A = arith.addf %get3A_12, %get3A_17 : vector<2000x1xf32>
    %add3A_18 = arith.constant 1.000000e+00 : f32
    %add3A_19 = vector.broadcast %add3A_18 : f32 to vector<2000x1xf32>
    %add3A_20 = arith.addf %add3A, %add3A_19 : vector<2000x1xf32>
    %max3A = arith.constant 1.000000e+00 : f32
    %max3A_21 = vector.broadcast %max3A : f32 to vector<2000x1xf32>
    %max3A_22 = arith.maximumf %add3A_20, %max3A_21 : vector<2000x1xf32>
    %rsqrt3A = math.rsqrt %max3A_22 : vector<2000x1xf32>
    %swap3A_23 = arith.constant 0 : index
    %swap3A_24 = arith.constant 0 : index
    %swap3A_25 = vector.load %arg6[%swap3A_23, %swap3A_24] : memref<2000x1xf32, #tpu.memory_space<vmem>>, vector<2000x1xf32>
    tpu.vector_store %arg6[%swap3A_23, %swap3A_24], %rsqrt3A {strides = array<i32>} : memref<2000x1xf32, #tpu.memory_space<vmem>>, vector<2000x1xf32>,
    %mul3A = vector.broadcast %rsqrt3A : vector<2000x1xf32> to vector<2000x128xf32>
    %mul3A_26 = arith.mulf %dot_general3A_5, %mul3A : vector<2000x128xf32>
    %swap3A_27 = arith.constant 0 : index
    %swap3A_28 = arith.constant 0 : index
    %swap3A_29 = vector.load %arg5[%swap3A_27, %swap3A_28] : memref<2000x128xf32, #tpu.memory_space<vmem>>, vector<2000x128xf32>
    tpu.vector_store %arg5[%swap3A_27, %swap3A_28], %mul3A_26 {strides = array<i32>} : memref<2000x128xf32, #tpu.memory_space<vmem>>, vector<2000x128xf32>,
    return
  }
  func.func @transform_0(%arg0: i32) -> (i32, i32) {
    %c0_i32 = arith.constant 0 : i32
    %c0_i32_0 = arith.constant 0 : i32
    return %arg0, %c0_i32 : i32, i32
  }
  func.func @transform_1(%arg0: i32) -> (i32, i32) {
    %c0_i32 = arith.constant 0 : i32
    %c0_i32_0 = arith.constant 0 : i32
    %c0_i32_1 = arith.constant 0 : i32
    return %c0_i32, %c0_i32_0 : i32, i32
  }
  func.func @transform_2(%arg0: i32) -> (i32, i32, i32) {
    %c0_i32 = arith.constant 0 : i32
    %c0_i32_0 = arith.constant 0 : i32
    %c0_i32_1 = arith.constant 0 : i32
    return %c0_i32, %arg0, %c0_i32_0 : i32, i32, i32
  }
  func.func @transform_3(%arg0: i32) -> (i32, i32) {
    %c0_i32 = arith.constant 0 : i32
    %c0_i32_0 = arith.constant 0 : i32
    return %arg0, %c0_i32 : i32, i32
  }
  func.func @transform_4(%arg0: i32) -> (i32, i32) {
    %c0_i32 = arith.constant 0 : i32
    %c0_i32_0 = arith.constant 0 : i32
    return %arg0, %c0_i32 : i32, i32
  }
  func.func @transform_5(%arg0: i32) -> (i32, i32) {
    %c0_i32 = arith.constant 0 : i32
    %c0_i32_0 = arith.constant 0 : i32
    return %arg0, %c0_i32 : i32, i32
  }
}

module attributes {stable_mosaic.version = 14 : i64} {
  func.func @_fuse2_body(%arg0: i32, %arg1: memref<2x2000x128xf32, #tpu.memory_space<vmem>>, %arg2: memref<2000x128xf32, #tpu.memory_space<vmem>>, %arg3: memref<2000x1xf32, #tpu.memory_space<vmem>>, %arg4: memref<1x128xf32, #tpu.memory_space<vmem>>, %arg5: memref<128x64xf32, #tpu.memory_space<vmem>>, %arg6: memref<2000x128xf32, #tpu.memory_space<vmem>>, %arg7: memref<2000x64xf32, #tpu.memory_space<vmem>>) attributes {dimension_semantics = [#tpu.dimension_semantics<arbitrary>], iteration_bounds = array<i64: 5>, scalar_prefetch = 0 : i64, scratch_operands = 0 : i64, tpu.core_type = #tpu.core_type<tc>, window_params = [{transform_indices = @transform_0, window_bounds = array<i64: 2, 2000, 128>}, {transform_indices = @transform_1, window_bounds = array<i64: 2000, 128>}, {transform_indices = @transform_2, window_bounds = array<i64: 2000, 1>}, {pipeline_mode = #tpu.pipeline_mode<synchronous>, transform_indices = @transform_3, window_bounds = array<i64: 1, 128>}, {pipeline_mode = #tpu.pipeline_mode<synchronous>, transform_indices = @transform_4, window_bounds = array<i64: 128, 64>}, {transform_indices = @transform_5, window_bounds = array<i64: 2000, 128>}, {transform_indices = @transform_6, window_bounds = array<i64: 2000, 64>}]} {
    %get3A = arith.constant 0 : index
    %get3A_0 = arith.constant 0 : index
    %get3A_1 = vector.load %arg3[%get3A, %get3A_0] : memref<2000x1xf32, #tpu.memory_space<vmem>>, vector<2000x1xf32>
    %get3A_2 = arith.constant 0 : index
    %get3A_3 = arith.constant 0 : index
    %get3A_4 = arith.constant 0 : index
    %get3A_5 = vector.load %arg1[%get3A_2, %get3A_3, %get3A_4] : memref<2x2000x128xf32, #tpu.memory_space<vmem>>, vector<1x2000x128xf32>
    %get3A_6 = vector.shape_cast %get3A_5 : vector<1x2000x128xf32> to vector<2000x128xf32>
    %get3A_7 = arith.constant 1 : index
    %get3A_8 = arith.constant 0 : index
    %get3A_9 = arith.constant 0 : index
    %get3A_10 = vector.load %arg1[%get3A_7, %get3A_8, %get3A_9] : memref<2x2000x128xf32, #tpu.memory_space<vmem>>, vector<1x2000x128xf32>
    %get3A_11 = vector.shape_cast %get3A_10 : vector<1x2000x128xf32> to vector<2000x128xf32>
    %add3A = arith.addf %get3A_6, %get3A_11 : vector<2000x128xf32>
    %get3A_12 = arith.constant 0 : index
    %get3A_13 = arith.constant 0 : index
    %get3A_14 = vector.load %arg2[%get3A_12, %get3A_13] : memref<2000x128xf32, #tpu.memory_space<vmem>>, vector<2000x128xf32>
    %mul3A = vector.broadcast %get3A_1 : vector<2000x1xf32> to vector<2000x128xf32>
    %mul3A_15 = arith.mulf %get3A_14, %mul3A : vector<2000x128xf32>
    %add3A_16 = arith.addf %add3A, %mul3A_15 : vector<2000x128xf32>
    %mul3A_17 = vector.broadcast %get3A_1 : vector<2000x1xf32> to vector<2000x128xf32>
    %mul3A_18 = arith.mulf %add3A_16, %mul3A_17 : vector<2000x128xf32>
    %get3A_19 = arith.constant 0 : index
    %get3A_20 = arith.constant 0 : index
    %get3A_21 = vector.load %arg4[%get3A_19, %get3A_20] : memref<1x128xf32, #tpu.memory_space<vmem>>, vector<1x128xf32>
    %add3A_22 = vector.broadcast %get3A_21 : vector<1x128xf32> to vector<2000x128xf32>
    %add3A_23 = arith.addf %mul3A_18, %add3A_22 : vector<2000x128xf32>
    %max3A = arith.constant 0.000000e+00 : f32
    %max3A_24 = vector.broadcast %max3A : f32 to vector<2000x128xf32>
    %max3A_25 = arith.maximumf %add3A_23, %max3A_24 : vector<2000x128xf32>
    %get3A_26 = arith.constant 0 : index
    %get3A_27 = arith.constant 0 : index
    %get3A_28 = vector.load %arg5[%get3A_26, %get3A_27] : memref<128x64xf32, #tpu.memory_space<vmem>>, vector<128x64xf32>
    %dot_general3A = arith.constant dense<0.000000e+00> : vector<2000x64xf32>
    %dot_general3A_29 = tpu.matmul %max3A_25, %get3A_28, %dot_general3A {dimension_numbers = #tpu.dot_dimension_numbers<[1], [0], [0], [1], [0, 0, 1, 1], [], []>, transpose_lhs_hint = false} : vector<2000x128xf32>, vector<128x64xf32>, vector<2000x64xf32> -> vector<2000x64xf32>
    %mul3A_30 = vector.broadcast %get3A_1 : vector<2000x1xf32> to vector<2000x64xf32>
    %mul3A_31 = arith.mulf %dot_general3A_29, %mul3A_30 : vector<2000x64xf32>
    %swap3A = arith.constant 0 : index
    %swap3A_32 = arith.constant 0 : index
    %swap3A_33 = vector.load %arg7[%swap3A, %swap3A_32] : memref<2000x64xf32, #tpu.memory_space<vmem>>, vector<2000x64xf32>
    tpu.vector_store %arg7[%swap3A, %swap3A_32], %mul3A_31 {strides = array<i32>} : memref<2000x64xf32, #tpu.memory_space<vmem>>, vector<2000x64xf32>,
    %broadcast_in_dim3A = arith.constant 0.000000e+00 : f32
    %broadcast_in_dim3A_34 = vector.broadcast %broadcast_in_dim3A : f32 to vector<2000x64xf32>
    %concatenate3A = tpu.concatenate %mul3A_31, %broadcast_in_dim3A_34 in 1 : vector<2000x64xf32>, vector<2000x64xf32> -> vector<2000x128xf32>
    %swap3A_35 = arith.constant 0 : index
    %swap3A_36 = arith.constant 0 : index
    %swap3A_37 = vector.load %arg6[%swap3A_35, %swap3A_36] : memref<2000x128xf32, #tpu.memory_space<vmem>>, vector<2000x128xf32>
    tpu.vector_store %arg6[%swap3A_35, %swap3A_36], %concatenate3A {strides = array<i32>} : memref<2000x128xf32, #tpu.memory_space<vmem>>, vector<2000x128xf32>,
    return
  }
  func.func @transform_0(%arg0: i32) -> (i32, i32, i32) {
    %c0_i32 = arith.constant 0 : i32
    %c0_i32_0 = arith.constant 0 : i32
    %c0_i32_1 = arith.constant 0 : i32
    return %c0_i32, %arg0, %c0_i32_0 : i32, i32, i32
  }
  func.func @transform_1(%arg0: i32) -> (i32, i32) {
    %c0_i32 = arith.constant 0 : i32
    %c0_i32_0 = arith.constant 0 : i32
    return %arg0, %c0_i32 : i32, i32
  }
  func.func @transform_2(%arg0: i32) -> (i32, i32) {
    %c0_i32 = arith.constant 0 : i32
    %c0_i32_0 = arith.constant 0 : i32
    return %arg0, %c0_i32 : i32, i32
  }
  func.func @transform_3(%arg0: i32) -> (i32, i32) {
    %c0_i32 = arith.constant 0 : i32
    %c0_i32_0 = arith.constant 0 : i32
    %c0_i32_1 = arith.constant 0 : i32
    return %c0_i32, %c0_i32_0 : i32, i32
  }
  func.func @transform_4(%arg0: i32) -> (i32, i32) {
    %c0_i32 = arith.constant 0 : i32
    %c0_i32_0 = arith.constant 0 : i32
    %c0_i32_1 = arith.constant 0 : i32
    return %c0_i32, %c0_i32_0 : i32, i32
  }
  func.func @transform_5(%arg0: i32) -> (i32, i32) {
    %c0_i32 = arith.constant 0 : i32
    %c0_i32_0 = arith.constant 0 : i32
    return %arg0, %c0_i32 : i32, i32
  }
  func.func @transform_6(%arg0: i32) -> (i32, i32) {
    %c0_i32 = arith.constant 0 : i32
    %c0_i32_0 = arith.constant 0 : i32
    return %arg0, %c0_i32 : i32, i32
  }
}

module attributes {stable_mosaic.version = 14 : i64} {
  func.func @_final_body(%arg0: i32, %arg1: memref<2x10000x128xf32, #tpu.memory_space<vmem>>, %arg2: memref<10000x64xf32, #tpu.memory_space<vmem>>, %arg3: memref<10000x1xf32, #tpu.memory_space<vmem>>, %arg4: memref<1x64xf32, #tpu.memory_space<vmem>>, %arg5: memref<1x10000xi32, #tpu.memory_space<vmem>>, %arg6: memref<64x64xf32, #tpu.memory_space<vmem>>, %arg7: memref<64x64xf32, #tpu.memory_space<vmem>>) attributes {dimension_semantics = [#tpu.dimension_semantics<arbitrary>], iteration_bounds = array<i64: 1>, scalar_prefetch = 0 : i64, scratch_operands = 0 : i64, tpu.core_type = #tpu.core_type<tc>, window_params = [{transform_indices = @transform_0, window_bounds = array<i64: 2, 10000, 128>}, {pipeline_mode = #tpu.pipeline_mode<synchronous>, transform_indices = @transform_1, window_bounds = array<i64: 10000, 64>}, {pipeline_mode = #tpu.pipeline_mode<synchronous>, transform_indices = @transform_2, window_bounds = array<i64: 10000, 1>}, {pipeline_mode = #tpu.pipeline_mode<synchronous>, transform_indices = @transform_3, window_bounds = array<i64: 1, 64>}, {pipeline_mode = #tpu.pipeline_mode<synchronous>, transform_indices = @transform_4, window_bounds = array<i64: 1, 10000>}, {pipeline_mode = #tpu.pipeline_mode<synchronous>, transform_indices = @transform_5, window_bounds = array<i64: 64, 64>}, {pipeline_mode = #tpu.pipeline_mode<synchronous>, transform_indices = @transform_6, window_bounds = array<i64: 64, 64>}]} {
    %get3A = arith.constant 0 : index
    %get3A_0 = arith.constant 0 : index
    %get3A_1 = arith.constant 0 : index
    %get3A_2 = vector.load %arg1[%get3A, %get3A_0, %get3A_1] : memref<2x10000x128xf32, #tpu.memory_space<vmem>>, vector<1x10000x64xf32>
    %get3A_3 = vector.shape_cast %get3A_2 : vector<1x10000x64xf32> to vector<10000x64xf32>
    %get3A_4 = arith.constant 1 : index
    %get3A_5 = arith.constant 0 : index
    %get3A_6 = arith.constant 0 : index
    %get3A_7 = vector.load %arg1[%get3A_4, %get3A_5, %get3A_6] : memref<2x10000x128xf32, #tpu.memory_space<vmem>>, vector<1x10000x64xf32>
    %get3A_8 = vector.shape_cast %get3A_7 : vector<1x10000x64xf32> to vector<10000x64xf32>
    %add3A = arith.addf %get3A_3, %get3A_8 : vector<10000x64xf32>
    %get3A_9 = arith.constant 0 : index
    %get3A_10 = arith.constant 0 : index
    %get3A_11 = vector.load %arg2[%get3A_9, %get3A_10] : memref<10000x64xf32, #tpu.memory_space<vmem>>, vector<10000x64xf32>
    %add3A_12 = arith.addf %add3A, %get3A_11 : vector<10000x64xf32>
    %get3A_13 = arith.constant 0 : index
    %get3A_14 = arith.constant 0 : index
    %get3A_15 = vector.load %arg3[%get3A_13, %get3A_14] : memref<10000x1xf32, #tpu.memory_space<vmem>>, vector<10000x1xf32>
    %mul3A = vector.broadcast %get3A_15 : vector<10000x1xf32> to vector<10000x64xf32>
    %mul3A_16 = arith.mulf %add3A_12, %mul3A : vector<10000x64xf32>
    %get3A_17 = arith.constant 0 : index
    %get3A_18 = arith.constant 0 : index
    %get3A_19 = vector.load %arg4[%get3A_17, %get3A_18] : memref<1x64xf32, #tpu.memory_space<vmem>>, vector<1x64xf32>
    %add3A_20 = vector.broadcast %get3A_19 : vector<1x64xf32> to vector<10000x64xf32>
    %add3A_21 = arith.addf %mul3A_16, %add3A_20 : vector<10000x64xf32>
    %iota3A = tpu.iota {dimensions = array<i32: 0>} : vector<64x10000xi32>
    %get3A_22 = arith.constant 0 : index
    %get3A_23 = arith.constant 0 : index
    %get3A_24 = vector.load %arg5[%get3A_22, %get3A_23] : memref<1x10000xi32, #tpu.memory_space<vmem>>, vector<1x10000xi32>
    %eq3A = vector.broadcast %get3A_24 : vector<1x10000xi32> to vector<64x10000xi32>
    %eq3A_25 = arith.cmpi eq, %iota3A, %eq3A : vector<64x10000xi32>
    %convert_element_type3A = arith.extui %eq3A_25 : vector<64x10000xi1> to vector<64x10000xi32>
    %convert_element_type3A_26 = arith.sitofp %convert_element_type3A : vector<64x10000xi32> to vector<64x10000xf32>
    %dot_general3A = arith.constant dense<0.000000e+00> : vector<64x64xf32>
    %dot_general3A_27 = tpu.matmul %convert_element_type3A_26, %add3A_21, %dot_general3A {dimension_numbers = #tpu.dot_dimension_numbers<[1], [0], [0], [1], [0, 0, 1, 1], [], []>, transpose_lhs_hint = false} : vector<64x10000xf32>, vector<10000x64xf32>, vector<64x64xf32> -> vector<64x64xf32>
    %reduce_sum3A = arith.constant dense<0.000000e+00> : vector<64xf32>
    %reduce_sum3A_28 = vector.multi_reduction <add>, %convert_element_type3A_26, %reduce_sum3A [1] : vector<64x10000xf32> to vector<64xf32>
    %broadcast_in_dim3A = vector.shape_cast %reduce_sum3A_28 : vector<64xf32> to vector<64x1xf32>
    %max3A = arith.constant 1.000000e+00 : f32
    %max3A_29 = vector.broadcast %max3A : f32 to vector<64x1xf32>
    %max3A_30 = arith.maximumf %broadcast_in_dim3A, %max3A_29 : vector<64x1xf32>
    %div3A = vector.broadcast %max3A_30 : vector<64x1xf32> to vector<64x64xf32>
    %div3A_31 = arith.divf %dot_general3A_27, %div3A : vector<64x64xf32>
    %get3A_32 = arith.constant 0 : index
    %get3A_33 = arith.constant 0 : index
    %get3A_34 = vector.load %arg6[%get3A_32, %get3A_33] : memref<64x64xf32, #tpu.memory_space<vmem>>, vector<64x64xf32>
    %mul3A_35 = arith.mulf %div3A_31, %div3A_31 : vector<64x64xf32>
    %reduce_sum3A_36 = arith.constant dense<0.000000e+00> : vector<64xf32>
    %reduce_sum3A_37 = vector.multi_reduction <add>, %mul3A_35, %reduce_sum3A_36 [1] : vector<64x64xf32> to vector<64xf32>
    %broadcast_in_dim3A_38 = vector.shape_cast %reduce_sum3A_37 : vector<64xf32> to vector<64x1xf32>
    %mul3A_39 = arith.mulf %get3A_34, %get3A_34 : vector<64x64xf32>
    %reduce_sum3A_40 = arith.constant dense<0.000000e+00> : vector<64xf32>
    %reduce_sum3A_41 = vector.multi_reduction <add>, %mul3A_39, %reduce_sum3A_40 [1] : vector<64x64xf32> to vector<64xf32>
    %broadcast_in_dim3A_42 = vector.shape_cast %reduce_sum3A_41 : vector<64xf32> to vector<1x64xf32>
    %dot_general3A_43 = arith.constant dense<0.000000e+00> : vector<64x64xf32>
    %dot_general3A_44 = tpu.matmul %div3A_31, %get3A_34, %dot_general3A_43 {dimension_numbers = #tpu.dot_dimension_numbers<[1], [1], [0], [0], [0, 0, 1, 0], [], []>, transpose_lhs_hint = false} : vector<64x64xf32>, vector<64x64xf32>, vector<64x64xf32> -> vector<64x64xf32>
    %add3A_45 = vector.broadcast %broadcast_in_dim3A_38 : vector<64x1xf32> to vector<64x64xf32>
    %add3A_46 = vector.broadcast %broadcast_in_dim3A_42 : vector<1x64xf32> to vector<64x64xf32>
    %add3A_47 = arith.addf %add3A_45, %add3A_46 : vector<64x64xf32>
    %mul3A_48 = arith.constant 2.000000e+00 : f32
    %mul3A_49 = vector.broadcast %mul3A_48 : f32 to vector<64x64xf32>
    %mul3A_50 = arith.mulf %mul3A_49, %dot_general3A_44 : vector<64x64xf32>
    %sub3A = arith.subf %add3A_47, %mul3A_50 : vector<64x64xf32>
    %max3A_51 = arith.constant 0.000000e+00 : f32
    %max3A_52 = vector.broadcast %max3A_51 : f32 to vector<64x64xf32>
    %max3A_53 = arith.maximumf %sub3A, %max3A_52 : vector<64x64xf32>
    %sqrt3A = math.sqrt %max3A_53 : vector<64x64xf32>
    %swap3A = arith.constant 0 : index
    %swap3A_54 = arith.constant 0 : index
    %swap3A_55 = vector.load %arg7[%swap3A, %swap3A_54] : memref<64x64xf32, #tpu.memory_space<vmem>>, vector<64x64xf32>
    tpu.vector_store %arg7[%swap3A, %swap3A_54], %sqrt3A {strides = array<i32>} : memref<64x64xf32, #tpu.memory_space<vmem>>, vector<64x64xf32>,
    return
  }
  func.func @transform_0(%arg0: i32) -> (i32, i32, i32) {
    %c0_i32 = arith.constant 0 : i32
    %c0_i32_0 = arith.constant 0 : i32
    %c0_i32_1 = arith.constant 0 : i32
    %c0_i32_2 = arith.constant 0 : i32
    return %c0_i32, %c0_i32_0, %c0_i32_1 : i32, i32, i32
  }
  func.func @transform_1(%arg0: i32) -> (i32, i32) {
    %c0_i32 = arith.constant 0 : i32
    %c0_i32_0 = arith.constant 0 : i32
    %c0_i32_1 = arith.constant 0 : i32
    return %c0_i32, %c0_i32_0 : i32, i32
  }
  func.func @transform_2(%arg0: i32) -> (i32, i32) {
    %c0_i32 = arith.constant 0 : i32
    %c0_i32_0 = arith.constant 0 : i32
    %c0_i32_1 = arith.constant 0 : i32
    return %c0_i32, %c0_i32_0 : i32, i32
  }
  func.func @transform_3(%arg0: i32) -> (i32, i32) {
    %c0_i32 = arith.constant 0 : i32
    %c0_i32_0 = arith.constant 0 : i32
    %c0_i32_1 = arith.constant 0 : i32
    return %c0_i32, %c0_i32_0 : i32, i32
  }
  func.func @transform_4(%arg0: i32) -> (i32, i32) {
    %c0_i32 = arith.constant 0 : i32
    %c0_i32_0 = arith.constant 0 : i32
    %c0_i32_1 = arith.constant 0 : i32
    return %c0_i32, %c0_i32_0 : i32, i32
  }
  func.func @transform_5(%arg0: i32) -> (i32, i32) {
    %c0_i32 = arith.constant 0 : i32
    %c0_i32_0 = arith.constant 0 : i32
    %c0_i32_1 = arith.constant 0 : i32
    return %c0_i32, %c0_i32_0 : i32, i32
  }
  func.func @transform_6(%arg0: i32) -> (i32, i32) {
    %c0_i32 = arith.constant 0 : i32
    %c0_i32_0 = arith.constant 0 : i32
    %c0_i32_1 = arith.constant 0 : i32
    return %c0_i32, %c0_i32_0 : i32, i32
  }
}

</mosaic_0001>

<sc_bundles>
// kernel: kernel.11.cloned.1.call-start
scs
__scs_entry_jumppad:
0x0: {  	(pc) =	sbr.rel $0x88, $3  }
0x1: {  	(tag) =	ssettag $0x0;
	lr =	simm.s32 $0x1  }
0x2: {  	[smem:$0x3F99] =	sst lr;
	_ =	strace $0xD0000000  }
0x3: {  	_ = 	snop  }
0x4: {  	_ = 	snop  }
0x5: {  	_ = 	snop  }
0x6: {  	_ = 	snop  }
0x7: {  	_ = 	snop  }
__scs_overlays_trampoline_lowered:
0x8: {  	[smem:$0x3FA8] =	sst s0  }
0x9: {  	[smem:$0x3FA9] =	sst s1  }
0xa: {  	[smem:$0x3FAA] =	sst s2  }
0xb: {  	[smem:$0x3FAB] =	sst s3  }
0xc: {  	[smem:$0x3FAC] =	sst s4  }
0xd: {  	[smem:$0x3FAD] =	sst s5  }
0xe: {  	[smem:$0x3FAE] =	sst s6  }
0xf: {  	[smem:$0x3FAF] =	sst s7  }
0x10: {  	[smem:$0x3FB0] =	sst s8  }
0x11: {  	[smem:$0x3FB1] =	sst s9;
	s0 =	simm.s32 @!p0 $0x0  }
0x12: {  	s1 =	sld [smem:$0x3F97];
	s0 =	simm.s32 @p0 $0x1  }
0x13: {  	[smem:$0x3FB2] =	sst s0;
	s0 =	simm.s32 @!p1 $0x0  }
0x14: {  	s2 =	sld [smem:$0x3F96];
	s0 =	simm.s32 @p1 $0x1  }
0x15: {  	[smem:$0x3FB3] =	sst s0;
	s0 =	simm.s32 @!p2 $0x0  }
0x16: {  	s3 =	sld [smem:$0x3FDB];
	s0 =	simm.s32 @p2 $0x1  }
0x17: {  	s4 =	simm.s32 $0x1BF5;
	[smem:$0x3FB5] =	sst s0  }
0x18: {  	s0 =	sld [smem:$0x3F98];
	_ =	swait.ge [sflag:s4], $0x0  }
0x19: {  	s7 =	sld [smem:$0x3F99]  }
0x1a: {  	s8 =	sadd.s32 $0xFFFFE003, lr  }
0x1b: {  	s9 =	sadd.s32 $0xFFFFFEF7, lr;
	s5 =	simm.s32 $0xFFFFFFFF;
	p2 =	slt.u32 s8, $0xFFFFF086  }
0x1c: {  	p1 =	slt.u32 s9, $0xF7A;
	s5 =	simm.s32 @!p2 $0x0  }
0x1d: {  	s5 =	simm.s32 @p1 $0x1;
	p0 =	seq.s32 s7, s2  }
0x1e: {  	s7 =	smul.u32 @!p0 $0xF7A, s2;
	p2 =	seq.s32 @!p0 s5, $0x0  }
0x1f: {  	s9 =	smul.u32 $0xF7A, s1;
	s8 =	simm.s32 @!p0 $0x1BF5;
	p2 =	por !p2, p0  }
0x20: {  	[sflag:s8] =	ssyncset.s32 @!p0 $0xFFFFF086;
	s6 =	sadd.s32 @!p0 s3, s7;
	s7 =	simm.s32 @!p0 $0x108  }
0x21: {  	s3 =	sadd.s32 s3, s9;
	s6 =	sadd.s32 @!p0 $0x88, s6;
	s7 =	simm.s32 @p2 $0x1082  }
0x22: {  	[simem:s7], [sflag:s8] =	dma.local @!p0 [hbm:s6], $0xF7A  }
0x23: {  	s9 =	sor.u32 $0xD0000000, s2;
	s6 =	simm.s32 $0x108;
	_ =	swait.ge @!p0 [sflag:s8], $0x0  }
0x24: {  	s3 =	sadd.s32 $0x88, s3;
	s6 =	simm.s32 @!p1 $0x1082;
	[sflag:s4] =	ssyncset.s32 $0xFFFFF086  }
0x25: {  	[simem:s6], [sflag:s4] =	dma.local [hbm:s3], $0xF7A  }
0x26: {  	[smem:$0x3F99] =	sst s1;
	(tag) =	ssettag s2;
	_ =	strace s9  }
0x27: {  	s1 =	sld [smem:$0x3FA9]  }
0x28: {  	s2 =	sld [smem:$0x3FAA]  }
0x29: {  	s4 =	sld [smem:$0x3FAC]  }
0x2a: {  	p0 =	seq.s32 s5, $0x0;
	s5 =	sld [smem:$0x3FAD]  }
0x2b: {  	s6 =	sld [smem:$0x3FAE]  }
0x2c: {  	s7 =	sld [smem:$0x3FAF]  }
0x2d: {  	s3 =	simm.s32 $0x108;
	s8 =	sld [smem:$0x3FB0]  }
0x2e: {  	s3 =	simm.s32 @!p0 $0x1082;
	s9 =	sld [smem:$0x3FB1]  }
0x2f: {  	lr =	sadd.s32 s0, s3;
	s0 =	sld [smem:$0x3FA8]  }
0x30: {  	s3 =	sld [smem:$0x3FAB]  }
0x31: {  	[smem:$0x3FB4] =	sst s10  }
0x32: {  	s10 =	sld [smem:$0x3FB2];
	_ =	sdelay $0x3  }
0x33: {  	p0 =	seq.s32 s10, $0x1;
	s10 =	sld [smem:$0x3FB4];
	_ =	sdelay $0x3  }
0x34: {  	[smem:$0x3FB4] =	sst s10  }
0x35: {  	s10 =	sld [smem:$0x3FB3];
	_ =	sdelay $0x3  }
0x36: {  	p1 =	seq.s32 s10, $0x1;
	s10 =	sld [smem:$0x3FB4];
	_ =	sdelay $0x3  }
0x37: {  	[smem:$0x3FB4] =	sst s10  }
0x38: {  	s10 =	sld [smem:$0x3FB5]  }
0x39: {  	_ = 	snop;
	(pc) =	sbr.ind lr, $3  }
0x3a: {  	_ = 	snop  }
0x3b: {  	_ = 	snop  }
0x3c: {  	p2 =	seq.s32 s10, $0x1;
	s10 =	sld [smem:$0x3FB4]  }
0x3d: {  	_ =	shalt  }
0x3e: {  	_ =	shalt  }
0x3f: {  	_ =	shalt  }
0x40: {  	_ =	shalt  }
0x41: {  	_ =	shalt  }
0x42: {  	_ =	shalt  }
0x43: {  	_ =	shalt  }
0x44: {  	_ =	shalt  }
0x45: {  	_ =	shalt  }
0x46: {  	_ =	shalt  }
0x47: {  	_ =	shalt  }
0x48: {  	_ =	shalt  }
0x49: {  	_ =	shalt  }
0x4a: {  	_ =	shalt  }
0x4b: {  	_ =	shalt  }
0x4c: {  	_ =	shalt  }
0x4d: {  	_ =	shalt  }
0x4e: {  	_ =	shalt  }
0x4f: {  	_ =	shalt  }
0x50: {  	_ =	shalt  }
0x51: {  	_ =	shalt  }
0x52: {  	_ =	shalt  }
0x53: {  	_ =	shalt  }
0x54: {  	_ =	shalt  }
0x55: {  	_ =	shalt  }
0x56: {  	_ =	shalt  }
0x57: {  	_ =	shalt  }
0x58: {  	_ =	shalt  }
0x59: {  	_ =	shalt  }
0x5a: {  	_ =	shalt  }
0x5b: {  	_ =	shalt  }
0x5c: {  	_ =	shalt  }
0x5d: {  	_ =	shalt  }
0x5e: {  	_ =	shalt  }
0x5f: {  	_ =	shalt  }
0x60: {  	_ =	shalt  }
0x61: {  	_ =	shalt  }
0x62: {  	_ =	shalt  }
0x63: {  	_ =	shalt  }
0x64: {  	_ =	shalt  }
0x65: {  	_ =	shalt  }
0x66: {  	_ =	shalt  }
0x67: {  	_ =	shalt  }
0x68: {  	_ =	shalt  }
0x69: {  	_ =	shalt  }
0x6a: {  	_ =	shalt  }
0x6b: {  	_ =	shalt  }
0x6c: {  	_ =	shalt  }
0x6d: {  	_ =	shalt  }
0x6e: {  	_ =	shalt  }
0x6f: {  	_ =	shalt  }
0x70: {  	_ =	shalt  }
0x71: {  	_ =	shalt  }
0x72: {  	_ =	shalt  }
0x73: {  	_ =	shalt  }
0x74: {  	_ =	shalt  }
0x75: {  	_ =	shalt  }
0x76: {  	_ =	shalt  }
0x77: {  	_ =	shalt  }
0x78: {  	_ =	shalt  }
0x79: {  	_ =	shalt  }
0x7a: {  	_ =	shalt  }
0x7b: {  	_ =	shalt  }
0x7c: {  	_ =	shalt  }
0x7d: {  	_ =	shalt  }
0x7e: {  	_ =	shalt  }
0x7f: {  	_ =	shalt  }
0x80: {  	_ =	shalt  }
0x81: {  	_ =	shalt  }
0x82: {  	_ =	shalt  }
0x83: {  	_ =	shalt  }
0x84: {  	_ =	shalt  }
0x85: {  	_ =	shalt  }
0x86: {  	_ =	shalt  }
0x87: {  	_ =	shalt  }
.Lfunc_end0:
.L_simem_size_0:
called_computation.1_lowered:
.L_overlay_start_0:
0x88: {  	s2 =	sld [smem:$0x3FD9]  }
0x89: {  	s3 =	sld [smem:$0x3FFE];
	_ =	sdelay $0x1  }
0x8a: {  	s1 =	srdreg.scid  }
0x8b: {  	s0 =	sand.u32 $0x1, s1  }
0x8c: {  	s16 =	sshll.u32 s0, $0xA;
	s2 =	sadd.s32 s3, s2  }
0x8d: {  	s2 =	sadd.s32 s2, s16  }
0x8e: {  	[smem:$0x3FC0] =	sst s2  }
0x8f: {  	_ = 	snop  }
0x90: {  	(tm) =	ssettm $0x1  }
0x91: {  	s17 =	sld [smem:$0x3FFB];
	_ =	sdelay $0x3  }
0x92: {  	_ =	strace s17  }
0x93: {  	s2 =	sld [smem:$0x3FFC];
	_ =	sdelay $0x3  }
0x94: {  	_ =	strace s2  }
0x95: {  	s2 =	sld [smem:$0x3FFD];
	_ =	sdelay $0x3  }
0x96: {  	_ =	strace s2  }
0x97: {  	_ =	strace $0x8FFFFFFF  }
0x98: {  	s18 =	sld [smem:$0x3FDB];
	_ =	sdelay $0x1  }
0x99: {  	s19 =	simm.s32 $_scs_section_size  }
0x9a: {  	s4 =	simm.s32 $_size__tile_overlayer_lowered;
	s5 =	simm.s32 $_tile_overlayer_lowered  }
0x9b: {  	s22 =	simm.s32 $0x1BFF;
	s21 =	sshll.u32 s5, $0x1;
	s2 =	sadd.s32 s19, s18  }
0x9c: {  	s6 =	simm.s32 $0x0;
	s20 =	sshll.u32 s4, $0x1;
	s4 =	sadd.s32 s21, s2  }
0x9d: {  	[timem:s6], [sflag:s22] =	dma.local [hbm:s4], s20  }
0x9e: {  	_ =	swait.ge [sflag:s22], s20  }
0x9f: {  	s3 =	ssub.s32 $0x0, s20;
	[sflag:s22] =	ssyncset.done $0x0  }
0xa0: {  	[sflag:s22] =	ssyncadd.s32 s3;
	_ =	sdelay $0x1  }
0xa1: {  	s23 =	simm.s32 $0x1B8B  }
0xa2: {  	_ =	swait.ge [sflag:s23], $0x1  }
0xa3: {  	[sflag:s23] =	ssyncset.done $0x0  }
0xa4: {  	s25 =	simm.s32 $0x1B8E;
	s24 =	sld [smem:$0x3FFE];
	[sflag:s23] =	ssyncadd.s32 $0xFFFFFFFF  }
0xa5: {  	s26 =	simm.s32 $execute0_lowered;
	[smem:$0x3FD2] =	sst s25  }
0xa6: {  	s4 =	sshll.u32 s26, $0x1;
	_ =	strace $0x80000049;
	[dreg:$0x1] =	wrdreg $0xFFFFFFFF  }
0xa7: {  	s28 =	simm.s32 $_size_execute0_lowered;
	s2 =	sadd.s32 s2, s4;
	[dreg:$0x0] =	wrdreg $0x0  }
0xa8: {  	s4 =	sshll.u32 s28, $0x1;
	[dreg:$0x2] =	wrdreg s2  }
0xa9: {  	[dreg:$0x3] =	wrdreg s4  }
0xaa: {  	[dreg:$0x4] =	wrdreg $0xC0  }
0xab: {  	_ =	task [dreg:s6], $0x5FFFF  }
0xac: {  	[dreg:$0x1] =	wrdreg $0xFFFFFFFF  }
0xad: {  	[dreg:$0x0] =	wrdreg $0x60  }
0xae: {  	[dreg:$0x2] =	wrdreg s24  }
0xaf: {  	[dreg:$0x3] =	wrdreg $0x9F000  }
0xb0: {  	[dreg:$0x4] =	wrdreg $0x9  }
0xb1: {  	_ =	task.clear_ibuf [dreg:s6], $0x5FFFF;
	_ =	strace $0x90000049  }
0xb2: {  	s29 =	simm.s32 $0x9;
	_ =	strace $0x8000004B  }
0xb3: {  	_ =	swait.ge [sflag:s29], $0x1  }
0xb4: {  	[sflag:s29] =	ssyncadd.s32 $0xFFFFFFFF  }
0xb5: {  	_ =	strace $0x9000004B  }
0xb6: {  	_ =	sfence  }
0xb7: {  	s30 =	sld [smem:$0x0];
	_ =	sdelay $0x2  }
0xb8: {  	s31 =	sshll.u32 s1, $0xD;
	s1 =	sshrl.u32 s1, $0x2  }
0xb9: {  	s3 =	sand.u32 $0x4000, s31;
	s1 =	sadd.s32 s1, s30  }
0xba: {  	s0 =	sor.u32 s3, s0;
	s1 =	sshll.u32 s1, $0x11  }
0xbb: {  	s0 =	sor.u32 s1, s0  }
0xbc: {  	s0 =	sadd.s32 $0x8F2B, s0  }
0xbd: {  	[sflag:s0] =	ssyncadd.remote.s32 $0x1  }
0xbe: {  	_ =	sfence.sel $0xFFFF  }
0xbf: {  	[dreg:$0x0] =	wrdreg $0xFFFFFFFF;
	(pc) =	sbr.abs _section_cstart, $3  }
0xc0: {  	[dreg:$0x1] =	wrdreg $0xFFFFFFFF  }
0xc1: {  	_ =	task.clear_ibuf [dreg:s6], $0x2FFFF;
	_ =	strace $0x9FFFFFFF  }
0xc2: {  	(tm) =	ssettm $0x7FFFFFFF  }
0xc3: {  	_ =	shalt  }
tec
execute0_lowered:
.L_overlay_start_1:
0x0: {  	(tag) =	ssettag $0x1  }
0x1: {  	s1 =	rddreg [dreg:$0x0]  }
0x2: {  	s0 =	srdreg.scid;
	s2 =	rddreg [dreg:$0x1]  }
0x3: {  	s7 =	stileid.u32;
	s3 =	simm.s32 $0x0;
	s28 =	simm.s32 $0x3  }
0x4: {  	s29 =	simm.s32 $0x50;
	s30 =	simm.s32 $0x7700;
	s31 =	simm.s32 $0x1  }
0x5: {  	s0 =	sand.u32 $0x1, s0;
	[smem:$0x7FF] =	sst s3;
	s6 =	smul.u32 $0x50000, s7  }
0x6: {  	s14 =	smul.u32 $0x14000, s7;
	s4 =	sshll.u32 s0, $0x4;
	_ =	strace $0x8000004A  }
0x7: {  	s11 =	ssub.s32 $0x2, s0;
	s0 =	smul.u32 $0x140000, s0;
	s4 =	sor.u32 s7, s4  }
0x8: {  	s12 =	sshrl.u32 s11, $0x1;
	s6 =	sshrl.u32 s6, $0x2;
	s15 =	sor.u32 $0x2800, s14  }
0x9: {  	s17 =	sadd.s32 $0x5000, s14;
	s18 =	sadd.s32 $0x7800, s14;
	s19 =	sadd.s32 $0xA000, s14  }
0xa: {  	s20 =	sadd.s32 $0xC800, s14;
	s21 =	sadd.s32 $0xF000, s14;
	s22 =	sadd.s32 $0x11800, s14  }
0xb: {  	s5 =	smul.u32 $0x4E2, s4;
	s4 =	sadd.s32 $0x15E00, s1;
	s23 =	ssub.s32 s11, s12  }
0xc: {  	s7 =	sadd.s32 s17, s2;
	s8 =	sadd.s32 s18, s2;
	s9 =	sadd.s32 s19, s2  }
0xd: {  	s10 =	sadd.s32 s20, s2;
	s11 =	sadd.s32 s21, s2;
	s12 =	sadd.s32 s22, s2  }
0xe: {  	s14 =	sadd.s32 s14, s0;
	s24 =	sadd.s32 s0, s15;
	s17 =	sadd.s32 s0, s17  }
0xf: {  	s18 =	sadd.s32 s0, s18;
	s19 =	sadd.s32 s0, s19;
	s25 =	sadd.s32 s0, s20  }
0x10: {  	s26 =	sadd.s32 s0, s21;
	s0 =	sadd.s32 s0, s22;
	s14 =	sshrl.u32 s14, $0x3  }
0x11: {  	s18 =	sshrl.u32 s18, $0x3;
	s21 =	sshrl.u32 s26, $0x3;
	s0 =	sshrl.u32 s0, $0x3  }
0x12: {  	s23 =	smax.u32 s23, $0x1;
	s26 =	simm.s32 $0x0;
	s13 =	sadd.s32 s5, s1  }
0x13: {  	s1 =	sadd.s32 $0x3D000, s1;
	s5 =	sadd.s32 s6, s2;
	s6 =	sadd.s32 s15, s2  }
0x14: {  	s16 =	sadd.s32 $0x2200, s13;
	s13 =	sadd.s32 $0xC000, s13;
	s15 =	sadd.s32 s1, s14  }
0x15: {  	s18 =	sadd.s32 s1, s18;
	s21 =	sadd.s32 s1, s21;
	[dreg:$0x3] =	wrdreg s16  }
0x16: {  	s22 =	sadd.s32 s1, s0;
	[dreg:$0x4] =	wrdreg s13;
	s16 =	sshrl.u32 s24, $0x3  }
0x17: {  	s0 =	simm.s32 $0x2;
	[dreg:$0x5] =	wrdreg s15;
	s13 =	sadd.s32 s1, s16  }
0x18: {  	s24 =	sshrl.u32 s19, $0x3;
	[dreg:$0x6] =	wrdreg s13;
	s13 =	sshrl.u32 s17, $0x3  }
0x19: {  	s19 =	sadd.s32 s1, s24;
	s17 =	sadd.s32 s1, s13;
	s13 =	sshrl.u32 s25, $0x3  }
0x1a: {  	v0 =	vimm.f32 $0.0e+00;
	s24 =	simm.s32 $0x4F00;
	s25 =	simm.s32 $0x4;
	s20 =	sadd.s32 s1, s13  }
.LBB2_1:
0x1b: {  	s1 =	simm.s32 $0x0;
	s13 =	simm.s32 $0x200  }
.LBB2_2:
0x1c: {  	p0 =	sne.s32 s13, $0x9E00;
	[tilespmem:s1+$0x4F70] =	vst v0  }
0x1d: {  	[tilespmem:s1+$0x4F00] =	vst v0  }
0x1e: {  	[tilespmem:s1+$0x4F10] =	vst v0  }
.Ltmp0:
0x1f: {  	[tilespmem:s1+$0x4F20] =	vst v0;
	(pc) =	sbr.rel @p0 .LBB2_2-.Ltmp0, $4  }
0x20: {  	[tilespmem:s1+$0x4F30] =	vst v0  }
0x21: {  	[tilespmem:s1+$0x4F40] =	vst v0  }
0x22: {  	[tilespmem:s1+$0x4F50] =	vst v0  }
0x23: {  	[tilespmem:s1+$0x4F60] =	vst v0;
	s1 =	sshra.s32 s13, $0x2;
	s13 =	sadd.s32 $0x200, s13  }
0x24: {  	[tilespmem:s1+$0x4F70] =	vst v0  }
0x25: {  	[tilespmem:s1+$0x4F00] =	vst v0  }
0x26: {  	[tilespmem:s1+$0x4F10] =	vst v0  }
0x27: {  	[tilespmem:s1+$0x4F20] =	vst v0  }
0x28: {  	[tilespmem:s1+$0x4F30] =	vst v0  }
0x29: {  	[tilespmem:s1+$0x4F40] =	vst v0  }
0x2a: {  	[tilespmem:s1+$0x4F50] =	vst v0  }
0x2b: {  	[tilespmem:s1+$0x4F60] =	vst v0  }
0x2c: {  	[spmem:s5] =	stream.linear.scatter [tilespmem:s24], [sflag:$0x3], $0x2800, $0x38;
	[tilespmem:$0x1DF00] =	vst v63  }
0x2d: {  	_ = 	snop  }
0x2e: {  	[spmem:s6] =	stream.linear.scatter [tilespmem:s24], [sflag:$0x3], $0x2800, $0x38;
	[tilespmem:$0x1DF00] =	vst v63  }
0x2f: {  	_ = 	snop  }
0x30: {  	[spmem:s7] =	stream.linear.scatter [tilespmem:s24], [sflag:$0x3], $0x2800, $0x38;
	[tilespmem:$0x1DF00] =	vst v63  }
0x31: {  	_ = 	snop  }
0x32: {  	[spmem:s8] =	stream.linear.scatter [tilespmem:s24], [sflag:$0x3], $0x2800, $0x38;
	[tilespmem:$0x1DF00] =	vst v63  }
0x33: {  	_ = 	snop  }
0x34: {  	[spmem:s9] =	stream.linear.scatter [tilespmem:s24], [sflag:$0x3], $0x2800, $0x38;
	[tilespmem:$0x1DF00] =	vst v63  }
0x35: {  	_ = 	snop  }
0x36: {  	[spmem:s10] =	stream.linear.scatter [tilespmem:s24], [sflag:$0x3], $0x2800, $0x38;
	[tilespmem:$0x1DF00] =	vst v63  }
0x37: {  	_ = 	snop  }
0x38: {  	[spmem:s11] =	stream.linear.scatter [tilespmem:s24], [sflag:$0x3], $0x2800, $0x38;
	[tilespmem:$0x1DF00] =	vst v63  }
0x39: {  	_ = 	snop  }
0x3a: {  	[spmem:s12] =	stream.linear.scatter [tilespmem:s24], [sflag:$0x3], $0x2800, $0x38;
	[tilespmem:$0x1DF00] =	vst v63  }
0x3b: {  	s15 =	simm.s32 $0x0;
	s13 =	rddreg [dreg:$0x3]  }
0x3c: {  	[tilespmem:s15], [sflag:$0x4] =	stream.linear.gather [hbm4b:s13+s15], $0x2710, $0x38;
	[tilespmem:$0x1DF00] =	vst v63  }
0x3d: {  	_ =	swait.ge [sflag:s25], $0x2710  }
0x3e: {  	[sflag:s25] =	ssyncset.done $0x0  }
0x3f: {  	s14 =	simm.s32 $0x2780;
	s16 =	rddreg [dreg:$0x4];
	[sflag:s25] =	ssyncadd.s32 $0xFFFFD8F0  }
0x40: {  	[tilespmem:s14], [sflag:$0x4] =	stream.linear.gather [hbm4b:s16+s15], $0x2710, $0x38;
	[tilespmem:$0x1DF00] =	vst v63  }
0x41: {  	_ =	swait.ge [sflag:s25], $0x2710  }
0x42: {  	[sflag:s25] =	ssyncset.done $0x0  }
0x43: {  	[sflag:s25] =	ssyncadd.s32 $0xFFFFD8F0  }
0x44: {  	_ =	swait.ge [sflag:s28], $0x2800  }
0x45: {  	[sflag:s28] =	ssyncset.done $0x0  }
0x46: {  	[sflag:s28] =	ssyncadd.s32 $0xFFFFD800  }
0x47: {  	_ =	swait.ge [sflag:s28], $0x2800  }
0x48: {  	[sflag:s28] =	ssyncset.done $0x0  }
0x49: {  	[sflag:s28] =	ssyncadd.s32 $0xFFFFD800  }
0x4a: {  	_ =	swait.ge [sflag:s28], $0x2800  }
0x4b: {  	[sflag:s28] =	ssyncset.done $0x0  }
0x4c: {  	[sflag:s28] =	ssyncadd.s32 $0xFFFFD800  }
0x4d: {  	_ =	swait.ge [sflag:s28], $0x2800  }
0x4e: {  	[sflag:s28] =	ssyncset.done $0x0  }
0x4f: {  	[sflag:s28] =	ssyncadd.s32 $0xFFFFD800  }
0x50: {  	_ =	swait.ge [sflag:s28], $0x2800  }
0x51: {  	[sflag:s28] =	ssyncset.done $0x0  }
0x52: {  	[sflag:s28] =	ssyncadd.s32 $0xFFFFD800  }
0x53: {  	_ =	swait.ge [sflag:s28], $0x2800  }
0x54: {  	[sflag:s28] =	ssyncset.done $0x0  }
0x55: {  	[sflag:s28] =	ssyncadd.s32 $0xFFFFD800  }
0x56: {  	_ =	swait.ge [sflag:s28], $0x2800  }
0x57: {  	[sflag:s28] =	ssyncset.done $0x0  }
0x58: {  	[sflag:s28] =	ssyncadd.s32 $0xFFFFD800  }
0x59: {  	_ =	swait.ge [sflag:s28], $0x2800  }
0x5a: {  	[sflag:s28] =	ssyncset.done $0x0  }
0x5b: {  	[sflag:s28] =	ssyncadd.s32 $0xFFFFD800  }
0x5c: {  	[bflag:$0x0] =	sbarrier.arrive $0xFFFF  }
0x5d: {  	[tilespmem:s24], [sflag:$0x1] =	stream.indirect.gather [hbm4b:s4+s29], $0x80, s15, s29, $0xb8;
	[tilespmem:$0x1DF00] =	vst v63  }
0x5e: {  	s13 =	simm.s32 $0x50  }
0x5f: {  	[tilespmem:s30], [sflag:$0x2] =	stream.indirect.gather [hbm4b:s4+s29], $0x80, s13, s29, $0xb8;
	[tilespmem:$0x1DF00] =	vst v63  }
0x60: {  	_ =	swait.ge [sflag:s31], $0x2800  }
0x61: {  	[sflag:s31] =	ssyncset.done $0x0  }
0x62: {  	s14 =	simm.s32 $0x2780;
	[sflag:s31] =	ssyncadd.s32 $0xFFFFD800  }
0x63: {  	[spmem:s2] =	stream.indirect.scatter.add.f32 [tilespmem:s24], [sflag:$0x4], $0x80, s14, s29, $0xb8;
	[tilespmem:$0x1DF00] =	vst v63  }
0x64: {  	_ =	swait.ge [sflag:s25], $0x2800  }
0x65: {  	[sflag:s25] =	ssyncset.done $0x0  }
0x66: {  	s15 =	simm.s32 $0xA0;
	[sflag:s25] =	ssyncadd.s32 $0xFFFFD800  }
0x67: {  	[tilespmem:s24], [sflag:$0x1] =	stream.indirect.gather [hbm4b:s4+s29], $0x80, s15, s29, $0xb8;
	[tilespmem:$0x1DF00] =	vst v63  }
0x68: {  	_ =	swait.ge [sflag:s0], $0x2800  }
0x69: {  	[sflag:s0] =	ssyncset.done $0x0  }
0x6a: {  	s16 =	simm.s32 $0x27D0;
	[sflag:s0] =	ssyncadd.s32 $0xFFFFD800  }
0x6b: {  	[spmem:s2] =	stream.indirect.scatter.add.f32 [tilespmem:s30], [sflag:$0x4], $0x80, s16, s29, $0xb8;
	[tilespmem:$0x1DF00] =	vst v63  }
0x6c: {  	_ =	swait.ge [sflag:s25], $0x2800  }
0x6d: {  	s1 =	simm.s32 $0xA0;
	s13 =	simm.s32 $0x500;
	[sflag:s25] =	ssyncset.done $0x0  }
.LBB2_4:
0x6e: {  	s14 =	sadd.s32 $0x50, s1  }
0x6f: {  	[sflag:s25] =	ssyncadd.s32 $0xFFFFD800;
	s15 =	smov.u32 s13;
	s16 =	sadd.s32 $0x280, s13  }
0x70: {  	[tilespmem:s30], [sflag:$0x2] =	stream.indirect.gather [hbm4b:s4+s29], $0x80, s14, s29, $0xb8;
	[tilespmem:$0x1DF00] =	vst v63  }
0x71: {  	p0 =	sne.s32 s13, $0x9880;
	_ =	swait.ge [sflag:s31], $0x2800  }
0x72: {  	[sflag:s31] =	ssyncset.done $0x0  }
0x73: {  	s13 =	sadd.s32 $0x2780, s1;
	[sflag:s31] =	ssyncadd.s32 $0xFFFFD800  }
0x74: {  	[spmem:s2] =	stream.indirect.scatter.add.f32 [tilespmem:s24], [sflag:$0x4], $0x80, s13, s29, $0xb8;
	[tilespmem:$0x1DF00] =	vst v63  }
0x75: {  	_ =	swait.ge [sflag:s25], $0x2800  }
0x76: {  	[sflag:s25] =	ssyncset.done $0x0  }
0x77: {  	s13 =	sadd.s32 $0xA0, s1;
	[sflag:s25] =	ssyncadd.s32 $0xFFFFD800  }
0x78: {  	[tilespmem:s24], [sflag:$0x1] =	stream.indirect.gather [hbm4b:s4+s29], $0x80, s13, s29, $0xb8;
	[tilespmem:$0x1DF00] =	vst v63  }
0x79: {  	_ =	swait.ge [sflag:s0], $0x2800  }
.Ltmp1:
0x7a: {  	[sflag:s0] =	ssyncset.done $0x0;
	(pc) =	sbr.rel @p0 .LBB2_4-.Ltmp1, $4  }
0x7b: {  	s1 =	sadd.s32 $0x27D0, s1;
	[sflag:s0] =	ssyncadd.s32 $0xFFFFD800  }
0x7c: {  	[spmem:s2] =	stream.indirect.scatter.add.f32 [tilespmem:s30], [sflag:$0x4], $0x80, s1, s29, $0xb8;
	[tilespmem:$0x1DF00] =	vst v63  }
0x7d: {  	_ =	swait.ge [sflag:s25], $0x2800  }
0x7e: {  	s13 =	smov.u32 s16;
	s1 =	sshra.s32 s15, $0x2;
	[sflag:s25] =	ssyncset.done $0x0  }
0x7f: {  	s13 =	sadd.s32 $0x50, s1;
	[sflag:s25] =	ssyncadd.s32 $0xFFFFD800  }
0x80: {  	[tilespmem:s30], [sflag:$0x2] =	stream.indirect.gather [hbm4b:s4+s29], $0x80, s13, s29, $0xb8;
	[tilespmem:$0x1DF00] =	vst v63  }
0x81: {  	_ =	swait.ge [sflag:s31], $0x2800  }
0x82: {  	[sflag:s31] =	ssyncset.done $0x0  }
0x83: {  	s15 =	sadd.s32 $0x2780, s1;
	[sflag:s31] =	ssyncadd.s32 $0xFFFFD800  }
0x84: {  	[spmem:s2] =	stream.indirect.scatter.add.f32 [tilespmem:s24], [sflag:$0x4], $0x80, s15, s29, $0xb8;
	[tilespmem:$0x1DF00] =	vst v63  }
0x85: {  	_ =	swait.ge [sflag:s25], $0x2800  }
0x86: {  	[sflag:s25] =	ssyncset.done $0x0  }
0x87: {  	s16 =	sadd.s32 $0xA0, s1;
	[sflag:s25] =	ssyncadd.s32 $0xFFFFD800  }
0x88: {  	[tilespmem:s24], [sflag:$0x1] =	stream.indirect.gather [hbm4b:s4+s29], $0x80, s16, s29, $0xb8;
	[tilespmem:$0x1DF00] =	vst v63  }
0x89: {  	_ =	swait.ge [sflag:s0], $0x2800  }
0x8a: {  	[sflag:s0] =	ssyncset.done $0x0  }
0x8b: {  	s13 =	sadd.s32 $0x27D0, s1;
	[sflag:s0] =	ssyncadd.s32 $0xFFFFD800  }
0x8c: {  	[spmem:s2] =	stream.indirect.scatter.add.f32 [tilespmem:s30], [sflag:$0x4], $0x80, s13, s29, $0xb8;
	[tilespmem:$0x1DF00] =	vst v63  }
0x8d: {  	_ =	swait.ge [sflag:s25], $0x2800  }
0x8e: {  	[sflag:s25] =	ssyncset.done $0x0  }
0x8f: {  	[sflag:s25] =	ssyncadd.s32 $0xFFFFD800  }
0x90: {  	_ =	swait.ge [sflag:s31], $0x2800  }
0x91: {  	[sflag:s31] =	ssyncset.done $0x0  }
0x92: {  	s14 =	simm.s32 $0x4E40;
	[sflag:s31] =	ssyncadd.s32 $0xFFFFD800  }
0x93: {  	[spmem:s2] =	stream.indirect.scatter.add.f32 [tilespmem:s24], [sflag:$0x4], $0x80, s14, s29, $0xb8;
	[tilespmem:$0x1DF00] =	vst v63  }
0x94: {  	_ =	swait.ge [sflag:s25], $0x2800  }
0x95: {  	[sflag:s25] =	ssyncset.done $0x0  }
0x96: {  	[sflag:s25] =	ssyncadd.s32 $0xFFFFD800  }
0x97: {  	[bflag:$0x0] =	sbarrier.arrive $0xFFFF  }
0x98: {  	[tilespmem:s24], [sflag:$0x4] =	stream.linear.gather [spmem:s5], $0x2800, $0x38;
	[tilespmem:$0x1DF00] =	vst v63  }
0x99: {  	_ =	swait.ge [sflag:s25], $0x2800  }
0x9a: {  	[sflag:s25] =	ssyncset.done $0x0  }
0x9b: {  	s15 =	rddreg [dreg:$0x5];
	[sflag:s25] =	ssyncadd.s32 $0xFFFFD800  }
0x9c: {  	[hbm4b:s15+s3] =	stream.linear.scatter [tilespmem:s24], [sflag:$0x3], $0x2800, $0x38;
	[tilespmem:$0x1DF00] =	vst v63  }
0x9d: {  	_ = 	snop  }
0x9e: {  	[tilespmem:s30], [sflag:$0x4] =	stream.linear.gather [spmem:s6], $0x2800, $0x38;
	[tilespmem:$0x1DF00] =	vst v63  }
0x9f: {  	_ =	swait.ge [sflag:s25], $0x2800  }
0xa0: {  	[sflag:s25] =	ssyncset.done $0x0  }
0xa1: {  	s16 =	rddreg [dreg:$0x6];
	[sflag:s25] =	ssyncadd.s32 $0xFFFFD800  }
0xa2: {  	[hbm4b:s16+s3] =	stream.linear.scatter [tilespmem:s30], [sflag:$0x3], $0x2800, $0x38;
	[tilespmem:$0x1DF00] =	vst v63  }
0xa3: {  	_ =	swait.ge [sflag:s28], $0x2800  }
0xa4: {  	[sflag:s28] =	ssyncset.done $0x0  }
0xa5: {  	[sflag:s28] =	ssyncadd.s32 $0xFFFFD800  }
0xa6: {  	[tilespmem:s24], [sflag:$0x4] =	stream.linear.gather [spmem:s7], $0x2800, $0x38;
	[tilespmem:$0x1DF00] =	vst v63  }
0xa7: {  	_ =	swait.ge [sflag:s25], $0x2800  }
0xa8: {  	[sflag:s25] =	ssyncset.done $0x0  }
0xa9: {  	[sflag:s25] =	ssyncadd.s32 $0xFFFFD800  }
0xaa: {  	[hbm4b:s17+s3] =	stream.linear.scatter [tilespmem:s24], [sflag:$0x3], $0x2800, $0x38;
	[tilespmem:$0x1DF00] =	vst v63  }
0xab: {  	_ =	swait.ge [sflag:s28], $0x2800  }
0xac: {  	[sflag:s28] =	ssyncset.done $0x0  }
0xad: {  	[sflag:s28] =	ssyncadd.s32 $0xFFFFD800  }
0xae: {  	[tilespmem:s30], [sflag:$0x4] =	stream.linear.gather [spmem:s8], $0x2800, $0x38;
	[tilespmem:$0x1DF00] =	vst v63  }
0xaf: {  	_ =	swait.ge [sflag:s25], $0x2800  }
0xb0: {  	[sflag:s25] =	ssyncset.done $0x0  }
0xb1: {  	[sflag:s25] =	ssyncadd.s32 $0xFFFFD800  }
0xb2: {  	[hbm4b:s18+s3] =	stream.linear.scatter [tilespmem:s30], [sflag:$0x3], $0x2800, $0x38;
	[tilespmem:$0x1DF00] =	vst v63  }
0xb3: {  	_ =	swait.ge [sflag:s28], $0x2800  }
0xb4: {  	[sflag:s28] =	ssyncset.done $0x0  }
0xb5: {  	[sflag:s28] =	ssyncadd.s32 $0xFFFFD800  }
0xb6: {  	[tilespmem:s24], [sflag:$0x4] =	stream.linear.gather [spmem:s9], $0x2800, $0x38;
	[tilespmem:$0x1DF00] =	vst v63  }
0xb7: {  	_ =	swait.ge [sflag:s25], $0x2800  }
0xb8: {  	[sflag:s25] =	ssyncset.done $0x0  }
0xb9: {  	[sflag:s25] =	ssyncadd.s32 $0xFFFFD800  }
0xba: {  	[hbm4b:s19+s3] =	stream.linear.scatter [tilespmem:s24], [sflag:$0x3], $0x2800, $0x38;
	[tilespmem:$0x1DF00] =	vst v63  }
0xbb: {  	_ =	swait.ge [sflag:s28], $0x2800  }
0xbc: {  	[sflag:s28] =	ssyncset.done $0x0  }
0xbd: {  	[sflag:s28] =	ssyncadd.s32 $0xFFFFD800  }
0xbe: {  	[tilespmem:s30], [sflag:$0x4] =	stream.linear.gather [spmem:s10], $0x2800, $0x38;
	[tilespmem:$0x1DF00] =	vst v63  }
0xbf: {  	_ =	swait.ge [sflag:s25], $0x2800  }
0xc0: {  	[sflag:s25] =	ssyncset.done $0x0  }
0xc1: {  	[sflag:s25] =	ssyncadd.s32 $0xFFFFD800  }
0xc2: {  	[hbm4b:s20+s3] =	stream.linear.scatter [tilespmem:s30], [sflag:$0x3], $0x2800, $0x38;
	[tilespmem:$0x1DF00] =	vst v63  }
0xc3: {  	_ =	swait.ge [sflag:s28], $0x2800  }
0xc4: {  	[sflag:s28] =	ssyncset.done $0x0  }
0xc5: {  	[sflag:s28] =	ssyncadd.s32 $0xFFFFD800  }
0xc6: {  	[tilespmem:s24], [sflag:$0x4] =	stream.linear.gather [spmem:s11], $0x2800, $0x38;
	[tilespmem:$0x1DF00] =	vst v63  }
0xc7: {  	_ =	swait.ge [sflag:s25], $0x2800  }
0xc8: {  	[sflag:s25] =	ssyncset.done $0x0  }
0xc9: {  	[sflag:s25] =	ssyncadd.s32 $0xFFFFD800  }
0xca: {  	[hbm4b:s21+s3] =	stream.linear.scatter [tilespmem:s24], [sflag:$0x3], $0x2800, $0x38;
	[tilespmem:$0x1DF00] =	vst v63  }
0xcb: {  	_ =	swait.ge [sflag:s28], $0x2800  }
0xcc: {  	[sflag:s28] =	ssyncset.done $0x0  }
0xcd: {  	[sflag:s28] =	ssyncadd.s32 $0xFFFFD800  }
0xce: {  	[tilespmem:s30], [sflag:$0x4] =	stream.linear.gather [spmem:s12], $0x2800, $0x38;
	[tilespmem:$0x1DF00] =	vst v63  }
0xcf: {  	_ =	swait.ge [sflag:s25], $0x2800  }
0xd0: {  	[sflag:s25] =	ssyncset.done $0x0  }
0xd1: {  	s26 =	sadd.s32 $0x1, s26;
	[sflag:s25] =	ssyncadd.s32 $0xFFFFD800  }
0xd2: {  	[hbm4b:s22+s3] =	stream.linear.scatter [tilespmem:s30], [sflag:$0x3], $0x2800, $0x38;
	[tilespmem:$0x1DF00] =	vst v63  }
0xd3: {  	p0 =	sne.s32 s26, s23;
	_ =	swait.ge [sflag:s28], $0x2800  }
.Ltmp2:
0xd4: {  	[sflag:s28] =	ssyncset.done $0x0;
	(pc) =	sbr.rel @p0 .LBB2_1-.Ltmp2, $4  }
0xd5: {  	[sflag:s28] =	ssyncadd.s32 $0xFFFFD800  }
0xd6: {  	_ =	swait.ge [sflag:s28], $0x2800  }
0xd7: {  	[sflag:s28] =	ssyncset.done $0x0  }
0xd8: {  	[sflag:s28] =	ssyncadd.s32 $0xFFFFD800  }
0xd9: {  	_ =	sfence.sel $0x180000  }
0xda: {  	[bflag:$0x0] =	sbarrier.arrive $0xFFFF  }
0xdb: {  	_ =	strace $0x9000004A  }
0xdc: {  	s0 =	stileid.u32;
	[bflag:$0x2] =	sbarrier.arrive $0xFFFF  }
0xdd: {  	p0 =	sne.s32 s0, $0x0;
	s0 =	rddreg [dreg:$0x2]  }
0xde: {  	s0 =	sadd.s32 @!p0 $0x100000, s0  }
0xdf: {  	[sflag:s0] =	ssyncadd.tile.s32 @!p0 $0x1;
	_ =	shalt  }
.Lfunc_end2:
_tile_overlayer_lowered:
.L_overlay_start_2:
0xe0: {  	(tag) =	ssettag $0x2  }
0xe1: {  	s0 =	rddreg [dreg:$0x0];
	s2 =	stileid.u32  }
0xe2: {  	s1 =	rddreg [dreg:$0x1];
	p0 =	sne.s32 s2, $0x0  }
0xe3: {  	s3 =	rddreg [dreg:$0x2];
	[bflag:$0x3] =	sbarrier.arrive $0xFFFF;
	s2 =	simm.s32 @!p0 $0x1C04  }
0xe4: {  	[timem:s3], [sflag:s2] =	dma.local @!p0 [hbm:s0], s1  }
0xe5: {  	s0 =	simm.s32 @!p0 $0x4  }
0xe6: {  	_ =	swait.ge @!p0 [sflag:s0], s1  }
0xe7: {  	s1 =	ssub.s32 @!p0 $0x0, s1;
	[sflag:s0] =	ssyncset.done @!p0 $0x0  }
0xe8: {  	[sflag:s0] =	ssyncadd.s32 @!p0 s1  }
0xe9: {  	[bflag:$0x3] =	sbarrier.arrive $0xFFFF  }
0xea: {  	_ =	shalt  }

// kernel: kernel.14.cloned.1.call-start
scs
__scs_entry_jumppad:
0x0: {  	(pc) =	sbr.rel $0x88, $3  }
0x1: {  	(tag) =	ssettag $0x0;
	lr =	simm.s32 $0x1  }
0x2: {  	[smem:$0x3F99] =	sst lr;
	_ =	strace $0xD0000000  }
0x3: {  	_ = 	snop  }
0x4: {  	_ = 	snop  }
0x5: {  	_ = 	snop  }
0x6: {  	_ = 	snop  }
0x7: {  	_ = 	snop  }
__scs_overlays_trampoline_lowered:
0x8: {  	[smem:$0x3FA8] =	sst s0  }
0x9: {  	[smem:$0x3FA9] =	sst s1  }
0xa: {  	[smem:$0x3FAA] =	sst s2  }
0xb: {  	[smem:$0x3FAB] =	sst s3  }
0xc: {  	[smem:$0x3FAC] =	sst s4  }
0xd: {  	[smem:$0x3FAD] =	sst s5  }
0xe: {  	[smem:$0x3FAE] =	sst s6  }
0xf: {  	[smem:$0x3FAF] =	sst s7  }
0x10: {  	[smem:$0x3FB0] =	sst s8  }
0x11: {  	[smem:$0x3FB1] =	sst s9;
	s0 =	simm.s32 @!p0 $0x0  }
0x12: {  	s1 =	sld [smem:$0x3F97];
	s0 =	simm.s32 @p0 $0x1  }
0x13: {  	[smem:$0x3FB2] =	sst s0;
	s0 =	simm.s32 @!p1 $0x0  }
0x14: {  	s2 =	sld [smem:$0x3F96];
	s0 =	simm.s32 @p1 $0x1  }
0x15: {  	[smem:$0x3FB3] =	sst s0;
	s0 =	simm.s32 @!p2 $0x0  }
0x16: {  	s3 =	sld [smem:$0x3FDB];
	s0 =	simm.s32 @p2 $0x1  }
0x17: {  	s4 =	simm.s32 $0x1BF5;
	[smem:$0x3FB5] =	sst s0  }
0x18: {  	s0 =	sld [smem:$0x3F98];
	_ =	swait.ge [sflag:s4], $0x0  }
0x19: {  	s7 =	sld [smem:$0x3F99]  }
0x1a: {  	s8 =	sadd.s32 $0xFFFFE003, lr  }
0x1b: {  	s9 =	sadd.s32 $0xFFFFFEF7, lr;
	s5 =	simm.s32 $0xFFFFFFFF;
	p2 =	slt.u32 s8, $0xFFFFF086  }
0x1c: {  	p1 =	slt.u32 s9, $0xF7A;
	s5 =	simm.s32 @!p2 $0x0  }
0x1d: {  	s5 =	simm.s32 @p1 $0x1;
	p0 =	seq.s32 s7, s2  }
0x1e: {  	s7 =	smul.u32 @!p0 $0xF7A, s2;
	p2 =	seq.s32 @!p0 s5, $0x0  }
0x1f: {  	s9 =	smul.u32 $0xF7A, s1;
	s8 =	simm.s32 @!p0 $0x1BF5;
	p2 =	por !p2, p0  }
0x20: {  	[sflag:s8] =	ssyncset.s32 @!p0 $0xFFFFF086;
	s6 =	sadd.s32 @!p0 s3, s7;
	s7 =	simm.s32 @!p0 $0x108  }
0x21: {  	s3 =	sadd.s32 s3, s9;
	s6 =	sadd.s32 @!p0 $0x88, s6;
	s7 =	simm.s32 @p2 $0x1082  }
0x22: {  	[simem:s7], [sflag:s8] =	dma.local @!p0 [hbm:s6], $0xF7A  }
0x23: {  	s9 =	sor.u32 $0xD0000000, s2;
	s6 =	simm.s32 $0x108;
	_ =	swait.ge @!p0 [sflag:s8], $0x0  }
0x24: {  	s3 =	sadd.s32 $0x88, s3;
	s6 =	simm.s32 @!p1 $0x1082;
	[sflag:s4] =	ssyncset.s32 $0xFFFFF086  }
0x25: {  	[simem:s6], [sflag:s4] =	dma.local [hbm:s3], $0xF7A  }
0x26: {  	[smem:$0x3F99] =	sst s1;
	(tag) =	ssettag s2;
	_ =	strace s9  }
0x27: {  	s1 =	sld [smem:$0x3FA9]  }
0x28: {  	s2 =	sld [smem:$0x3FAA]  }
0x29: {  	s4 =	sld [smem:$0x3FAC]  }
0x2a: {  	p0 =	seq.s32 s5, $0x0;
	s5 =	sld [smem:$0x3FAD]  }
0x2b: {  	s6 =	sld [smem:$0x3FAE]  }
0x2c: {  	s7 =	sld [smem:$0x3FAF]  }
0x2d: {  	s3 =	simm.s32 $0x108;
	s8 =	sld [smem:$0x3FB0]  }
0x2e: {  	s3 =	simm.s32 @!p0 $0x1082;
	s9 =	sld [smem:$0x3FB1]  }
0x2f: {  	lr =	sadd.s32 s0, s3;
	s0 =	sld [smem:$0x3FA8]  }
0x30: {  	s3 =	sld [smem:$0x3FAB]  }
0x31: {  	[smem:$0x3FB4] =	sst s10  }
0x32: {  	s10 =	sld [smem:$0x3FB2];
	_ =	sdelay $0x3  }
0x33: {  	p0 =	seq.s32 s10, $0x1;
	s10 =	sld [smem:$0x3FB4];
	_ =	sdelay $0x3  }
0x34: {  	[smem:$0x3FB4] =	sst s10  }
0x35: {  	s10 =	sld [smem:$0x3FB3];
	_ =	sdelay $0x3  }
0x36: {  	p1 =	seq.s32 s10, $0x1;
	s10 =	sld [smem:$0x3FB4];
	_ =	sdelay $0x3  }
0x37: {  	[smem:$0x3FB4] =	sst s10  }
0x38: {  	s10 =	sld [smem:$0x3FB5]  }
0x39: {  	_ = 	snop;
	(pc) =	sbr.ind lr, $3  }
0x3a: {  	_ = 	snop  }
0x3b: {  	_ = 	snop  }
0x3c: {  	p2 =	seq.s32 s10, $0x1;
	s10 =	sld [smem:$0x3FB4]  }
0x3d: {  	_ =	shalt  }
0x3e: {  	_ =	shalt  }
0x3f: {  	_ =	shalt  }
0x40: {  	_ =	shalt  }
0x41: {  	_ =	shalt  }
0x42: {  	_ =	shalt  }
0x43: {  	_ =	shalt  }
0x44: {  	_ =	shalt  }
0x45: {  	_ =	shalt  }
0x46: {  	_ =	shalt  }
0x47: {  	_ =	shalt  }
0x48: {  	_ =	shalt  }
0x49: {  	_ =	shalt  }
0x4a: {  	_ =	shalt  }
0x4b: {  	_ =	shalt  }
0x4c: {  	_ =	shalt  }
0x4d: {  	_ =	shalt  }
0x4e: {  	_ =	shalt  }
0x4f: {  	_ =	shalt  }
0x50: {  	_ =	shalt  }
0x51: {  	_ =	shalt  }
0x52: {  	_ =	shalt  }
0x53: {  	_ =	shalt  }
0x54: {  	_ =	shalt  }
0x55: {  	_ =	shalt  }
0x56: {  	_ =	shalt  }
0x57: {  	_ =	shalt  }
0x58: {  	_ =	shalt  }
0x59: {  	_ =	shalt  }
0x5a: {  	_ =	shalt  }
0x5b: {  	_ =	shalt  }
0x5c: {  	_ =	shalt  }
0x5d: {  	_ =	shalt  }
0x5e: {  	_ =	shalt  }
0x5f: {  	_ =	shalt  }
0x60: {  	_ =	shalt  }
0x61: {  	_ =	shalt  }
0x62: {  	_ =	shalt  }
0x63: {  	_ =	shalt  }
0x64: {  	_ =	shalt  }
0x65: {  	_ =	shalt  }
0x66: {  	_ =	shalt  }
0x67: {  	_ =	shalt  }
0x68: {  	_ =	shalt  }
0x69: {  	_ =	shalt  }
0x6a: {  	_ =	shalt  }
0x6b: {  	_ =	shalt  }
0x6c: {  	_ =	shalt  }
0x6d: {  	_ =	shalt  }
0x6e: {  	_ =	shalt  }
0x6f: {  	_ =	shalt  }
0x70: {  	_ =	shalt  }
0x71: {  	_ =	shalt  }
0x72: {  	_ =	shalt  }
0x73: {  	_ =	shalt  }
0x74: {  	_ =	shalt  }
0x75: {  	_ =	shalt  }
0x76: {  	_ =	shalt  }
0x77: {  	_ =	shalt  }
0x78: {  	_ =	shalt  }
0x79: {  	_ =	shalt  }
0x7a: {  	_ =	shalt  }
0x7b: {  	_ =	shalt  }
0x7c: {  	_ =	shalt  }
0x7d: {  	_ =	shalt  }
0x7e: {  	_ =	shalt  }
0x7f: {  	_ =	shalt  }
0x80: {  	_ =	shalt  }
0x81: {  	_ =	shalt  }
0x82: {  	_ =	shalt  }
0x83: {  	_ =	shalt  }
0x84: {  	_ =	shalt  }
0x85: {  	_ =	shalt  }
0x86: {  	_ =	shalt  }
0x87: {  	_ =	shalt  }
.Lfunc_end0:
.L_simem_size_0:
called_computation.2_lowered:
.L_overlay_start_0:
0x88: {  	s2 =	sld [smem:$0x3FD9]  }
0x89: {  	s3 =	sld [smem:$0x3FFE];
	_ =	sdelay $0x1  }
0x8a: {  	s1 =	srdreg.scid  }
0x8b: {  	s0 =	sand.u32 $0x1, s1  }
0x8c: {  	s16 =	sshll.u32 s0, $0xA;
	s2 =	sadd.s32 s3, s2  }
0x8d: {  	s2 =	sadd.s32 s2, s16  }
0x8e: {  	[smem:$0x3FC0] =	sst s2  }
0x8f: {  	_ = 	snop  }
0x90: {  	(tm) =	ssettm $0x1  }
0x91: {  	s17 =	sld [smem:$0x3FFB];
	_ =	sdelay $0x3  }
0x92: {  	_ =	strace s17  }
0x93: {  	s2 =	sld [smem:$0x3FFC];
	_ =	sdelay $0x3  }
0x94: {  	_ =	strace s2  }
0x95: {  	s2 =	sld [smem:$0x3FFD];
	_ =	sdelay $0x3  }
0x96: {  	_ =	strace s2  }
0x97: {  	_ =	strace $0x8FFFFFFF  }
0x98: {  	s18 =	sld [smem:$0x3FDB];
	_ =	sdelay $0x1  }
0x99: {  	s19 =	simm.s32 $_scs_section_size  }
0x9a: {  	s4 =	simm.s32 $_size__tile_overlayer_lowered;
	s5 =	simm.s32 $_tile_overlayer_lowered  }
0x9b: {  	s22 =	simm.s32 $0x1BFF;
	s21 =	sshll.u32 s5, $0x1;
	s2 =	sadd.s32 s19, s18  }
0x9c: {  	s6 =	simm.s32 $0x0;
	s20 =	sshll.u32 s4, $0x1;
	s4 =	sadd.s32 s21, s2  }
0x9d: {  	[timem:s6], [sflag:s22] =	dma.local [hbm:s4], s20  }
0x9e: {  	_ =	swait.ge [sflag:s22], s20  }
0x9f: {  	s3 =	ssub.s32 $0x0, s20;
	[sflag:s22] =	ssyncset.done $0x0  }
0xa0: {  	[sflag:s22] =	ssyncadd.s32 s3;
	_ =	sdelay $0x1  }
0xa1: {  	s23 =	simm.s32 $0x1B8B  }
0xa2: {  	_ =	swait.ge [sflag:s23], $0x1  }
0xa3: {  	[sflag:s23] =	ssyncset.done $0x0  }
0xa4: {  	s25 =	simm.s32 $0x1B8E;
	s24 =	sld [smem:$0x3FFE];
	[sflag:s23] =	ssyncadd.s32 $0xFFFFFFFF  }
0xa5: {  	s26 =	simm.s32 $execute0_lowered;
	[smem:$0x3FD2] =	sst s25  }
0xa6: {  	s4 =	sshll.u32 s26, $0x1;
	_ =	strace $0x8000004C;
	[dreg:$0x1] =	wrdreg $0xFFFFFFFF  }
0xa7: {  	s28 =	simm.s32 $_size_execute0_lowered;
	s2 =	sadd.s32 s2, s4;
	[dreg:$0x0] =	wrdreg $0x0  }
0xa8: {  	s4 =	sshll.u32 s28, $0x1;
	[dreg:$0x2] =	wrdreg s2  }
0xa9: {  	[dreg:$0x3] =	wrdreg s4  }
0xaa: {  	[dreg:$0x4] =	wrdreg $0xC0  }
0xab: {  	_ =	task [dreg:s6], $0x5FFFF  }
0xac: {  	[dreg:$0x1] =	wrdreg $0xFFFFFFFF  }
0xad: {  	[dreg:$0x0] =	wrdreg $0x60  }
0xae: {  	[dreg:$0x2] =	wrdreg s24  }
0xaf: {  	[dreg:$0x3] =	wrdreg $0x9F000  }
0xb0: {  	[dreg:$0x4] =	wrdreg $0x9  }
0xb1: {  	_ =	task.clear_ibuf [dreg:s6], $0x5FFFF;
	_ =	strace $0x9000004C  }
0xb2: {  	s29 =	simm.s32 $0x9;
	_ =	strace $0x8000004E  }
0xb3: {  	_ =	swait.ge [sflag:s29], $0x1  }
0xb4: {  	[sflag:s29] =	ssyncadd.s32 $0xFFFFFFFF  }
0xb5: {  	_ =	strace $0x9000004E  }
0xb6: {  	_ =	sfence  }
0xb7: {  	s30 =	sld [smem:$0x0];
	_ =	sdelay $0x2  }
0xb8: {  	s31 =	sshll.u32 s1, $0xD;
	s1 =	sshrl.u32 s1, $0x2  }
0xb9: {  	s3 =	sand.u32 $0x4000, s31;
	s1 =	sadd.s32 s1, s30  }
0xba: {  	s0 =	sor.u32 s3, s0;
	s1 =	sshll.u32 s1, $0x11  }
0xbb: {  	s0 =	sor.u32 s1, s0  }
0xbc: {  	s0 =	sadd.s32 $0x8F2B, s0  }
0xbd: {  	[sflag:s0] =	ssyncadd.remote.s32 $0x1  }
0xbe: {  	_ =	sfence.sel $0xFFFF  }
0xbf: {  	[dreg:$0x0] =	wrdreg $0xFFFFFFFF;
	(pc) =	sbr.abs _section_cstart, $3  }
0xc0: {  	[dreg:$0x1] =	wrdreg $0xFFFFFFFF  }
0xc1: {  	_ =	task.clear_ibuf [dreg:s6], $0x2FFFF;
	_ =	strace $0x9FFFFFFF  }
0xc2: {  	(tm) =	ssettm $0x7FFFFFFF  }
0xc3: {  	_ =	shalt  }
tec
execute0_lowered:
.L_overlay_start_1:
0x0: {  	(tag) =	ssettag $0x1  }
0x1: {  	s1 =	rddreg [dreg:$0x0]  }
0x2: {  	s0 =	srdreg.scid;
	s2 =	rddreg [dreg:$0x1]  }
0x3: {  	s7 =	stileid.u32;
	s3 =	simm.s32 $0x0;
	s28 =	simm.s32 $0x3  }
0x4: {  	s29 =	simm.s32 $0x50;
	s30 =	simm.s32 $0x7700;
	s31 =	simm.s32 $0x1  }
0x5: {  	s0 =	sand.u32 $0x1, s0;
	[smem:$0x7FF] =	sst s3;
	s6 =	smul.u32 $0x50000, s7  }
0x6: {  	s14 =	smul.u32 $0x14000, s7;
	s4 =	sshll.u32 s0, $0x4;
	_ =	strace $0x8000004D  }
0x7: {  	s11 =	ssub.s32 $0x2, s0;
	s0 =	smul.u32 $0x140000, s0;
	s4 =	sor.u32 s7, s4  }
0x8: {  	s12 =	sshrl.u32 s11, $0x1;
	s6 =	sshrl.u32 s6, $0x2;
	s15 =	sor.u32 $0x2800, s14  }
0x9: {  	s17 =	sadd.s32 $0x5000, s14;
	s18 =	sadd.s32 $0x7800, s14;
	s19 =	sadd.s32 $0xA000, s14  }
0xa: {  	s20 =	sadd.s32 $0xC800, s14;
	s21 =	sadd.s32 $0xF000, s14;
	s22 =	sadd.s32 $0x11800, s14  }
0xb: {  	s5 =	smul.u32 $0x4E2, s4;
	s4 =	sadd.s32 $0x15E00, s1;
	s23 =	ssub.s32 s11, s12  }
0xc: {  	s7 =	sadd.s32 s17, s2;
	s8 =	sadd.s32 s18, s2;
	s9 =	sadd.s32 s19, s2  }
0xd: {  	s10 =	sadd.s32 s20, s2;
	s11 =	sadd.s32 s21, s2;
	s12 =	sadd.s32 s22, s2  }
0xe: {  	s14 =	sadd.s32 s14, s0;
	s24 =	sadd.s32 s0, s15;
	s17 =	sadd.s32 s0, s17  }
0xf: {  	s18 =	sadd.s32 s0, s18;
	s19 =	sadd.s32 s0, s19;
	s25 =	sadd.s32 s0, s20  }
0x10: {  	s26 =	sadd.s32 s0, s21;
	s0 =	sadd.s32 s0, s22;
	s14 =	sshrl.u32 s14, $0x3  }
0x11: {  	s18 =	sshrl.u32 s18, $0x3;
	s21 =	sshrl.u32 s26, $0x3;
	s0 =	sshrl.u32 s0, $0x3  }
0x12: {  	s23 =	smax.u32 s23, $0x1;
	s26 =	simm.s32 $0x0;
	s13 =	sadd.s32 s5, s1  }
0x13: {  	s1 =	sadd.s32 $0x3D000, s1;
	s5 =	sadd.s32 s6, s2;
	s6 =	sadd.s32 s15, s2  }
0x14: {  	s16 =	sadd.s32 $0x2200, s13;
	s13 =	sadd.s32 $0xC000, s13;
	s15 =	sadd.s32 s1, s14  }
0x15: {  	s18 =	sadd.s32 s1, s18;
	s21 =	sadd.s32 s1, s21;
	[dreg:$0x3] =	wrdreg s16  }
0x16: {  	s22 =	sadd.s32 s1, s0;
	[dreg:$0x4] =	wrdreg s13;
	s16 =	sshrl.u32 s24, $0x3  }
0x17: {  	s0 =	simm.s32 $0x2;
	[dreg:$0x5] =	wrdreg s15;
	s13 =	sadd.s32 s1, s16  }
0x18: {  	s24 =	sshrl.u32 s19, $0x3;
	[dreg:$0x6] =	wrdreg s13;
	s13 =	sshrl.u32 s17, $0x3  }
0x19: {  	s19 =	sadd.s32 s1, s24;
	s17 =	sadd.s32 s1, s13;
	s13 =	sshrl.u32 s25, $0x3  }
0x1a: {  	v0 =	vimm.f32 $0.0e+00;
	s24 =	simm.s32 $0x4F00;
	s25 =	simm.s32 $0x4;
	s20 =	sadd.s32 s1, s13  }
.LBB2_1:
0x1b: {  	s1 =	simm.s32 $0x0;
	s13 =	simm.s32 $0x200  }
.LBB2_2:
0x1c: {  	p0 =	sne.s32 s13, $0x9E00;
	[tilespmem:s1+$0x4F70] =	vst v0  }
0x1d: {  	[tilespmem:s1+$0x4F00] =	vst v0  }
0x1e: {  	[tilespmem:s1+$0x4F10] =	vst v0  }
.Ltmp0:
0x1f: {  	[tilespmem:s1+$0x4F20] =	vst v0;
	(pc) =	sbr.rel @p0 .LBB2_2-.Ltmp0, $4  }
0x20: {  	[tilespmem:s1+$0x4F30] =	vst v0  }
0x21: {  	[tilespmem:s1+$0x4F40] =	vst v0  }
0x22: {  	[tilespmem:s1+$0x4F50] =	vst v0  }
0x23: {  	[tilespmem:s1+$0x4F60] =	vst v0;
	s1 =	sshra.s32 s13, $0x2;
	s13 =	sadd.s32 $0x200, s13  }
0x24: {  	[tilespmem:s1+$0x4F70] =	vst v0  }
0x25: {  	[tilespmem:s1+$0x4F00] =	vst v0  }
0x26: {  	[tilespmem:s1+$0x4F10] =	vst v0  }
0x27: {  	[tilespmem:s1+$0x4F20] =	vst v0  }
0x28: {  	[tilespmem:s1+$0x4F30] =	vst v0  }
0x29: {  	[tilespmem:s1+$0x4F40] =	vst v0  }
0x2a: {  	[tilespmem:s1+$0x4F50] =	vst v0  }
0x2b: {  	[tilespmem:s1+$0x4F60] =	vst v0  }
0x2c: {  	[spmem:s5] =	stream.linear.scatter [tilespmem:s24], [sflag:$0x3], $0x2800, $0x38;
	[tilespmem:$0x1DF00] =	vst v63  }
0x2d: {  	_ = 	snop  }
0x2e: {  	[spmem:s6] =	stream.linear.scatter [tilespmem:s24], [sflag:$0x3], $0x2800, $0x38;
	[tilespmem:$0x1DF00] =	vst v63  }
0x2f: {  	_ = 	snop  }
0x30: {  	[spmem:s7] =	stream.linear.scatter [tilespmem:s24], [sflag:$0x3], $0x2800, $0x38;
	[tilespmem:$0x1DF00] =	vst v63  }
0x31: {  	_ = 	snop  }
0x32: {  	[spmem:s8] =	stream.linear.scatter [tilespmem:s24], [sflag:$0x3], $0x2800, $0x38;
	[tilespmem:$0x1DF00] =	vst v63  }
0x33: {  	_ = 	snop  }
0x34: {  	[spmem:s9] =	stream.linear.scatter [tilespmem:s24], [sflag:$0x3], $0x2800, $0x38;
	[tilespmem:$0x1DF00] =	vst v63  }
0x35: {  	_ = 	snop  }
0x36: {  	[spmem:s10] =	stream.linear.scatter [tilespmem:s24], [sflag:$0x3], $0x2800, $0x38;
	[tilespmem:$0x1DF00] =	vst v63  }
0x37: {  	_ = 	snop  }
0x38: {  	[spmem:s11] =	stream.linear.scatter [tilespmem:s24], [sflag:$0x3], $0x2800, $0x38;
	[tilespmem:$0x1DF00] =	vst v63  }
0x39: {  	_ = 	snop  }
0x3a: {  	[spmem:s12] =	stream.linear.scatter [tilespmem:s24], [sflag:$0x3], $0x2800, $0x38;
	[tilespmem:$0x1DF00] =	vst v63  }
0x3b: {  	s15 =	simm.s32 $0x0;
	s13 =	rddreg [dreg:$0x3]  }
0x3c: {  	[tilespmem:s15], [sflag:$0x4] =	stream.linear.gather [hbm4b:s13+s15], $0x2710, $0x38;
	[tilespmem:$0x1DF00] =	vst v63  }
0x3d: {  	_ =	swait.ge [sflag:s25], $0x2710  }
0x3e: {  	[sflag:s25] =	ssyncset.done $0x0  }
0x3f: {  	s14 =	simm.s32 $0x2780;
	s16 =	rddreg [dreg:$0x4];
	[sflag:s25] =	ssyncadd.s32 $0xFFFFD8F0  }
0x40: {  	[tilespmem:s14], [sflag:$0x4] =	stream.linear.gather [hbm4b:s16+s15], $0x2710, $0x38;
	[tilespmem:$0x1DF00] =	vst v63  }
0x41: {  	_ =	swait.ge [sflag:s25], $0x2710  }
0x42: {  	[sflag:s25] =	ssyncset.done $0x0  }
0x43: {  	[sflag:s25] =	ssyncadd.s32 $0xFFFFD8F0  }
0x44: {  	_ =	swait.ge [sflag:s28], $0x2800  }
0x45: {  	[sflag:s28] =	ssyncset.done $0x0  }
0x46: {  	[sflag:s28] =	ssyncadd.s32 $0xFFFFD800  }
0x47: {  	_ =	swait.ge [sflag:s28], $0x2800  }
0x48: {  	[sflag:s28] =	ssyncset.done $0x0  }
0x49: {  	[sflag:s28] =	ssyncadd.s32 $0xFFFFD800  }
0x4a: {  	_ =	swait.ge [sflag:s28], $0x2800  }
0x4b: {  	[sflag:s28] =	ssyncset.done $0x0  }
0x4c: {  	[sflag:s28] =	ssyncadd.s32 $0xFFFFD800  }
0x4d: {  	_ =	swait.ge [sflag:s28], $0x2800  }
0x4e: {  	[sflag:s28] =	ssyncset.done $0x0  }
0x4f: {  	[sflag:s28] =	ssyncadd.s32 $0xFFFFD800  }
0x50: {  	_ =	swait.ge [sflag:s28], $0x2800  }
0x51: {  	[sflag:s28] =	ssyncset.done $0x0  }
0x52: {  	[sflag:s28] =	ssyncadd.s32 $0xFFFFD800  }
0x53: {  	_ =	swait.ge [sflag:s28], $0x2800  }
0x54: {  	[sflag:s28] =	ssyncset.done $0x0  }
0x55: {  	[sflag:s28] =	ssyncadd.s32 $0xFFFFD800  }
0x56: {  	_ =	swait.ge [sflag:s28], $0x2800  }
0x57: {  	[sflag:s28] =	ssyncset.done $0x0  }
0x58: {  	[sflag:s28] =	ssyncadd.s32 $0xFFFFD800  }
0x59: {  	_ =	swait.ge [sflag:s28], $0x2800  }
0x5a: {  	[sflag:s28] =	ssyncset.done $0x0  }
0x5b: {  	[sflag:s28] =	ssyncadd.s32 $0xFFFFD800  }
0x5c: {  	[bflag:$0x0] =	sbarrier.arrive $0xFFFF  }
0x5d: {  	[tilespmem:s24], [sflag:$0x1] =	stream.indirect.gather [hbm4b:s4+s29], $0x80, s15, s29, $0xb8;
	[tilespmem:$0x1DF00] =	vst v63  }
0x5e: {  	s13 =	simm.s32 $0x50  }
0x5f: {  	[tilespmem:s30], [sflag:$0x2] =	stream.indirect.gather [hbm4b:s4+s29], $0x80, s13, s29, $0xb8;
	[tilespmem:$0x1DF00] =	vst v63  }
0x60: {  	_ =	swait.ge [sflag:s31], $0x2800  }
0x61: {  	[sflag:s31] =	ssyncset.done $0x0  }
0x62: {  	s14 =	simm.s32 $0x2780;
	[sflag:s31] =	ssyncadd.s32 $0xFFFFD800  }
0x63: {  	[spmem:s2] =	stream.indirect.scatter.add.f32 [tilespmem:s24], [sflag:$0x4], $0x80, s14, s29, $0xb8;
	[tilespmem:$0x1DF00] =	vst v63  }
0x64: {  	_ =	swait.ge [sflag:s25], $0x2800  }
0x65: {  	[sflag:s25] =	ssyncset.done $0x0  }
0x66: {  	s15 =	simm.s32 $0xA0;
	[sflag:s25] =	ssyncadd.s32 $0xFFFFD800  }
0x67: {  	[tilespmem:s24], [sflag:$0x1] =	stream.indirect.gather [hbm4b:s4+s29], $0x80, s15, s29, $0xb8;
	[tilespmem:$0x1DF00] =	vst v63  }
0x68: {  	_ =	swait.ge [sflag:s0], $0x2800  }
0x69: {  	[sflag:s0] =	ssyncset.done $0x0  }
0x6a: {  	s16 =	simm.s32 $0x27D0;
	[sflag:s0] =	ssyncadd.s32 $0xFFFFD800  }
0x6b: {  	[spmem:s2] =	stream.indirect.scatter.add.f32 [tilespmem:s30], [sflag:$0x4], $0x80, s16, s29, $0xb8;
	[tilespmem:$0x1DF00] =	vst v63  }
0x6c: {  	_ =	swait.ge [sflag:s25], $0x2800  }
0x6d: {  	s1 =	simm.s32 $0xA0;
	s13 =	simm.s32 $0x500;
	[sflag:s25] =	ssyncset.done $0x0  }
.LBB2_4:
0x6e: {  	s14 =	sadd.s32 $0x50, s1  }
0x6f: {  	[sflag:s25] =	ssyncadd.s32 $0xFFFFD800;
	s15 =	smov.u32 s13;
	s16 =	sadd.s32 $0x280, s13  }
0x70: {  	[tilespmem:s30], [sflag:$0x2] =	stream.indirect.gather [hbm4b:s4+s29], $0x80, s14, s29, $0xb8;
	[tilespmem:$0x1DF00] =	vst v63  }
0x71: {  	p0 =	sne.s32 s13, $0x9880;
	_ =	swait.ge [sflag:s31], $0x2800  }
0x72: {  	[sflag:s31] =	ssyncset.done $0x0  }
0x73: {  	s13 =	sadd.s32 $0x2780, s1;
	[sflag:s31] =	ssyncadd.s32 $0xFFFFD800  }
0x74: {  	[spmem:s2] =	stream.indirect.scatter.add.f32 [tilespmem:s24], [sflag:$0x4], $0x80, s13, s29, $0xb8;
	[tilespmem:$0x1DF00] =	vst v63  }
0x75: {  	_ =	swait.ge [sflag:s25], $0x2800  }
0x76: {  	[sflag:s25] =	ssyncset.done $0x0  }
0x77: {  	s13 =	sadd.s32 $0xA0, s1;
	[sflag:s25] =	ssyncadd.s32 $0xFFFFD800  }
0x78: {  	[tilespmem:s24], [sflag:$0x1] =	stream.indirect.gather [hbm4b:s4+s29], $0x80, s13, s29, $0xb8;
	[tilespmem:$0x1DF00] =	vst v63  }
0x79: {  	_ =	swait.ge [sflag:s0], $0x2800  }
.Ltmp1:
0x7a: {  	[sflag:s0] =	ssyncset.done $0x0;
	(pc) =	sbr.rel @p0 .LBB2_4-.Ltmp1, $4  }
0x7b: {  	s1 =	sadd.s32 $0x27D0, s1;
	[sflag:s0] =	ssyncadd.s32 $0xFFFFD800  }
0x7c: {  	[spmem:s2] =	stream.indirect.scatter.add.f32 [tilespmem:s30], [sflag:$0x4], $0x80, s1, s29, $0xb8;
	[tilespmem:$0x1DF00] =	vst v63  }
0x7d: {  	_ =	swait.ge [sflag:s25], $0x2800  }
0x7e: {  	s13 =	smov.u32 s16;
	s1 =	sshra.s32 s15, $0x2;
	[sflag:s25] =	ssyncset.done $0x0  }
0x7f: {  	s13 =	sadd.s32 $0x50, s1;
	[sflag:s25] =	ssyncadd.s32 $0xFFFFD800  }
0x80: {  	[tilespmem:s30], [sflag:$0x2] =	stream.indirect.gather [hbm4b:s4+s29], $0x80, s13, s29, $0xb8;
	[tilespmem:$0x1DF00] =	vst v63  }
0x81: {  	_ =	swait.ge [sflag:s31], $0x2800  }
0x82: {  	[sflag:s31] =	ssyncset.done $0x0  }
0x83: {  	s15 =	sadd.s32 $0x2780, s1;
	[sflag:s31] =	ssyncadd.s32 $0xFFFFD800  }
0x84: {  	[spmem:s2] =	stream.indirect.scatter.add.f32 [tilespmem:s24], [sflag:$0x4], $0x80, s15, s29, $0xb8;
	[tilespmem:$0x1DF00] =	vst v63  }
0x85: {  	_ =	swait.ge [sflag:s25], $0x2800  }
0x86: {  	[sflag:s25] =	ssyncset.done $0x0  }
0x87: {  	s16 =	sadd.s32 $0xA0, s1;
	[sflag:s25] =	ssyncadd.s32 $0xFFFFD800  }
0x88: {  	[tilespmem:s24], [sflag:$0x1] =	stream.indirect.gather [hbm4b:s4+s29], $0x80, s16, s29, $0xb8;
	[tilespmem:$0x1DF00] =	vst v63  }
0x89: {  	_ =	swait.ge [sflag:s0], $0x2800  }
0x8a: {  	[sflag:s0] =	ssyncset.done $0x0  }
0x8b: {  	s13 =	sadd.s32 $0x27D0, s1;
	[sflag:s0] =	ssyncadd.s32 $0xFFFFD800  }
0x8c: {  	[spmem:s2] =	stream.indirect.scatter.add.f32 [tilespmem:s30], [sflag:$0x4], $0x80, s13, s29, $0xb8;
	[tilespmem:$0x1DF00] =	vst v63  }
0x8d: {  	_ =	swait.ge [sflag:s25], $0x2800  }
0x8e: {  	[sflag:s25] =	ssyncset.done $0x0  }
0x8f: {  	[sflag:s25] =	ssyncadd.s32 $0xFFFFD800  }
0x90: {  	_ =	swait.ge [sflag:s31], $0x2800  }
0x91: {  	[sflag:s31] =	ssyncset.done $0x0  }
0x92: {  	s14 =	simm.s32 $0x4E40;
	[sflag:s31] =	ssyncadd.s32 $0xFFFFD800  }
0x93: {  	[spmem:s2] =	stream.indirect.scatter.add.f32 [tilespmem:s24], [sflag:$0x4], $0x80, s14, s29, $0xb8;
	[tilespmem:$0x1DF00] =	vst v63  }
0x94: {  	_ =	swait.ge [sflag:s25], $0x2800  }
0x95: {  	[sflag:s25] =	ssyncset.done $0x0  }
0x96: {  	[sflag:s25] =	ssyncadd.s32 $0xFFFFD800  }
0x97: {  	[bflag:$0x0] =	sbarrier.arrive $0xFFFF  }
0x98: {  	[tilespmem:s24], [sflag:$0x4] =	stream.linear.gather [spmem:s5], $0x2800, $0x38;
	[tilespmem:$0x1DF00] =	vst v63  }
0x99: {  	_ =	swait.ge [sflag:s25], $0x2800  }
0x9a: {  	[sflag:s25] =	ssyncset.done $0x0  }
0x9b: {  	s15 =	rddreg [dreg:$0x5];
	[sflag:s25] =	ssyncadd.s32 $0xFFFFD800  }
0x9c: {  	[hbm4b:s15+s3] =	stream.linear.scatter [tilespmem:s24], [sflag:$0x3], $0x2800, $0x38;
	[tilespmem:$0x1DF00] =	vst v63  }
0x9d: {  	_ = 	snop  }
0x9e: {  	[tilespmem:s30], [sflag:$0x4] =	stream.linear.gather [spmem:s6], $0x2800, $0x38;
	[tilespmem:$0x1DF00] =	vst v63  }
0x9f: {  	_ =	swait.ge [sflag:s25], $0x2800  }
0xa0: {  	[sflag:s25] =	ssyncset.done $0x0  }
0xa1: {  	s16 =	rddreg [dreg:$0x6];
	[sflag:s25] =	ssyncadd.s32 $0xFFFFD800  }
0xa2: {  	[hbm4b:s16+s3] =	stream.linear.scatter [tilespmem:s30], [sflag:$0x3], $0x2800, $0x38;
	[tilespmem:$0x1DF00] =	vst v63  }
0xa3: {  	_ =	swait.ge [sflag:s28], $0x2800  }
0xa4: {  	[sflag:s28] =	ssyncset.done $0x0  }
0xa5: {  	[sflag:s28] =	ssyncadd.s32 $0xFFFFD800  }
0xa6: {  	[tilespmem:s24], [sflag:$0x4] =	stream.linear.gather [spmem:s7], $0x2800, $0x38;
	[tilespmem:$0x1DF00] =	vst v63  }
0xa7: {  	_ =	swait.ge [sflag:s25], $0x2800  }
0xa8: {  	[sflag:s25] =	ssyncset.done $0x0  }
0xa9: {  	[sflag:s25] =	ssyncadd.s32 $0xFFFFD800  }
0xaa: {  	[hbm4b:s17+s3] =	stream.linear.scatter [tilespmem:s24], [sflag:$0x3], $0x2800, $0x38;
	[tilespmem:$0x1DF00] =	vst v63  }
0xab: {  	_ =	swait.ge [sflag:s28], $0x2800  }
0xac: {  	[sflag:s28] =	ssyncset.done $0x0  }
0xad: {  	[sflag:s28] =	ssyncadd.s32 $0xFFFFD800  }
0xae: {  	[tilespmem:s30], [sflag:$0x4] =	stream.linear.gather [spmem:s8], $0x2800, $0x38;
	[tilespmem:$0x1DF00] =	vst v63  }
0xaf: {  	_ =	swait.ge [sflag:s25], $0x2800  }
0xb0: {  	[sflag:s25] =	ssyncset.done $0x0  }
0xb1: {  	[sflag:s25] =	ssyncadd.s32 $0xFFFFD800  }
0xb2: {  	[hbm4b:s18+s3] =	stream.linear.scatter [tilespmem:s30], [sflag:$0x3], $0x2800, $0x38;
	[tilespmem:$0x1DF00] =	vst v63  }
0xb3: {  	_ =	swait.ge [sflag:s28], $0x2800  }
0xb4: {  	[sflag:s28] =	ssyncset.done $0x0  }
0xb5: {  	[sflag:s28] =	ssyncadd.s32 $0xFFFFD800  }
0xb6: {  	[tilespmem:s24], [sflag:$0x4] =	stream.linear.gather [spmem:s9], $0x2800, $0x38;
	[tilespmem:$0x1DF00] =	vst v63  }
0xb7: {  	_ =	swait.ge [sflag:s25], $0x2800  }
0xb8: {  	[sflag:s25] =	ssyncset.done $0x0  }
0xb9: {  	[sflag:s25] =	ssyncadd.s32 $0xFFFFD800  }
0xba: {  	[hbm4b:s19+s3] =	stream.linear.scatter [tilespmem:s24], [sflag:$0x3], $0x2800, $0x38;
	[tilespmem:$0x1DF00] =	vst v63  }
0xbb: {  	_ =	swait.ge [sflag:s28], $0x2800  }
0xbc: {  	[sflag:s28] =	ssyncset.done $0x0  }
0xbd: {  	[sflag:s28] =	ssyncadd.s32 $0xFFFFD800  }
0xbe: {  	[tilespmem:s30], [sflag:$0x4] =	stream.linear.gather [spmem:s10], $0x2800, $0x38;
	[tilespmem:$0x1DF00] =	vst v63  }
0xbf: {  	_ =	swait.ge [sflag:s25], $0x2800  }
0xc0: {  	[sflag:s25] =	ssyncset.done $0x0  }
0xc1: {  	[sflag:s25] =	ssyncadd.s32 $0xFFFFD800  }
0xc2: {  	[hbm4b:s20+s3] =	stream.linear.scatter [tilespmem:s30], [sflag:$0x3], $0x2800, $0x38;
	[tilespmem:$0x1DF00] =	vst v63  }
0xc3: {  	_ =	swait.ge [sflag:s28], $0x2800  }
0xc4: {  	[sflag:s28] =	ssyncset.done $0x0  }
0xc5: {  	[sflag:s28] =	ssyncadd.s32 $0xFFFFD800  }
0xc6: {  	[tilespmem:s24], [sflag:$0x4] =	stream.linear.gather [spmem:s11], $0x2800, $0x38;
	[tilespmem:$0x1DF00] =	vst v63  }
0xc7: {  	_ =	swait.ge [sflag:s25], $0x2800  }
0xc8: {  	[sflag:s25] =	ssyncset.done $0x0  }
0xc9: {  	[sflag:s25] =	ssyncadd.s32 $0xFFFFD800  }
0xca: {  	[hbm4b:s21+s3] =	stream.linear.scatter [tilespmem:s24], [sflag:$0x3], $0x2800, $0x38;
	[tilespmem:$0x1DF00] =	vst v63  }
0xcb: {  	_ =	swait.ge [sflag:s28], $0x2800  }
0xcc: {  	[sflag:s28] =	ssyncset.done $0x0  }
0xcd: {  	[sflag:s28] =	ssyncadd.s32 $0xFFFFD800  }
0xce: {  	[tilespmem:s30], [sflag:$0x4] =	stream.linear.gather [spmem:s12], $0x2800, $0x38;
	[tilespmem:$0x1DF00] =	vst v63  }
0xcf: {  	_ =	swait.ge [sflag:s25], $0x2800  }
0xd0: {  	[sflag:s25] =	ssyncset.done $0x0  }
0xd1: {  	s26 =	sadd.s32 $0x1, s26;
	[sflag:s25] =	ssyncadd.s32 $0xFFFFD800  }
0xd2: {  	[hbm4b:s22+s3] =	stream.linear.scatter [tilespmem:s30], [sflag:$0x3], $0x2800, $0x38;
	[tilespmem:$0x1DF00] =	vst v63  }
0xd3: {  	p0 =	sne.s32 s26, s23;
	_ =	swait.ge [sflag:s28], $0x2800  }
.Ltmp2:
0xd4: {  	[sflag:s28] =	ssyncset.done $0x0;
	(pc) =	sbr.rel @p0 .LBB2_1-.Ltmp2, $4  }
0xd5: {  	[sflag:s28] =	ssyncadd.s32 $0xFFFFD800  }
0xd6: {  	_ =	swait.ge [sflag:s28], $0x2800  }
0xd7: {  	[sflag:s28] =	ssyncset.done $0x0  }
0xd8: {  	[sflag:s28] =	ssyncadd.s32 $0xFFFFD800  }
0xd9: {  	_ =	sfence.sel $0x180000  }
0xda: {  	[bflag:$0x0] =	sbarrier.arrive $0xFFFF  }
0xdb: {  	_ =	strace $0x9000004D  }
0xdc: {  	s0 =	stileid.u32;
	[bflag:$0x2] =	sbarrier.arrive $0xFFFF  }
0xdd: {  	p0 =	sne.s32 s0, $0x0;
	s0 =	rddreg [dreg:$0x2]  }
0xde: {  	s0 =	sadd.s32 @!p0 $0x100000, s0  }
0xdf: {  	[sflag:s0] =	ssyncadd.tile.s32 @!p0 $0x1;
	_ =	shalt  }
.Lfunc_end2:
_tile_overlayer_lowered:
.L_overlay_start_2:
0xe0: {  	(tag) =	ssettag $0x2  }
0xe1: {  	s0 =	rddreg [dreg:$0x0];
	s2 =	stileid.u32  }
0xe2: {  	s1 =	rddreg [dreg:$0x1];
	p0 =	sne.s32 s2, $0x0  }
0xe3: {  	s3 =	rddreg [dreg:$0x2];
	[bflag:$0x3] =	sbarrier.arrive $0xFFFF;
	s2 =	simm.s32 @!p0 $0x1C04  }
0xe4: {  	[timem:s3], [sflag:s2] =	dma.local @!p0 [hbm:s0], s1  }
0xe5: {  	s0 =	simm.s32 @!p0 $0x4  }
0xe6: {  	_ =	swait.ge @!p0 [sflag:s0], s1  }
0xe7: {  	s1 =	ssub.s32 @!p0 $0x0, s1;
	[sflag:s0] =	ssyncset.done @!p0 $0x0  }
0xe8: {  	[sflag:s0] =	ssyncadd.s32 @!p0 s1  }
0xe9: {  	[bflag:$0x3] =	sbarrier.arrive $0xFFFF  }
0xea: {  	_ =	shalt  }

// kernel: kernel.8.cloned.1.call-start
scs
__scs_entry_jumppad:
0x0: {  	(pc) =	sbr.rel $0x88, $3  }
0x1: {  	(tag) =	ssettag $0x0;
	lr =	simm.s32 $0x1  }
0x2: {  	[smem:$0x3F99] =	sst lr;
	_ =	strace $0xD0000000  }
0x3: {  	_ = 	snop  }
0x4: {  	_ = 	snop  }
0x5: {  	_ = 	snop  }
0x6: {  	_ = 	snop  }
0x7: {  	_ = 	snop  }
__scs_overlays_trampoline_lowered:
0x8: {  	[smem:$0x3FA8] =	sst s0  }
0x9: {  	[smem:$0x3FA9] =	sst s1  }
0xa: {  	[smem:$0x3FAA] =	sst s2  }
0xb: {  	[smem:$0x3FAB] =	sst s3  }
0xc: {  	[smem:$0x3FAC] =	sst s4  }
0xd: {  	[smem:$0x3FAD] =	sst s5  }
0xe: {  	[smem:$0x3FAE] =	sst s6  }
0xf: {  	[smem:$0x3FAF] =	sst s7  }
0x10: {  	[smem:$0x3FB0] =	sst s8  }
0x11: {  	[smem:$0x3FB1] =	sst s9;
	s0 =	simm.s32 @!p0 $0x0  }
0x12: {  	s1 =	sld [smem:$0x3F97];
	s0 =	simm.s32 @p0 $0x1  }
0x13: {  	[smem:$0x3FB2] =	sst s0;
	s0 =	simm.s32 @!p1 $0x0  }
0x14: {  	s2 =	sld [smem:$0x3F96];
	s0 =	simm.s32 @p1 $0x1  }
0x15: {  	[smem:$0x3FB3] =	sst s0;
	s0 =	simm.s32 @!p2 $0x0  }
0x16: {  	s3 =	sld [smem:$0x3FDB];
	s0 =	simm.s32 @p2 $0x1  }
0x17: {  	s4 =	simm.s32 $0x1BF5;
	[smem:$0x3FB5] =	sst s0  }
0x18: {  	s0 =	sld [smem:$0x3F98];
	_ =	swait.ge [sflag:s4], $0x0  }
0x19: {  	s7 =	sld [smem:$0x3F99]  }
0x1a: {  	s8 =	sadd.s32 $0xFFFFE003, lr  }
0x1b: {  	s9 =	sadd.s32 $0xFFFFFEF7, lr;
	s5 =	simm.s32 $0xFFFFFFFF;
	p2 =	slt.u32 s8, $0xFFFFF086  }
0x1c: {  	p1 =	slt.u32 s9, $0xF7A;
	s5 =	simm.s32 @!p2 $0x0  }
0x1d: {  	s5 =	simm.s32 @p1 $0x1;
	p0 =	seq.s32 s7, s2  }
0x1e: {  	s7 =	smul.u32 @!p0 $0xF7A, s2;
	p2 =	seq.s32 @!p0 s5, $0x0  }
0x1f: {  	s9 =	smul.u32 $0xF7A, s1;
	s8 =	simm.s32 @!p0 $0x1BF5;
	p2 =	por !p2, p0  }
0x20: {  	[sflag:s8] =	ssyncset.s32 @!p0 $0xFFFFF086;
	s6 =	sadd.s32 @!p0 s3, s7;
	s7 =	simm.s32 @!p0 $0x108  }
0x21: {  	s3 =	sadd.s32 s3, s9;
	s6 =	sadd.s32 @!p0 $0x88, s6;
	s7 =	simm.s32 @p2 $0x1082  }
0x22: {  	[simem:s7], [sflag:s8] =	dma.local @!p0 [hbm:s6], $0xF7A  }
0x23: {  	s9 =	sor.u32 $0xD0000000, s2;
	s6 =	simm.s32 $0x108;
	_ =	swait.ge @!p0 [sflag:s8], $0x0  }
0x24: {  	s3 =	sadd.s32 $0x88, s3;
	s6 =	simm.s32 @!p1 $0x1082;
	[sflag:s4] =	ssyncset.s32 $0xFFFFF086  }
0x25: {  	[simem:s6], [sflag:s4] =	dma.local [hbm:s3], $0xF7A  }
0x26: {  	[smem:$0x3F99] =	sst s1;
	(tag) =	ssettag s2;
	_ =	strace s9  }
0x27: {  	s1 =	sld [smem:$0x3FA9]  }
0x28: {  	s2 =	sld [smem:$0x3FAA]  }
0x29: {  	s4 =	sld [smem:$0x3FAC]  }
0x2a: {  	p0 =	seq.s32 s5, $0x0;
	s5 =	sld [smem:$0x3FAD]  }
0x2b: {  	s6 =	sld [smem:$0x3FAE]  }
0x2c: {  	s7 =	sld [smem:$0x3FAF]  }
0x2d: {  	s3 =	simm.s32 $0x108;
	s8 =	sld [smem:$0x3FB0]  }
0x2e: {  	s3 =	simm.s32 @!p0 $0x1082;
	s9 =	sld [smem:$0x3FB1]  }
0x2f: {  	lr =	sadd.s32 s0, s3;
	s0 =	sld [smem:$0x3FA8]  }
0x30: {  	s3 =	sld [smem:$0x3FAB]  }
0x31: {  	[smem:$0x3FB4] =	sst s10  }
0x32: {  	s10 =	sld [smem:$0x3FB2];
	_ =	sdelay $0x3  }
0x33: {  	p0 =	seq.s32 s10, $0x1;
	s10 =	sld [smem:$0x3FB4];
	_ =	sdelay $0x3  }
0x34: {  	[smem:$0x3FB4] =	sst s10  }
0x35: {  	s10 =	sld [smem:$0x3FB3];
	_ =	sdelay $0x3  }
0x36: {  	p1 =	seq.s32 s10, $0x1;
	s10 =	sld [smem:$0x3FB4];
	_ =	sdelay $0x3  }
0x37: {  	[smem:$0x3FB4] =	sst s10  }
0x38: {  	s10 =	sld [smem:$0x3FB5]  }
0x39: {  	_ = 	snop;
	(pc) =	sbr.ind lr, $3  }
0x3a: {  	_ = 	snop  }
0x3b: {  	_ = 	snop  }
0x3c: {  	p2 =	seq.s32 s10, $0x1;
	s10 =	sld [smem:$0x3FB4]  }
0x3d: {  	_ =	shalt  }
0x3e: {  	_ =	shalt  }
0x3f: {  	_ =	shalt  }
0x40: {  	_ =	shalt  }
0x41: {  	_ =	shalt  }
0x42: {  	_ =	shalt  }
0x43: {  	_ =	shalt  }
0x44: {  	_ =	shalt  }
0x45: {  	_ =	shalt  }
0x46: {  	_ =	shalt  }
0x47: {  	_ =	shalt  }
0x48: {  	_ =	shalt  }
0x49: {  	_ =	shalt  }
0x4a: {  	_ =	shalt  }
0x4b: {  	_ =	shalt  }
0x4c: {  	_ =	shalt  }
0x4d: {  	_ =	shalt  }
0x4e: {  	_ =	shalt  }
0x4f: {  	_ =	shalt  }
0x50: {  	_ =	shalt  }
0x51: {  	_ =	shalt  }
0x52: {  	_ =	shalt  }
0x53: {  	_ =	shalt  }
0x54: {  	_ =	shalt  }
0x55: {  	_ =	shalt  }
0x56: {  	_ =	shalt  }
0x57: {  	_ =	shalt  }
0x58: {  	_ =	shalt  }
0x59: {  	_ =	shalt  }
0x5a: {  	_ =	shalt  }
0x5b: {  	_ =	shalt  }
0x5c: {  	_ =	shalt  }
0x5d: {  	_ =	shalt  }
0x5e: {  	_ =	shalt  }
0x5f: {  	_ =	shalt  }
0x60: {  	_ =	shalt  }
0x61: {  	_ =	shalt  }
0x62: {  	_ =	shalt  }
0x63: {  	_ =	shalt  }
0x64: {  	_ =	shalt  }
0x65: {  	_ =	shalt  }
0x66: {  	_ =	shalt  }
0x67: {  	_ =	shalt  }
0x68: {  	_ =	shalt  }
0x69: {  	_ =	shalt  }
0x6a: {  	_ =	shalt  }
0x6b: {  	_ =	shalt  }
0x6c: {  	_ =	shalt  }
0x6d: {  	_ =	shalt  }
0x6e: {  	_ =	shalt  }
0x6f: {  	_ =	shalt  }
0x70: {  	_ =	shalt  }
0x71: {  	_ =	shalt  }
0x72: {  	_ =	shalt  }
0x73: {  	_ =	shalt  }
0x74: {  	_ =	shalt  }
0x75: {  	_ =	shalt  }
0x76: {  	_ =	shalt  }
0x77: {  	_ =	shalt  }
0x78: {  	_ =	shalt  }
0x79: {  	_ =	shalt  }
0x7a: {  	_ =	shalt  }
0x7b: {  	_ =	shalt  }
0x7c: {  	_ =	shalt  }
0x7d: {  	_ =	shalt  }
0x7e: {  	_ =	shalt  }
0x7f: {  	_ =	shalt  }
0x80: {  	_ =	shalt  }
0x81: {  	_ =	shalt  }
0x82: {  	_ =	shalt  }
0x83: {  	_ =	shalt  }
0x84: {  	_ =	shalt  }
0x85: {  	_ =	shalt  }
0x86: {  	_ =	shalt  }
0x87: {  	_ =	shalt  }
.Lfunc_end0:
.L_simem_size_0:
called_computation_lowered:
.L_overlay_start_0:
0x88: {  	s2 =	sld [smem:$0x3FD9]  }
0x89: {  	s3 =	sld [smem:$0x3FFE];
	_ =	sdelay $0x1  }
0x8a: {  	s1 =	srdreg.scid  }
0x8b: {  	s0 =	sand.u32 $0x1, s1  }
0x8c: {  	s16 =	sshll.u32 s0, $0xA;
	s2 =	sadd.s32 s3, s2  }
0x8d: {  	s2 =	sadd.s32 s2, s16  }
0x8e: {  	[smem:$0x3FC0] =	sst s2  }
0x8f: {  	_ = 	snop  }
0x90: {  	(tm) =	ssettm $0x1  }
0x91: {  	s17 =	sld [smem:$0x3FFB];
	_ =	sdelay $0x3  }
0x92: {  	_ =	strace s17  }
0x93: {  	s2 =	sld [smem:$0x3FFC];
	_ =	sdelay $0x3  }
0x94: {  	_ =	strace s2  }
0x95: {  	s2 =	sld [smem:$0x3FFD];
	_ =	sdelay $0x3  }
0x96: {  	_ =	strace s2  }
0x97: {  	_ =	strace $0x8FFFFFFF  }
0x98: {  	s18 =	sld [smem:$0x3FDB];
	_ =	sdelay $0x1  }
0x99: {  	s19 =	simm.s32 $_scs_section_size  }
0x9a: {  	s4 =	simm.s32 $_size__tile_overlayer_lowered;
	s5 =	simm.s32 $_tile_overlayer_lowered  }
0x9b: {  	s22 =	simm.s32 $0x1BFF;
	s21 =	sshll.u32 s5, $0x1;
	s2 =	sadd.s32 s19, s18  }
0x9c: {  	s6 =	simm.s32 $0x0;
	s20 =	sshll.u32 s4, $0x1;
	s4 =	sadd.s32 s21, s2  }
0x9d: {  	[timem:s6], [sflag:s22] =	dma.local [hbm:s4], s20  }
0x9e: {  	_ =	swait.ge [sflag:s22], s20  }
0x9f: {  	s3 =	ssub.s32 $0x0, s20;
	[sflag:s22] =	ssyncset.done $0x0  }
0xa0: {  	[sflag:s22] =	ssyncadd.s32 s3;
	_ =	sdelay $0x1  }
0xa1: {  	s23 =	simm.s32 $0x1B8B  }
0xa2: {  	_ =	swait.ge [sflag:s23], $0x1  }
0xa3: {  	[sflag:s23] =	ssyncset.done $0x0  }
0xa4: {  	s25 =	simm.s32 $0x1B8E;
	s24 =	sld [smem:$0x3FFE];
	[sflag:s23] =	ssyncadd.s32 $0xFFFFFFFF  }
0xa5: {  	s26 =	simm.s32 $execute0_lowered;
	[smem:$0x3FD2] =	sst s25  }
0xa6: {  	s4 =	sshll.u32 s26, $0x1;
	_ =	strace $0x80000046;
	[dreg:$0x1] =	wrdreg $0xFFFFFFFF  }
0xa7: {  	s28 =	simm.s32 $_size_execute0_lowered;
	s2 =	sadd.s32 s2, s4;
	[dreg:$0x0] =	wrdreg $0x0  }
0xa8: {  	s4 =	sshll.u32 s28, $0x1;
	[dreg:$0x2] =	wrdreg s2  }
0xa9: {  	[dreg:$0x3] =	wrdreg s4  }
0xaa: {  	[dreg:$0x4] =	wrdreg $0xC0  }
0xab: {  	_ =	task [dreg:s6], $0x5FFFF  }
0xac: {  	[dreg:$0x1] =	wrdreg $0xFFFFFFFF  }
0xad: {  	[dreg:$0x0] =	wrdreg $0x60  }
0xae: {  	[dreg:$0x2] =	wrdreg s24  }
0xaf: {  	[dreg:$0x3] =	wrdreg $0x77800  }
0xb0: {  	[dreg:$0x4] =	wrdreg $0x9  }
0xb1: {  	_ =	task.clear_ibuf [dreg:s6], $0x5FFFF;
	_ =	strace $0x90000046  }
0xb2: {  	s29 =	simm.s32 $0x9;
	_ =	strace $0x80000048  }
0xb3: {  	_ =	swait.ge [sflag:s29], $0x1  }
0xb4: {  	[sflag:s29] =	ssyncadd.s32 $0xFFFFFFFF  }
0xb5: {  	_ =	strace $0x90000048  }
0xb6: {  	_ =	sfence  }
0xb7: {  	s30 =	sld [smem:$0x0];
	_ =	sdelay $0x2  }
0xb8: {  	s31 =	sshll.u32 s1, $0xD;
	s1 =	sshrl.u32 s1, $0x2  }
0xb9: {  	s3 =	sand.u32 $0x4000, s31;
	s1 =	sadd.s32 s1, s30  }
0xba: {  	s0 =	sor.u32 s3, s0;
	s1 =	sshll.u32 s1, $0x11  }
0xbb: {  	s0 =	sor.u32 s1, s0  }
0xbc: {  	s0 =	sadd.s32 $0x8F2B, s0  }
0xbd: {  	[sflag:s0] =	ssyncadd.remote.s32 $0x1  }
0xbe: {  	_ =	sfence.sel $0xFFFF  }
0xbf: {  	[dreg:$0x0] =	wrdreg $0xFFFFFFFF;
	(pc) =	sbr.abs _section_cstart, $3  }
0xc0: {  	[dreg:$0x1] =	wrdreg $0xFFFFFFFF  }
0xc1: {  	_ =	task.clear_ibuf [dreg:s6], $0x2FFFF;
	_ =	strace $0x9FFFFFFF  }
0xc2: {  	(tm) =	ssettm $0x7FFFFFFF  }
0xc3: {  	_ =	shalt  }
tec
execute0_lowered:
.L_overlay_start_1:
0x0: {  	(tag) =	ssettag $0x1  }
0x1: {  	s0 =	srdreg.scid;
	s4 =	rddreg [dreg:$0x0]  }
0x2: {  	s2 =	rddreg [dreg:$0x1];
	s3 =	simm.s32 $0x0;
	s25 =	simm.s32 $0x50  }
0x3: {  	s26 =	simm.s32 $0x2780;
	s9 =	sand.u32 $0x1, s0;
	s0 =	stileid.u32  }
0x4: {  	s28 =	simm.s32 $0x0;
	[smem:$0x7FF] =	sst s3;
	s6 =	smul.u32 $0x50000, s0  }
0x5: {  	s20 =	sadd.s32 $0x15E00, s4;
	s1 =	sshll.u32 s9, $0x4;
	s12 =	smul.u32 $0x14000, s0  }
0x6: {  	s29 =	ssub.s32 $0x2, s9;
	s22 =	smul.u32 $0x140000, s9;
	s5 =	sor.u32 s0, s1  }
0x7: {  	s1 =	rddreg [dreg:$0x2];
	_ =	strace $0x80000047;
	s30 =	sshrl.u32 s29, $0x1  }
0x8: {  	s5 =	smul.u32 $0x4E2, s5;
	s6 =	sshrl.u32 s6, $0x2;
	s14 =	sor.u32 $0x2800, s12  }
0x9: {  	s21 =	ssub.s32 s29, s30;
	s15 =	sadd.s32 $0x5000, s12;
	s16 =	sadd.s32 $0x7800, s12  }
0xa: {  	s17 =	sadd.s32 $0xA000, s12;
	s18 =	sadd.s32 $0xC800, s12;
	s19 =	sadd.s32 $0xF000, s12  }
0xb: {  	s23 =	sadd.s32 $0x11800, s12;
	s24 =	sadd.s32 s12, s22;
	s7 =	sadd.s32 s16, s2  }
0xc: {  	s8 =	sadd.s32 s17, s2;
	s9 =	sadd.s32 s18, s2;
	s10 =	sadd.s32 s19, s2  }
0xd: {  	s11 =	sadd.s32 s23, s2;
	s31 =	sshrl.u32 s24, $0x3;
	s16 =	sadd.s32 s22, s16  }
0xe: {  	s17 =	sadd.s32 s22, s17;
	s18 =	sadd.s32 s22, s18;
	s19 =	sadd.s32 s22, s19  }
0xf: {  	s21 =	smax.u32 s21, $0x1;
	s24 =	simm.s32 $0x1;
	s13 =	sadd.s32 s5, s4  }
0x10: {  	s4 =	sadd.s32 s6, s2;
	s5 =	sadd.s32 s14, s2;
	s6 =	sadd.s32 s15, s2  }
0x11: {  	s14 =	sadd.s32 s22, s14;
	s15 =	sadd.s32 s22, s15;
	s16 =	sshrl.u32 s16, $0x3  }
0x12: {  	s17 =	sshrl.u32 s17, $0x3;
	s18 =	sshrl.u32 s18, $0x3;
	s22 =	sadd.s32 s22, s23  }
0x13: {  	s19 =	sshrl.u32 s19, $0x3;
	s23 =	simm.s32 $0x2;
	s12 =	sadd.s32 $0xC000, s13  }
0x14: {  	s14 =	sshrl.u32 s14, $0x3;
	s13 =	sadd.s32 s20, s31;
	s15 =	sshrl.u32 s15, $0x3  }
0x15: {  	s16 =	sadd.s32 s20, s16;
	s17 =	sadd.s32 s20, s17;
	s18 =	sadd.s32 s20, s18  }
0x16: {  	s22 =	sshrl.u32 s22, $0x3;
	s19 =	sadd.s32 s20, s19;
	s14 =	sadd.s32 s20, s14  }
0x17: {  	v0 =	vimm.f32 $0.0e+00;
	v1 =	vimm.f32 $1.000000000e+00;
	s15 =	sadd.s32 s20, s15;
	s20 =	sadd.s32 s20, s22;
	s22 =	simm.s32 $0x4F80  }
.LBB2_1:
0x18: {  	s29 =	simm.s32 $0x0;
	s30 =	simm.s32 $0x200  }
.LBB2_2:
0x19: {  	p0 =	sne.s32 s30, $0x9E00;
	[tilespmem:s29+$0x4FF0] =	vst v0  }
0x1a: {  	[tilespmem:s29+$0x4F80] =	vst v0  }
0x1b: {  	[tilespmem:s29+$0x4F90] =	vst v0  }
.Ltmp0:
0x1c: {  	[tilespmem:s29+$0x4FA0] =	vst v0;
	(pc) =	sbr.rel @p0 .LBB2_2-.Ltmp0, $4  }
0x1d: {  	[tilespmem:s29+$0x4FB0] =	vst v0  }
0x1e: {  	[tilespmem:s29+$0x4FC0] =	vst v0  }
0x1f: {  	[tilespmem:s29+$0x4FD0] =	vst v0  }
0x20: {  	[tilespmem:s29+$0x4FE0] =	vst v0;
	s29 =	sshra.s32 s30, $0x2;
	s30 =	sadd.s32 $0x200, s30  }
0x21: {  	[tilespmem:s29+$0x4FF0] =	vst v0  }
0x22: {  	[tilespmem:s29+$0x4F80] =	vst v0  }
0x23: {  	[tilespmem:s29+$0x4F90] =	vst v0  }
0x24: {  	[tilespmem:s29+$0x4FA0] =	vst v0  }
0x25: {  	[tilespmem:s29+$0x4FB0] =	vst v0  }
0x26: {  	[tilespmem:s29+$0x4FC0] =	vst v0  }
0x27: {  	[tilespmem:s29+$0x4FD0] =	vst v0  }
0x28: {  	[tilespmem:s29+$0x4FE0] =	vst v0  }
0x29: {  	[spmem:s4] =	stream.linear.scatter [tilespmem:s22], [sflag:$0x1], $0x2800, $0x38;
	[tilespmem:$0x1B780] =	vst v63  }
0x2a: {  	_ = 	snop  }
0x2b: {  	[spmem:s5] =	stream.linear.scatter [tilespmem:s22], [sflag:$0x1], $0x2800, $0x38;
	[tilespmem:$0x1B780] =	vst v63  }
0x2c: {  	_ = 	snop  }
0x2d: {  	[spmem:s6] =	stream.linear.scatter [tilespmem:s22], [sflag:$0x1], $0x2800, $0x38;
	[tilespmem:$0x1B780] =	vst v63  }
0x2e: {  	_ = 	snop  }
0x2f: {  	[spmem:s7] =	stream.linear.scatter [tilespmem:s22], [sflag:$0x1], $0x2800, $0x38;
	[tilespmem:$0x1B780] =	vst v63  }
0x30: {  	_ = 	snop  }
0x31: {  	[spmem:s8] =	stream.linear.scatter [tilespmem:s22], [sflag:$0x1], $0x2800, $0x38;
	[tilespmem:$0x1B780] =	vst v63  }
0x32: {  	_ = 	snop  }
0x33: {  	[spmem:s9] =	stream.linear.scatter [tilespmem:s22], [sflag:$0x1], $0x2800, $0x38;
	[tilespmem:$0x1B780] =	vst v63  }
0x34: {  	_ = 	snop  }
0x35: {  	[spmem:s10] =	stream.linear.scatter [tilespmem:s22], [sflag:$0x1], $0x2800, $0x38;
	[tilespmem:$0x1B780] =	vst v63  }
0x36: {  	s29 =	simm.s32 $0x0;
	s30 =	simm.s32 $0x200  }
0x37: {  	[spmem:s11] =	stream.linear.scatter [tilespmem:s22], [sflag:$0x1], $0x2800, $0x38;
	[tilespmem:$0x1B780] =	vst v63  }
.LBB2_4:
0x38: {  	p0 =	sne.s32 s30, $0x9E00;
	[tilespmem:s29+$0x27F0] =	vst v1  }
0x39: {  	[tilespmem:s29+$0x2780] =	vst v1  }
0x3a: {  	[tilespmem:s29+$0x2790] =	vst v1  }
.Ltmp1:
0x3b: {  	[tilespmem:s29+$0x27A0] =	vst v1;
	(pc) =	sbr.rel @p0 .LBB2_4-.Ltmp1, $4  }
0x3c: {  	[tilespmem:s29+$0x27B0] =	vst v1  }
0x3d: {  	[tilespmem:s29+$0x27C0] =	vst v1  }
0x3e: {  	[tilespmem:s29+$0x27D0] =	vst v1  }
0x3f: {  	[tilespmem:s29+$0x27E0] =	vst v1;
	s29 =	sshra.s32 s30, $0x2;
	s30 =	sadd.s32 $0x200, s30  }
0x40: {  	[tilespmem:s29+$0x27F0] =	vst v1  }
0x41: {  	[tilespmem:s29+$0x2780] =	vst v1  }
0x42: {  	[tilespmem:s29+$0x2790] =	vst v1  }
0x43: {  	[tilespmem:s29+$0x27A0] =	vst v1  }
0x44: {  	[tilespmem:s29+$0x27B0] =	vst v1  }
0x45: {  	[tilespmem:s29+$0x27C0] =	vst v1  }
0x46: {  	[tilespmem:s29+$0x27D0] =	vst v1  }
0x47: {  	[tilespmem:s29+$0x27E0] =	vst v1;
	s29 =	simm.s32 $0x0  }
0x48: {  	[tilespmem:s29], [sflag:$0x2] =	stream.linear.gather [hbm4b:s12+s29], $0x2710, $0x38;
	[tilespmem:$0x1B780] =	vst v63  }
0x49: {  	_ =	swait.ge [sflag:s23], $0x2710  }
0x4a: {  	[sflag:s23] =	ssyncset.done $0x0  }
0x4b: {  	[sflag:s23] =	ssyncadd.s32 $0xFFFFD8F0  }
0x4c: {  	_ =	swait.ge [sflag:s24], $0x2800  }
0x4d: {  	[sflag:s24] =	ssyncset.done $0x0  }
0x4e: {  	[sflag:s24] =	ssyncadd.s32 $0xFFFFD800  }
0x4f: {  	_ =	swait.ge [sflag:s24], $0x2800  }
0x50: {  	[sflag:s24] =	ssyncset.done $0x0  }
0x51: {  	[sflag:s24] =	ssyncadd.s32 $0xFFFFD800  }
0x52: {  	_ =	swait.ge [sflag:s24], $0x2800  }
0x53: {  	[sflag:s24] =	ssyncset.done $0x0  }
0x54: {  	[sflag:s24] =	ssyncadd.s32 $0xFFFFD800  }
0x55: {  	_ =	swait.ge [sflag:s24], $0x2800  }
0x56: {  	[sflag:s24] =	ssyncset.done $0x0  }
0x57: {  	[sflag:s24] =	ssyncadd.s32 $0xFFFFD800  }
0x58: {  	_ =	swait.ge [sflag:s24], $0x2800  }
0x59: {  	[sflag:s24] =	ssyncset.done $0x0  }
0x5a: {  	[sflag:s24] =	ssyncadd.s32 $0xFFFFD800  }
0x5b: {  	_ =	swait.ge [sflag:s24], $0x2800  }
0x5c: {  	[sflag:s24] =	ssyncset.done $0x0  }
0x5d: {  	[sflag:s24] =	ssyncadd.s32 $0xFFFFD800  }
0x5e: {  	_ =	swait.ge [sflag:s24], $0x2800  }
0x5f: {  	[sflag:s24] =	ssyncset.done $0x0  }
0x60: {  	[sflag:s24] =	ssyncadd.s32 $0xFFFFD800  }
0x61: {  	_ =	swait.ge [sflag:s24], $0x2800  }
0x62: {  	[sflag:s24] =	ssyncset.done $0x0  }
0x63: {  	[sflag:s24] =	ssyncadd.s32 $0xFFFFD800  }
0x64: {  	s29 =	simm.s32 $0x0;
	[bflag:$0x0] =	sbarrier.arrive $0xFFFF  }
0x65: {  	[spmem:s2] =	stream.indirect.scatter.add.f32 [tilespmem:s26], [sflag:$0x2], $0x80, s29, s25, $0xb8;
	[tilespmem:$0x1B780] =	vst v63  }
0x66: {  	_ =	swait.ge [sflag:s23], $0x2800  }
0x67: {  	s29 =	simm.s32 $0x140;
	[sflag:s23] =	ssyncset.done $0x0  }
.LBB2_6:
0x68: {  	s30 =	sshra.s32 s29, $0x2;
	[sflag:s23] =	ssyncadd.s32 $0xFFFFD800;
	p0 =	sne.s32 s29, $0x9B00  }
0x69: {  	[spmem:s2] =	stream.indirect.scatter.add.f32 [tilespmem:s26], [sflag:$0x2], $0x80, s30, s25, $0xb8;
	[tilespmem:$0x1B780] =	vst v63  }
.Ltmp2:
0x6a: {  	_ = 	snop;
	(pc) =	sbr.rel @p0 .LBB2_6-.Ltmp2, $4  }
0x6b: {  	_ = 	snop  }
0x6c: {  	s29 =	sadd.s32 $0x140, s29  }
0x6d: {  	_ =	swait.ge [sflag:s23], $0x2800  }
0x6e: {  	[sflag:s23] =	ssyncset.done $0x0  }
0x6f: {  	[sflag:s23] =	ssyncadd.s32 $0xFFFFD800  }
0x70: {  	[bflag:$0x0] =	sbarrier.arrive $0xFFFF  }
0x71: {  	[tilespmem:s26], [sflag:$0x2] =	stream.linear.gather [spmem:s4], $0x2800, $0x38;
	[tilespmem:$0x1B780] =	vst v63  }
0x72: {  	_ =	swait.ge [sflag:s23], $0x2800  }
0x73: {  	[sflag:s23] =	ssyncset.done $0x0  }
0x74: {  	[sflag:s23] =	ssyncadd.s32 $0xFFFFD800  }
0x75: {  	[hbm4b:s13+s3] =	stream.linear.scatter [tilespmem:s26], [sflag:$0x1], $0x2800, $0x38;
	[tilespmem:$0x1B780] =	vst v63  }
0x76: {  	_ = 	snop  }
0x77: {  	[tilespmem:s22], [sflag:$0x2] =	stream.linear.gather [spmem:s5], $0x2800, $0x38;
	[tilespmem:$0x1B780] =	vst v63  }
0x78: {  	_ =	swait.ge [sflag:s23], $0x2800  }
0x79: {  	[sflag:s23] =	ssyncset.done $0x0  }
0x7a: {  	[sflag:s23] =	ssyncadd.s32 $0xFFFFD800  }
0x7b: {  	[hbm4b:s14+s3] =	stream.linear.scatter [tilespmem:s22], [sflag:$0x1], $0x2800, $0x38;
	[tilespmem:$0x1B780] =	vst v63  }
0x7c: {  	_ =	swait.ge [sflag:s24], $0x2800  }
0x7d: {  	[sflag:s24] =	ssyncset.done $0x0  }
0x7e: {  	[sflag:s24] =	ssyncadd.s32 $0xFFFFD800  }
0x7f: {  	[tilespmem:s26], [sflag:$0x2] =	stream.linear.gather [spmem:s6], $0x2800, $0x38;
	[tilespmem:$0x1B780] =	vst v63  }
0x80: {  	_ =	swait.ge [sflag:s23], $0x2800  }
0x81: {  	[sflag:s23] =	ssyncset.done $0x0  }
0x82: {  	[sflag:s23] =	ssyncadd.s32 $0xFFFFD800  }
0x83: {  	[hbm4b:s15+s3] =	stream.linear.scatter [tilespmem:s26], [sflag:$0x1], $0x2800, $0x38;
	[tilespmem:$0x1B780] =	vst v63  }
0x84: {  	_ =	swait.ge [sflag:s24], $0x2800  }
0x85: {  	[sflag:s24] =	ssyncset.done $0x0  }
0x86: {  	[sflag:s24] =	ssyncadd.s32 $0xFFFFD800  }
0x87: {  	[tilespmem:s22], [sflag:$0x2] =	stream.linear.gather [spmem:s7], $0x2800, $0x38;
	[tilespmem:$0x1B780] =	vst v63  }
0x88: {  	_ =	swait.ge [sflag:s23], $0x2800  }
0x89: {  	[sflag:s23] =	ssyncset.done $0x0  }
0x8a: {  	[sflag:s23] =	ssyncadd.s32 $0xFFFFD800  }
0x8b: {  	[hbm4b:s16+s3] =	stream.linear.scatter [tilespmem:s22], [sflag:$0x1], $0x2800, $0x38;
	[tilespmem:$0x1B780] =	vst v63  }
0x8c: {  	_ =	swait.ge [sflag:s24], $0x2800  }
0x8d: {  	[sflag:s24] =	ssyncset.done $0x0  }
0x8e: {  	[sflag:s24] =	ssyncadd.s32 $0xFFFFD800  }
0x8f: {  	[tilespmem:s26], [sflag:$0x2] =	stream.linear.gather [spmem:s8], $0x2800, $0x38;
	[tilespmem:$0x1B780] =	vst v63  }
0x90: {  	_ =	swait.ge [sflag:s23], $0x2800  }
0x91: {  	[sflag:s23] =	ssyncset.done $0x0  }
0x92: {  	[sflag:s23] =	ssyncadd.s32 $0xFFFFD800  }
0x93: {  	[hbm4b:s17+s3] =	stream.linear.scatter [tilespmem:s26], [sflag:$0x1], $0x2800, $0x38;
	[tilespmem:$0x1B780] =	vst v63  }
0x94: {  	_ =	swait.ge [sflag:s24], $0x2800  }
0x95: {  	[sflag:s24] =	ssyncset.done $0x0  }
0x96: {  	[sflag:s24] =	ssyncadd.s32 $0xFFFFD800  }
0x97: {  	[tilespmem:s22], [sflag:$0x2] =	stream.linear.gather [spmem:s9], $0x2800, $0x38;
	[tilespmem:$0x1B780] =	vst v63  }
0x98: {  	_ =	swait.ge [sflag:s23], $0x2800  }
0x99: {  	[sflag:s23] =	ssyncset.done $0x0  }
0x9a: {  	[sflag:s23] =	ssyncadd.s32 $0xFFFFD800  }
0x9b: {  	[hbm4b:s18+s3] =	stream.linear.scatter [tilespmem:s22], [sflag:$0x1], $0x2800, $0x38;
	[tilespmem:$0x1B780] =	vst v63  }
0x9c: {  	_ =	swait.ge [sflag:s24], $0x2800  }
0x9d: {  	[sflag:s24] =	ssyncset.done $0x0  }
0x9e: {  	[sflag:s24] =	ssyncadd.s32 $0xFFFFD800  }
0x9f: {  	[tilespmem:s26], [sflag:$0x2] =	stream.linear.gather [spmem:s10], $0x2800, $0x38;
	[tilespmem:$0x1B780] =	vst v63  }
0xa0: {  	_ =	swait.ge [sflag:s23], $0x2800  }
0xa1: {  	[sflag:s23] =	ssyncset.done $0x0  }
0xa2: {  	[sflag:s23] =	ssyncadd.s32 $0xFFFFD800  }
0xa3: {  	[hbm4b:s19+s3] =	stream.linear.scatter [tilespmem:s26], [sflag:$0x1], $0x2800, $0x38;
	[tilespmem:$0x1B780] =	vst v63  }
0xa4: {  	_ =	swait.ge [sflag:s24], $0x2800  }
0xa5: {  	[sflag:s24] =	ssyncset.done $0x0  }
0xa6: {  	[sflag:s24] =	ssyncadd.s32 $0xFFFFD800  }
0xa7: {  	[tilespmem:s22], [sflag:$0x2] =	stream.linear.gather [spmem:s11], $0x2800, $0x38;
	[tilespmem:$0x1B780] =	vst v63  }
0xa8: {  	_ =	swait.ge [sflag:s23], $0x2800  }
0xa9: {  	[sflag:s23] =	ssyncset.done $0x0  }
0xaa: {  	s28 =	sadd.s32 $0x1, s28;
	[sflag:s23] =	ssyncadd.s32 $0xFFFFD800  }
0xab: {  	[hbm4b:s20+s3] =	stream.linear.scatter [tilespmem:s22], [sflag:$0x1], $0x2800, $0x38;
	[tilespmem:$0x1B780] =	vst v63  }
0xac: {  	p0 =	sne.s32 s28, s21;
	_ =	swait.ge [sflag:s24], $0x2800  }
.Ltmp3:
0xad: {  	[sflag:s24] =	ssyncset.done $0x0;
	(pc) =	sbr.rel @p0 .LBB2_1-.Ltmp3, $4  }
0xae: {  	[sflag:s24] =	ssyncadd.s32 $0xFFFFD800  }
0xaf: {  	_ =	swait.ge [sflag:s24], $0x2800  }
0xb0: {  	[sflag:s24] =	ssyncset.done $0x0  }
0xb1: {  	[sflag:s24] =	ssyncadd.s32 $0xFFFFD800  }
0xb2: {  	_ =	sfence.sel $0x180000  }
0xb3: {  	[bflag:$0x0] =	sbarrier.arrive $0xFFFF  }
0xb4: {  	p0 =	sne.s32 s0, $0x0;
	_ =	strace $0x90000047  }
0xb5: {  	s0 =	sadd.s32 @!p0 $0x100000, s1;
	[bflag:$0x2] =	sbarrier.arrive $0xFFFF  }
0xb6: {  	[sflag:s0] =	ssyncadd.tile.s32 @!p0 $0x1;
	_ =	shalt  }
.Lfunc_end2:
_tile_overlayer_lowered:
.L_overlay_start_2:
0xb7: {  	(tag) =	ssettag $0x2  }
0xb8: {  	s0 =	rddreg [dreg:$0x0];
	s2 =	stileid.u32  }
0xb9: {  	s1 =	rddreg [dreg:$0x1];
	p0 =	sne.s32 s2, $0x0  }
0xba: {  	s3 =	rddreg [dreg:$0x2];
	[bflag:$0x3] =	sbarrier.arrive $0xFFFF;
	s2 =	simm.s32 @!p0 $0x1C02  }
0xbb: {  	[timem:s3], [sflag:s2] =	dma.local @!p0 [hbm:s0], s1  }
0xbc: {  	s0 =	simm.s32 @!p0 $0x2  }
0xbd: {  	_ =	swait.ge @!p0 [sflag:s0], s1  }
0xbe: {  	s1 =	ssub.s32 @!p0 $0x0, s1;
	[sflag:s0] =	ssyncset.done @!p0 $0x0  }
0xbf: {  	[sflag:s0] =	ssyncadd.s32 @!p0 s1  }
0xc0: {  	[bflag:$0x3] =	sbarrier.arrive $0xFFFF  }
0xc1: {  	_ =	shalt  }

</sc_bundles>
